<compile_context>
chip_gen: v7x
topology: tpu7x:2x2x1
jax: 0.10.2.dev20260603
libtpu: 0.0.44.dev20260713+nightly
codegen_flags: <defaults>
</compile_context>

<pallas_src>
import functools

import jax
import jax.numpy as jnp
from jax import lax
from jax.experimental import pallas as pl
from jax.experimental.pallas import tpu as pltpu
from jax.experimental.pallas import tpu_sc as plsc

N_NODES = 10000
D_IN = 128
D_OUT = 128
N_EDGES = 320000

_N_TILES = 32
_COLS_PER_TILE = D_OUT // _N_TILES
_WORDS = N_NODES * _COLS_PER_TILE
_CHUNK = 6400
_N_CHUNKS = N_EDGES // _CHUNK
_GROUPS = _CHUNK // 16
_UNROLL = 8


def _mm_body(x_ref, w_ref, ei_ref, out_ref, pk_ref):
    out_ref[...] = lax.dot_general(
        w_ref[...], x_ref[...],
        dimension_numbers=(((0,), (1,)), ((), ())),
        preferred_element_type=jnp.float32)
    pk_ref[...] = jnp.bitwise_or(
        lax.shift_left(ei_ref[1, :], 16), ei_ref[0, :])


def _xw_transposed_and_packed(x, W, edge_index):
    return pl.pallas_call(
        _mm_body,
        out_shape=[
            jax.ShapeDtypeStruct((D_OUT, N_NODES), jnp.float32),
            jax.ShapeDtypeStruct((N_EDGES,), jnp.int32),
        ],
    )(x, W, edge_index)


def _make_sc_kernel():
    nc, ns = 2, 16
    mesh = plsc.VectorSubcoreMesh(
        core_axis_name="c", subcore_axis_name="s",
        num_cores=nc, num_subcores=ns)

    @functools.partial(
        pl.kernel,
        out_type=jax.ShapeDtypeStruct((D_OUT * N_NODES,), jnp.float32),
        mesh=mesh,
        compiler_params=pltpu.CompilerParams(needs_layout_passes=False),
        scratch_types=[
            pltpu.VMEM((_WORDS,), jnp.float32),
            pltpu.VMEM((_WORDS,), jnp.float32),
            pltpu.VMEM((_CHUNK,), jnp.int32),
            pltpu.VMEM((_CHUNK,), jnp.int32),
            pltpu.VMEM((_CHUNK,), jnp.float32),
            pltpu.VMEM((_CHUNK,), jnp.float32),
            pltpu.SemaphoreType.DMA,
            pltpu.SemaphoreType.DMA,
        ],
    )
    def sc(xwt_hbm, pk_hbm, ev_hbm, out_hbm, xw_v, acc_v,
           pk0_v, pk1_v, ev0_v, ev1_v, sem0, sem1):
        wid = lax.axis_index("s") * nc + lax.axis_index("c")
        base = wid * _WORDS
        pk_bufs, ev_bufs, sems = (pk0_v, pk1_v), (ev0_v, ev1_v), (sem0, sem1)

        def _start(c, b):
            off = c * _CHUNK
            pltpu.async_copy(pk_hbm.at[pl.ds(off, _CHUNK)], pk_bufs[b],
                             sems[b])
            pltpu.async_copy(ev_hbm.at[pl.ds(off, _CHUNK)], ev_bufs[b],
                             sems[b])

        def _wait(b):
            pltpu.make_async_copy(pk_hbm.at[pl.ds(0, _CHUNK)], pk_bufs[b],
                                  sems[b]).wait()
            pltpu.make_async_copy(ev_hbm.at[pl.ds(0, _CHUNK)], ev_bufs[b],
                                  sems[b]).wait()

        _start(0, 0)
        _start(1, 1)
        pltpu.sync_copy(xwt_hbm.at[pl.ds(base, _WORDS)], xw_v)

        zeros = jnp.zeros((16,), jnp.float32)

        def _zero(i, carry):
            for u in range(4):
                acc_v[pl.ds(i * 64 + u * 16, 16)] = zeros
            return carry
        lax.fori_loop(0, _WORDS // 64, _zero, 0)

        def _process(b):
            def _group(g, inner):
                ps, es = [], []
                for u in range(_UNROLL):
                    o = g * (16 * _UNROLL) + u * 16
                    ps.append(pk_bufs[b][pl.ds(o, 16)])
                    es.append(ev_bufs[b][pl.ds(o, 16)])
                srcs = [lax.shift_right_logical(p, 16) for p in ps]
                dsts = [jnp.bitwise_and(p, 0xFFFF) for p in ps]
                vals = [[plsc.load_gather(xw_v, [srcs[u] + (k * N_NODES)])
                         for k in range(_COLS_PER_TILE)]
                        for u in range(_UNROLL)]
                for u in range(_UNROLL):
                    for k in range(_COLS_PER_TILE):
                        plsc.addupdate_scatter(
                            acc_v, [dsts[u] + (k * N_NODES)],
                            vals[u][k] * es[u])
                return inner
            lax.fori_loop(0, _GROUPS // _UNROLL, _group, 0)

        def _chunk_pair(c2, carry):
            for b in range(2):
                c = c2 * 2 + b
                _wait(b)
                _process(b)
                _start(c + 2, b)
            return carry
        lax.fori_loop(0, (_N_CHUNKS - 2) // 2, _chunk_pair, 0)
        for b in range(2):
            _wait(b)
            _process(b)

        def _relu(i, carry):
            for u in range(4):
                sl = pl.ds(i * 64 + u * 16, 16)
                acc_v[sl] = jnp.maximum(acc_v[sl], 0.0)
            return carry
        lax.fori_loop(0, _WORDS // 64, _relu, 0)
        pltpu.sync_copy(acc_v, out_hbm.at[pl.ds(base, _WORDS)])

    return sc


@functools.cache
def _get_sc_kernel():
    return _make_sc_kernel()


def kernel(x, edge_index, edge_values, W):
    xwt, packed = _xw_transposed_and_packed(x, W, edge_index)
    outt = _get_sc_kernel()(xwt.reshape(-1), packed, edge_values)
    return outt.reshape(D_OUT, N_NODES).T

# --- scband reference (transcript-rebuilt; emitter-appended) ---
"""Pipeline reference for scband-graph-convolution-24592982737579 (READ-ONLY COPY).

The authoritative reference and input builder live on the scoring server;
editing this copy changes nothing except your own understanding.
"""

import jax, jax.numpy as jnp
import numpy as np

N_NODES = 10000
N_EDGES = 320000
D_IN = 128
D_OUT = 128


def setup_inputs(seed: int = 0) -> dict:
    key = jax.random.key(seed)
    k1, k2, k3, k4 = jax.random.split(key, 4)
    x = jax.random.normal(k1, (N_NODES, D_IN), dtype=jnp.float32)
    edge_index = jax.random.randint(k2, (2, N_EDGES), 0, N_NODES, dtype=jnp.int32)
    edge_values = jax.random.uniform(k3, (N_EDGES,), dtype=jnp.float32)
    # learned parameter: weight = nn.Parameter(torch.randn(input_dim, output_dim))
    W = jax.random.normal(k4, (D_IN, D_OUT), dtype=jnp.float32)
    return {"x": x, "edge_index": edge_index, "edge_values": edge_values, "W": W}


def reference(x, edge_index, edge_values, W):
    # GraphConvolution.forward with is_sparse_inputs=False, featureless=False,
    # bias=False, eval mode (no dropout), activation=relu.
    # xw = torch.mm(x, self.weight)
    xw = jnp.dot(x, W)
    # out = torch.sparse.mm(support, xw) where support is COO (edge_index, edge_values)
    dst = edge_index[0]
    src = edge_index[1]
    msgs = edge_values[:, None] * jnp.take(xw, src, axis=0)
    out = jax.ops.segment_sum(msgs, dst, num_segments=N_NODES)
    # return self.activation(out)  (support is passed through unchanged, omitted here)
    return jax.nn.relu(out)

if __name__ == "__main__":
    import jax
    _d = setup_inputs()
    print(jax.jit(kernel)(*tuple(_d.values())))

</pallas_src>

<mosaic_0001>
#map = affine_map<(d0, d1) -> (0)>
module attributes {stable_mosaic.version = 14 : i64} {
  func.func @sc(%arg0: i32, %arg1: i32, %arg2: memref<1280000xf32, #tpu.memory_space<hbm>>, %arg3: memref<320000xi32, #tpu.memory_space<hbm>>, %arg4: memref<320000xf32, #tpu.memory_space<hbm>>, %arg5: memref<1280000xf32, #tpu.memory_space<hbm>>, %arg6: memref<40000xf32, #tpu.memory_space<vmem>>, %arg7: memref<40000xf32, #tpu.memory_space<vmem>>, %arg8: memref<6400xi32, #tpu.memory_space<vmem>>, %arg9: memref<6400xi32, #tpu.memory_space<vmem>>, %arg10: memref<6400xf32, #tpu.memory_space<vmem>>, %arg11: memref<6400xf32, #tpu.memory_space<vmem>>, %arg12: memref<!tpu.dma_semaphore, #tpu.memory_space<semaphore_mem>>, %arg13: memref<!tpu.dma_semaphore, #tpu.memory_space<semaphore_mem>>) attributes {dimension_semantics = [#tpu.dimension_semantics<core_parallel>, #tpu.dimension_semantics<subcore_parallel>], iteration_bounds = array<i64: 2, 16>, scalar_prefetch = 0 : i64, scratch_operands = 8 : i64, tpu.core_type = #tpu.core_type<sc_vector_subcore>, window_params = [{transform_indices = #map}, {transform_indices = #map}, {transform_indices = #map}, {transform_indices = #map}]} {
    %mul3A = arith.constant 2 : i32
    %mul3A_0 = arith.muli %arg1, %mul3A : i32
    %add3A = arith.addi %mul3A_0, %arg0 : i32
    %mul3A_1 = arith.constant 40000 : i32
    %mul3A_2 = arith.muli %add3A, %mul3A_1 : i32
    %dma_start3A = arith.constant 0 : i32
    %dma_start3A_3 = tpu.memref_slice %arg3[%dma_start3A] : memref<320000xi32, #tpu.memory_space<hbm>> -> memref<6400xi32, #tpu.memory_space<hbm>>
    %dma_start3A_4 = arith.constant 0 : i32
    %dma_start3A_5 = tpu.memref_slice %arg3[%dma_start3A_4] : memref<320000xi32, #tpu.memory_space<hbm>> -> memref<6400xi32, #tpu.memory_space<hbm>>
    tpu.enqueue_dma source(%dma_start3A_5 : memref<6400xi32, #tpu.memory_space<hbm>>) target(%arg8 : memref<6400xi32, #tpu.memory_space<vmem>>) target_semaphore(%arg12 : memref<!tpu.dma_semaphore, #tpu.memory_space<semaphore_mem>>)
    %dma_start3A_6 = arith.constant 0 : i32
    %dma_start3A_7 = tpu.memref_slice %arg4[%dma_start3A_6] : memref<320000xf32, #tpu.memory_space<hbm>> -> memref<6400xf32, #tpu.memory_space<hbm>>
    %dma_start3A_8 = arith.constant 0 : i32
    %dma_start3A_9 = tpu.memref_slice %arg4[%dma_start3A_8] : memref<320000xf32, #tpu.memory_space<hbm>> -> memref<6400xf32, #tpu.memory_space<hbm>>
    tpu.enqueue_dma source(%dma_start3A_9 : memref<6400xf32, #tpu.memory_space<hbm>>) target(%arg10 : memref<6400xf32, #tpu.memory_space<vmem>>) target_semaphore(%arg12 : memref<!tpu.dma_semaphore, #tpu.memory_space<semaphore_mem>>)
    %dma_start3A_10 = arith.constant 6400 : i32
    %dma_start3A_11 = tpu.memref_slice %arg3[%dma_start3A_10] : memref<320000xi32, #tpu.memory_space<hbm>> -> memref<6400xi32, #tpu.memory_space<hbm>>
    %dma_start3A_12 = arith.constant 6400 : i32
    %dma_start3A_13 = tpu.memref_slice %arg3[%dma_start3A_12] : memref<320000xi32, #tpu.memory_space<hbm>> -> memref<6400xi32, #tpu.memory_space<hbm>>
    tpu.enqueue_dma source(%dma_start3A_13 : memref<6400xi32, #tpu.memory_space<hbm>>) target(%arg9 : memref<6400xi32, #tpu.memory_space<vmem>>) target_semaphore(%arg13 : memref<!tpu.dma_semaphore, #tpu.memory_space<semaphore_mem>>)
    %dma_start3A_14 = arith.constant 6400 : i32
    %dma_start3A_15 = tpu.memref_slice %arg4[%dma_start3A_14] : memref<320000xf32, #tpu.memory_space<hbm>> -> memref<6400xf32, #tpu.memory_space<hbm>>
    %dma_start3A_16 = arith.constant 6400 : i32
    %dma_start3A_17 = tpu.memref_slice %arg4[%dma_start3A_16] : memref<320000xf32, #tpu.memory_space<hbm>> -> memref<6400xf32, #tpu.memory_space<hbm>>
    tpu.enqueue_dma source(%dma_start3A_17 : memref<6400xf32, #tpu.memory_space<hbm>>) target(%arg11 : memref<6400xf32, #tpu.memory_space<vmem>>) target_semaphore(%arg13 : memref<!tpu.dma_semaphore, #tpu.memory_space<semaphore_mem>>)
    "tpu.region"() ({
      %run_scoped3A = tpu.sem_alloc : memref<!tpu.dma_semaphore, #tpu.memory_space<semaphore_mem>>
      %dma_start3A_63 = tpu.memref_slice %arg2[%mul3A_2] : memref<1280000xf32, #tpu.memory_space<hbm>> -> memref<40000xf32, #tpu.memory_space<hbm>>
      %dma_start3A_64 = tpu.memref_slice %arg2[%mul3A_2] : memref<1280000xf32, #tpu.memory_space<hbm>> -> memref<40000xf32, #tpu.memory_space<hbm>>
      tpu.enqueue_dma source(%dma_start3A_64 : memref<40000xf32, #tpu.memory_space<hbm>>) target(%arg6 : memref<40000xf32, #tpu.memory_space<vmem>>) target_semaphore(%run_scoped3A : memref<!tpu.dma_semaphore, #tpu.memory_space<semaphore_mem>>)
      %dma_wait3A_65 = tpu.memref_slice %arg2[%mul3A_2] : memref<1280000xf32, #tpu.memory_space<hbm>> -> memref<40000xf32, #tpu.memory_space<hbm>>
      %dma_wait3A_66 = tpu.memref_slice %arg2[%mul3A_2] : memref<1280000xf32, #tpu.memory_space<hbm>> -> memref<40000xf32, #tpu.memory_space<hbm>>
      tpu.wait_dma2 semaphore(%run_scoped3A : memref<!tpu.dma_semaphore, #tpu.memory_space<semaphore_mem>>) src(%dma_wait3A_66 : memref<40000xf32, #tpu.memory_space<hbm>>) dst(%arg6 : memref<40000xf32, #tpu.memory_space<vmem>>)
      tpu.yield
    }) : () -> ()
    %broadcast_in_dim3A = arith.constant 0.000000e+00 : f32
    %broadcast_in_dim3A_18 = vector.broadcast %broadcast_in_dim3A : f32 to vector<16xf32>
    %scan3A = arith.constant 0 : i32
    %scan3A_19 = arith.constant 0 : i32
    %scan3A_20 = arith.constant 625 : i32
    %scan3A_21 = arith.addi %scan3A_19, %scan3A_20 : i32
    %scan3A_22 = arith.constant 1 : i32
    scf.for %scan3A_63 = %scan3A_19 to %scan3A_21 step %scan3A_22  : i32 {
      %mul3A_64 = arith.constant 64 : i32
      %mul3A_65 = arith.muli %scan3A_63, %mul3A_64 : i32
      %add3A_66 = arith.constant 0 : i32
      %add3A_67 = arith.addi %mul3A_65, %add3A_66 : i32
      %swap3A = arith.index_cast %add3A_67 : i32 to index
      %swap3A_68 = tpu.vector_load %arg7[%swap3A] {strides = array<i32>} : memref<40000xf32, #tpu.memory_space<vmem>>, vector<16xf32>,
      tpu.vector_store %arg7[%swap3A], %broadcast_in_dim3A_18 {strides = array<i32>} : memref<40000xf32, #tpu.memory_space<vmem>>, vector<16xf32>,
      %mul3A_69 = arith.constant 64 : i32
      %mul3A_70 = arith.muli %scan3A_63, %mul3A_69 : i32
      %add3A_71 = arith.constant 16 : i32
      %add3A_72 = arith.addi %mul3A_70, %add3A_71 : i32
      %swap3A_73 = arith.index_cast %add3A_72 : i32 to index
      %swap3A_74 = tpu.vector_load %arg7[%swap3A_73] {strides = array<i32>} : memref<40000xf32, #tpu.memory_space<vmem>>, vector<16xf32>,
      tpu.vector_store %arg7[%swap3A_73], %broadcast_in_dim3A_18 {strides = array<i32>} : memref<40000xf32, #tpu.memory_space<vmem>>, vector<16xf32>,
      %mul3A_75 = arith.constant 64 : i32
      %mul3A_76 = arith.muli %scan3A_63, %mul3A_75 : i32
      %add3A_77 = arith.constant 32 : i32
      %add3A_78 = arith.addi %mul3A_76, %add3A_77 : i32
      %swap3A_79 = arith.index_cast %add3A_78 : i32 to index
      %swap3A_80 = tpu.vector_load %arg7[%swap3A_79] {strides = array<i32>} : memref<40000xf32, #tpu.memory_space<vmem>>, vector<16xf32>,
      tpu.vector_store %arg7[%swap3A_79], %broadcast_in_dim3A_18 {strides = array<i32>} : memref<40000xf32, #tpu.memory_space<vmem>>, vector<16xf32>,
      %mul3A_81 = arith.constant 64 : i32
      %mul3A_82 = arith.muli %scan3A_63, %mul3A_81 : i32
      %add3A_83 = arith.constant 48 : i32
      %add3A_84 = arith.addi %mul3A_82, %add3A_83 : i32
      %swap3A_85 = arith.index_cast %add3A_84 : i32 to index
      %swap3A_86 = tpu.vector_load %arg7[%swap3A_85] {strides = array<i32>} : memref<40000xf32, #tpu.memory_space<vmem>>, vector<16xf32>,
      tpu.vector_store %arg7[%swap3A_85], %broadcast_in_dim3A_18 {strides = array<i32>} : memref<40000xf32, #tpu.memory_space<vmem>>, vector<16xf32>,
    }
    %scan3A_23 = arith.constant 625 : i32
    %scan3A_24 = arith.constant 0 : i32
    %scan3A_25 = arith.constant 0 : i32
    %scan3A_26 = arith.constant 24 : i32
    %scan3A_27 = arith.addi %scan3A_25, %scan3A_26 : i32
    %scan3A_28 = arith.constant 1 : i32
    scf.for %scan3A_63 = %scan3A_25 to %scan3A_27 step %scan3A_28  : i32 {
      %mul3A_64 = arith.constant 2 : i32
      %mul3A_65 = arith.muli %scan3A_63, %mul3A_64 : i32
      %add3A_66 = arith.constant 0 : i32
      %add3A_67 = arith.addi %mul3A_65, %add3A_66 : i32
      %dma_wait3A_68 = arith.constant 0 : i32
      %dma_wait3A_69 = tpu.memref_slice %arg3[%dma_wait3A_68] : memref<320000xi32, #tpu.memory_space<hbm>> -> memref<6400xi32, #tpu.memory_space<hbm>>
      %dma_wait3A_70 = arith.constant 0 : i32
      %dma_wait3A_71 = tpu.memref_slice %arg3[%dma_wait3A_70] : memref<320000xi32, #tpu.memory_space<hbm>> -> memref<6400xi32, #tpu.memory_space<hbm>>
      tpu.wait_dma2 semaphore(%arg12 : memref<!tpu.dma_semaphore, #tpu.memory_space<semaphore_mem>>) src(%dma_wait3A_71 : memref<6400xi32, #tpu.memory_space<hbm>>) dst(%arg8 : memref<6400xi32, #tpu.memory_space<vmem>>)
      %dma_wait3A_72 = arith.constant 0 : i32
      %dma_wait3A_73 = tpu.memref_slice %arg4[%dma_wait3A_72] : memref<320000xf32, #tpu.memory_space<hbm>> -> memref<6400xf32, #tpu.memory_space<hbm>>
      %dma_wait3A_74 = arith.constant 0 : i32
      %dma_wait3A_75 = tpu.memref_slice %arg4[%dma_wait3A_74] : memref<320000xf32, #tpu.memory_space<hbm>> -> memref<6400xf32, #tpu.memory_space<hbm>>
      tpu.wait_dma2 semaphore(%arg12 : memref<!tpu.dma_semaphore, #tpu.memory_space<semaphore_mem>>) src(%dma_wait3A_75 : memref<6400xf32, #tpu.memory_space<hbm>>) dst(%arg10 : memref<6400xf32, #tpu.memory_space<vmem>>)
      %scan3A_76 = arith.constant 0 : i32
      %scan3A_77 = arith.constant 0 : i32
      %scan3A_78 = arith.constant 50 : i32
      %scan3A_79 = arith.addi %scan3A_77, %scan3A_78 : i32
      %scan3A_80 = arith.constant 1 : i32
      scf.for %scan3A_116 = %scan3A_77 to %scan3A_79 step %scan3A_80  : i32 {
        %mul3A_117 = arith.constant 128 : i32
        %mul3A_118 = arith.muli %scan3A_116, %mul3A_117 : i32
        %add3A_119 = arith.constant 0 : i32
        %add3A_120 = arith.addi %mul3A_118, %add3A_119 : i32
        %get3A = arith.index_cast %add3A_120 : i32 to index
        %get3A_121 = tpu.vector_load %arg8[%get3A] {strides = array<i32>} : memref<6400xi32, #tpu.memory_space<vmem>>, vector<16xi32>,
        %get3A_122 = arith.index_cast %add3A_120 : i32 to index
        %get3A_123 = tpu.vector_load %arg10[%get3A_122] {strides = array<i32>} : memref<6400xf32, #tpu.memory_space<vmem>>, vector<16xf32>,
        %mul3A_124 = arith.constant 128 : i32
        %mul3A_125 = arith.muli %scan3A_116, %mul3A_124 : i32
        %add3A_126 = arith.constant 16 : i32
        %add3A_127 = arith.addi %mul3A_125, %add3A_126 : i32
        %get3A_128 = arith.index_cast %add3A_127 : i32 to index
        %get3A_129 = tpu.vector_load %arg8[%get3A_128] {strides = array<i32>} : memref<6400xi32, #tpu.memory_space<vmem>>, vector<16xi32>,
        %get3A_130 = arith.index_cast %add3A_127 : i32 to index
        %get3A_131 = tpu.vector_load %arg10[%get3A_130] {strides = array<i32>} : memref<6400xf32, #tpu.memory_space<vmem>>, vector<16xf32>,
        %mul3A_132 = arith.constant 128 : i32
        %mul3A_133 = arith.muli %scan3A_116, %mul3A_132 : i32
        %add3A_134 = arith.constant 32 : i32
        %add3A_135 = arith.addi %mul3A_133, %add3A_134 : i32
        %get3A_136 = arith.index_cast %add3A_135 : i32 to index
        %get3A_137 = tpu.vector_load %arg8[%get3A_136] {strides = array<i32>} : memref<6400xi32, #tpu.memory_space<vmem>>, vector<16xi32>,
        %get3A_138 = arith.index_cast %add3A_135 : i32 to index
        %get3A_139 = tpu.vector_load %arg10[%get3A_138] {strides = array<i32>} : memref<6400xf32, #tpu.memory_space<vmem>>, vector<16xf32>,
        %mul3A_140 = arith.constant 128 : i32
        %mul3A_141 = arith.muli %scan3A_116, %mul3A_140 : i32
        %add3A_142 = arith.constant 48 : i32
        %add3A_143 = arith.addi %mul3A_141, %add3A_142 : i32
        %get3A_144 = arith.index_cast %add3A_143 : i32 to index
        %get3A_145 = tpu.vector_load %arg8[%get3A_144] {strides = array<i32>} : memref<6400xi32, #tpu.memory_space<vmem>>, vector<16xi32>,
        %get3A_146 = arith.index_cast %add3A_143 : i32 to index
        %get3A_147 = tpu.vector_load %arg10[%get3A_146] {strides = array<i32>} : memref<6400xf32, #tpu.memory_space<vmem>>, vector<16xf32>,
        %mul3A_148 = arith.constant 128 : i32
        %mul3A_149 = arith.muli %scan3A_116, %mul3A_148 : i32
        %add3A_150 = arith.constant 64 : i32
        %add3A_151 = arith.addi %mul3A_149, %add3A_150 : i32
        %get3A_152 = arith.index_cast %add3A_151 : i32 to index
        %get3A_153 = tpu.vector_load %arg8[%get3A_152] {strides = array<i32>} : memref<6400xi32, #tpu.memory_space<vmem>>, vector<16xi32>,
        %get3A_154 = arith.index_cast %add3A_151 : i32 to index
        %get3A_155 = tpu.vector_load %arg10[%get3A_154] {strides = array<i32>} : memref<6400xf32, #tpu.memory_space<vmem>>, vector<16xf32>,
        %mul3A_156 = arith.constant 128 : i32
        %mul3A_157 = arith.muli %scan3A_116, %mul3A_156 : i32
        %add3A_158 = arith.constant 80 : i32
        %add3A_159 = arith.addi %mul3A_157, %add3A_158 : i32
        %get3A_160 = arith.index_cast %add3A_159 : i32 to index
        %get3A_161 = tpu.vector_load %arg8[%get3A_160] {strides = array<i32>} : memref<6400xi32, #tpu.memory_space<vmem>>, vector<16xi32>,
        %get3A_162 = arith.index_cast %add3A_159 : i32 to index
        %get3A_163 = tpu.vector_load %arg10[%get3A_162] {strides = array<i32>} : memref<6400xf32, #tpu.memory_space<vmem>>, vector<16xf32>,
        %mul3A_164 = arith.constant 128 : i32
        %mul3A_165 = arith.muli %scan3A_116, %mul3A_164 : i32
        %add3A_166 = arith.constant 96 : i32
        %add3A_167 = arith.addi %mul3A_165, %add3A_166 : i32
        %get3A_168 = arith.index_cast %add3A_167 : i32 to index
        %get3A_169 = tpu.vector_load %arg8[%get3A_168] {strides = array<i32>} : memref<6400xi32, #tpu.memory_space<vmem>>, vector<16xi32>,
        %get3A_170 = arith.index_cast %add3A_167 : i32 to index
        %get3A_171 = tpu.vector_load %arg10[%get3A_170] {strides = array<i32>} : memref<6400xf32, #tpu.memory_space<vmem>>, vector<16xf32>,
        %mul3A_172 = arith.constant 128 : i32
        %mul3A_173 = arith.muli %scan3A_116, %mul3A_172 : i32
        %add3A_174 = arith.constant 112 : i32
        %add3A_175 = arith.addi %mul3A_173, %add3A_174 : i32
        %get3A_176 = arith.index_cast %add3A_175 : i32 to index
        %get3A_177 = tpu.vector_load %arg8[%get3A_176] {strides = array<i32>} : memref<6400xi32, #tpu.memory_space<vmem>>, vector<16xi32>,
        %get3A_178 = arith.index_cast %add3A_175 : i32 to index
        %get3A_179 = tpu.vector_load %arg10[%get3A_178] {strides = array<i32>} : memref<6400xf32, #tpu.memory_space<vmem>>, vector<16xf32>,
        %shift_right_logical3A = arith.constant 16 : i32
        %shift_right_logical3A_180 = vector.broadcast %shift_right_logical3A : i32 to vector<16xi32>
        %shift_right_logical3A_181 = arith.shrui %get3A_121, %shift_right_logical3A_180 : vector<16xi32>
        %shift_right_logical3A_182 = arith.constant 16 : i32
        %shift_right_logical3A_183 = vector.broadcast %shift_right_logical3A_182 : i32 to vector<16xi32>
        %shift_right_logical3A_184 = arith.shrui %get3A_129, %shift_right_logical3A_183 : vector<16xi32>
        %shift_right_logical3A_185 = arith.constant 16 : i32
        %shift_right_logical3A_186 = vector.broadcast %shift_right_logical3A_185 : i32 to vector<16xi32>
        %shift_right_logical3A_187 = arith.shrui %get3A_137, %shift_right_logical3A_186 : vector<16xi32>
        %shift_right_logical3A_188 = arith.constant 16 : i32
        %shift_right_logical3A_189 = vector.broadcast %shift_right_logical3A_188 : i32 to vector<16xi32>
        %shift_right_logical3A_190 = arith.shrui %get3A_145, %shift_right_logical3A_189 : vector<16xi32>
        %shift_right_logical3A_191 = arith.constant 16 : i32
        %shift_right_logical3A_192 = vector.broadcast %shift_right_logical3A_191 : i32 to vector<16xi32>
        %shift_right_logical3A_193 = arith.shrui %get3A_153, %shift_right_logical3A_192 : vector<16xi32>
        %shift_right_logical3A_194 = arith.constant 16 : i32
        %shift_right_logical3A_195 = vector.broadcast %shift_right_logical3A_194 : i32 to vector<16xi32>
        %shift_right_logical3A_196 = arith.shrui %get3A_161, %shift_right_logical3A_195 : vector<16xi32>
        %shift_right_logical3A_197 = arith.constant 16 : i32
        %shift_right_logical3A_198 = vector.broadcast %shift_right_logical3A_197 : i32 to vector<16xi32>
        %shift_right_logical3A_199 = arith.shrui %get3A_169, %shift_right_logical3A_198 : vector<16xi32>
        %shift_right_logical3A_200 = arith.constant 16 : i32
        %shift_right_logical3A_201 = vector.broadcast %shift_right_logical3A_200 : i32 to vector<16xi32>
        %shift_right_logical3A_202 = arith.shrui %get3A_177, %shift_right_logical3A_201 : vector<16xi32>
        %and3A = arith.constant 65535 : i32
        %and3A_203 = vector.broadcast %and3A : i32 to vector<16xi32>
        %and3A_204 = arith.andi %get3A_121, %and3A_203 : vector<16xi32>
        %and3A_205 = arith.constant 65535 : i32
        %and3A_206 = vector.broadcast %and3A_205 : i32 to vector<16xi32>
        %and3A_207 = arith.andi %get3A_129, %and3A_206 : vector<16xi32>
        %and3A_208 = arith.constant 65535 : i32
        %and3A_209 = vector.broadcast %and3A_208 : i32 to vector<16xi32>
        %and3A_210 = arith.andi %get3A_137, %and3A_209 : vector<16xi32>
        %and3A_211 = arith.constant 65535 : i32
        %and3A_212 = vector.broadcast %and3A_211 : i32 to vector<16xi32>
        %and3A_213 = arith.andi %get3A_145, %and3A_212 : vector<16xi32>
        %and3A_214 = arith.constant 65535 : i32
        %and3A_215 = vector.broadcast %and3A_214 : i32 to vector<16xi32>
        %and3A_216 = arith.andi %get3A_153, %and3A_215 : vector<16xi32>
        %and3A_217 = arith.constant 65535 : i32
        %and3A_218 = vector.broadcast %and3A_217 : i32 to vector<16xi32>
        %and3A_219 = arith.andi %get3A_161, %and3A_218 : vector<16xi32>
        %and3A_220 = arith.constant 65535 : i32
        %and3A_221 = vector.broadcast %and3A_220 : i32 to vector<16xi32>
        %and3A_222 = arith.andi %get3A_169, %and3A_221 : vector<16xi32>
        %and3A_223 = arith.constant 65535 : i32
        %and3A_224 = vector.broadcast %and3A_223 : i32 to vector<16xi32>
        %and3A_225 = arith.andi %get3A_177, %and3A_224 : vector<16xi32>
        %add3A_226 = arith.constant 0 : i32
        %add3A_227 = vector.broadcast %add3A_226 : i32 to vector<16xi32>
        %add3A_228 = arith.addi %shift_right_logical3A_181, %add3A_227 : vector<16xi32>
        %gather3A = tpu.vector_load_idx %arg6[%add3A_228] : memref<40000xf32, #tpu.memory_space<vmem>>[vector<16xi32>], vector<16xf32>,
        %add3A_229 = arith.constant 10000 : i32
        %add3A_230 = vector.broadcast %add3A_229 : i32 to vector<16xi32>
        %add3A_231 = arith.addi %shift_right_logical3A_181, %add3A_230 : vector<16xi32>
        %gather3A_232 = tpu.vector_load_idx %arg6[%add3A_231] : memref<40000xf32, #tpu.memory_space<vmem>>[vector<16xi32>], vector<16xf32>,
        %add3A_233 = arith.constant 20000 : i32
        %add3A_234 = vector.broadcast %add3A_233 : i32 to vector<16xi32>
        %add3A_235 = arith.addi %shift_right_logical3A_181, %add3A_234 : vector<16xi32>
        %gather3A_236 = tpu.vector_load_idx %arg6[%add3A_235] : memref<40000xf32, #tpu.memory_space<vmem>>[vector<16xi32>], vector<16xf32>,
        %add3A_237 = arith.constant 30000 : i32
        %add3A_238 = vector.broadcast %add3A_237 : i32 to vector<16xi32>
        %add3A_239 = arith.addi %shift_right_logical3A_181, %add3A_238 : vector<16xi32>
        %gather3A_240 = tpu.vector_load_idx %arg6[%add3A_239] : memref<40000xf32, #tpu.memory_space<vmem>>[vector<16xi32>], vector<16xf32>,
        %add3A_241 = arith.constant 0 : i32
        %add3A_242 = vector.broadcast %add3A_241 : i32 to vector<16xi32>
        %add3A_243 = arith.addi %shift_right_logical3A_184, %add3A_242 : vector<16xi32>
        %gather3A_244 = tpu.vector_load_idx %arg6[%add3A_243] : memref<40000xf32, #tpu.memory_space<vmem>>[vector<16xi32>], vector<16xf32>,
        %add3A_245 = arith.constant 10000 : i32
        %add3A_246 = vector.broadcast %add3A_245 : i32 to vector<16xi32>
        %add3A_247 = arith.addi %shift_right_logical3A_184, %add3A_246 : vector<16xi32>
        %gather3A_248 = tpu.vector_load_idx %arg6[%add3A_247] : memref<40000xf32, #tpu.memory_space<vmem>>[vector<16xi32>], vector<16xf32>,
        %add3A_249 = arith.constant 20000 : i32
        %add3A_250 = vector.broadcast %add3A_249 : i32 to vector<16xi32>
        %add3A_251 = arith.addi %shift_right_logical3A_184, %add3A_250 : vector<16xi32>
        %gather3A_252 = tpu.vector_load_idx %arg6[%add3A_251] : memref<40000xf32, #tpu.memory_space<vmem>>[vector<16xi32>], vector<16xf32>,
        %add3A_253 = arith.constant 30000 : i32
        %add3A_254 = vector.broadcast %add3A_253 : i32 to vector<16xi32>
        %add3A_255 = arith.addi %shift_right_logical3A_184, %add3A_254 : vector<16xi32>
        %gather3A_256 = tpu.vector_load_idx %arg6[%add3A_255] : memref<40000xf32, #tpu.memory_space<vmem>>[vector<16xi32>], vector<16xf32>,
        %add3A_257 = arith.constant 0 : i32
        %add3A_258 = vector.broadcast %add3A_257 : i32 to vector<16xi32>
        %add3A_259 = arith.addi %shift_right_logical3A_187, %add3A_258 : vector<16xi32>
        %gather3A_260 = tpu.vector_load_idx %arg6[%add3A_259] : memref<40000xf32, #tpu.memory_space<vmem>>[vector<16xi32>], vector<16xf32>,
        %add3A_261 = arith.constant 10000 : i32
        %add3A_262 = vector.broadcast %add3A_261 : i32 to vector<16xi32>
        %add3A_263 = arith.addi %shift_right_logical3A_187, %add3A_262 : vector<16xi32>
        %gather3A_264 = tpu.vector_load_idx %arg6[%add3A_263] : memref<40000xf32, #tpu.memory_space<vmem>>[vector<16xi32>], vector<16xf32>,
        %add3A_265 = arith.constant 20000 : i32
        %add3A_266 = vector.broadcast %add3A_265 : i32 to vector<16xi32>
        %add3A_267 = arith.addi %shift_right_logical3A_187, %add3A_266 : vector<16xi32>
        %gather3A_268 = tpu.vector_load_idx %arg6[%add3A_267] : memref<40000xf32, #tpu.memory_space<vmem>>[vector<16xi32>], vector<16xf32>,
        %add3A_269 = arith.constant 30000 : i32
        %add3A_270 = vector.broadcast %add3A_269 : i32 to vector<16xi32>
        %add3A_271 = arith.addi %shift_right_logical3A_187, %add3A_270 : vector<16xi32>
        %gather3A_272 = tpu.vector_load_idx %arg6[%add3A_271] : memref<40000xf32, #tpu.memory_space<vmem>>[vector<16xi32>], vector<16xf32>,
        %add3A_273 = arith.constant 0 : i32
        %add3A_274 = vector.broadcast %add3A_273 : i32 to vector<16xi32>
        %add3A_275 = arith.addi %shift_right_logical3A_190, %add3A_274 : vector<16xi32>
        %gather3A_276 = tpu.vector_load_idx %arg6[%add3A_275] : memref<40000xf32, #tpu.memory_space<vmem>>[vector<16xi32>], vector<16xf32>,
        %add3A_277 = arith.constant 10000 : i32
        %add3A_278 = vector.broadcast %add3A_277 : i32 to vector<16xi32>
        %add3A_279 = arith.addi %shift_right_logical3A_190, %add3A_278 : vector<16xi32>
        %gather3A_280 = tpu.vector_load_idx %arg6[%add3A_279] : memref<40000xf32, #tpu.memory_space<vmem>>[vector<16xi32>], vector<16xf32>,
        %add3A_281 = arith.constant 20000 : i32
        %add3A_282 = vector.broadcast %add3A_281 : i32 to vector<16xi32>
        %add3A_283 = arith.addi %shift_right_logical3A_190, %add3A_282 : vector<16xi32>
        %gather3A_284 = tpu.vector_load_idx %arg6[%add3A_283] : memref<40000xf32, #tpu.memory_space<vmem>>[vector<16xi32>], vector<16xf32>,
        %add3A_285 = arith.constant 30000 : i32
        %add3A_286 = vector.broadcast %add3A_285 : i32 to vector<16xi32>
        %add3A_287 = arith.addi %shift_right_logical3A_190, %add3A_286 : vector<16xi32>
        %gather3A_288 = tpu.vector_load_idx %arg6[%add3A_287] : memref<40000xf32, #tpu.memory_space<vmem>>[vector<16xi32>], vector<16xf32>,
        %add3A_289 = arith.constant 0 : i32
        %add3A_290 = vector.broadcast %add3A_289 : i32 to vector<16xi32>
        %add3A_291 = arith.addi %shift_right_logical3A_193, %add3A_290 : vector<16xi32>
        %gather3A_292 = tpu.vector_load_idx %arg6[%add3A_291] : memref<40000xf32, #tpu.memory_space<vmem>>[vector<16xi32>], vector<16xf32>,
        %add3A_293 = arith.constant 10000 : i32
        %add3A_294 = vector.broadcast %add3A_293 : i32 to vector<16xi32>
        %add3A_295 = arith.addi %shift_right_logical3A_193, %add3A_294 : vector<16xi32>
        %gather3A_296 = tpu.vector_load_idx %arg6[%add3A_295] : memref<40000xf32, #tpu.memory_space<vmem>>[vector<16xi32>], vector<16xf32>,
        %add3A_297 = arith.constant 20000 : i32
        %add3A_298 = vector.broadcast %add3A_297 : i32 to vector<16xi32>
        %add3A_299 = arith.addi %shift_right_logical3A_193, %add3A_298 : vector<16xi32>
        %gather3A_300 = tpu.vector_load_idx %arg6[%add3A_299] : memref<40000xf32, #tpu.memory_space<vmem>>[vector<16xi32>], vector<16xf32>,
        %add3A_301 = arith.constant 30000 : i32
        %add3A_302 = vector.broadcast %add3A_301 : i32 to vector<16xi32>
        %add3A_303 = arith.addi %shift_right_logical3A_193, %add3A_302 : vector<16xi32>
        %gather3A_304 = tpu.vector_load_idx %arg6[%add3A_303] : memref<40000xf32, #tpu.memory_space<vmem>>[vector<16xi32>], vector<16xf32>,
        %add3A_305 = arith.constant 0 : i32
        %add3A_306 = vector.broadcast %add3A_305 : i32 to vector<16xi32>
        %add3A_307 = arith.addi %shift_right_logical3A_196, %add3A_306 : vector<16xi32>
        %gather3A_308 = tpu.vector_load_idx %arg6[%add3A_307] : memref<40000xf32, #tpu.memory_space<vmem>>[vector<16xi32>], vector<16xf32>,
        %add3A_309 = arith.constant 10000 : i32
        %add3A_310 = vector.broadcast %add3A_309 : i32 to vector<16xi32>
        %add3A_311 = arith.addi %shift_right_logical3A_196, %add3A_310 : vector<16xi32>
        %gather3A_312 = tpu.vector_load_idx %arg6[%add3A_311] : memref<40000xf32, #tpu.memory_space<vmem>>[vector<16xi32>], vector<16xf32>,
        %add3A_313 = arith.constant 20000 : i32
        %add3A_314 = vector.broadcast %add3A_313 : i32 to vector<16xi32>
        %add3A_315 = arith.addi %shift_right_logical3A_196, %add3A_314 : vector<16xi32>
        %gather3A_316 = tpu.vector_load_idx %arg6[%add3A_315] : memref<40000xf32, #tpu.memory_space<vmem>>[vector<16xi32>], vector<16xf32>,
        %add3A_317 = arith.constant 30000 : i32
        %add3A_318 = vector.broadcast %add3A_317 : i32 to vector<16xi32>
        %add3A_319 = arith.addi %shift_right_logical3A_196, %add3A_318 : vector<16xi32>
        %gather3A_320 = tpu.vector_load_idx %arg6[%add3A_319] : memref<40000xf32, #tpu.memory_space<vmem>>[vector<16xi32>], vector<16xf32>,
        %add3A_321 = arith.constant 0 : i32
        %add3A_322 = vector.broadcast %add3A_321 : i32 to vector<16xi32>
        %add3A_323 = arith.addi %shift_right_logical3A_199, %add3A_322 : vector<16xi32>
        %gather3A_324 = tpu.vector_load_idx %arg6[%add3A_323] : memref<40000xf32, #tpu.memory_space<vmem>>[vector<16xi32>], vector<16xf32>,
        %add3A_325 = arith.constant 10000 : i32
        %add3A_326 = vector.broadcast %add3A_325 : i32 to vector<16xi32>
        %add3A_327 = arith.addi %shift_right_logical3A_199, %add3A_326 : vector<16xi32>
        %gather3A_328 = tpu.vector_load_idx %arg6[%add3A_327] : memref<40000xf32, #tpu.memory_space<vmem>>[vector<16xi32>], vector<16xf32>,
        %add3A_329 = arith.constant 20000 : i32
        %add3A_330 = vector.broadcast %add3A_329 : i32 to vector<16xi32>
        %add3A_331 = arith.addi %shift_right_logical3A_199, %add3A_330 : vector<16xi32>
        %gather3A_332 = tpu.vector_load_idx %arg6[%add3A_331] : memref<40000xf32, #tpu.memory_space<vmem>>[vector<16xi32>], vector<16xf32>,
        %add3A_333 = arith.constant 30000 : i32
        %add3A_334 = vector.broadcast %add3A_333 : i32 to vector<16xi32>
        %add3A_335 = arith.addi %shift_right_logical3A_199, %add3A_334 : vector<16xi32>
        %gather3A_336 = tpu.vector_load_idx %arg6[%add3A_335] : memref<40000xf32, #tpu.memory_space<vmem>>[vector<16xi32>], vector<16xf32>,
        %add3A_337 = arith.constant 0 : i32
        %add3A_338 = vector.broadcast %add3A_337 : i32 to vector<16xi32>
        %add3A_339 = arith.addi %shift_right_logical3A_202, %add3A_338 : vector<16xi32>
        %gather3A_340 = tpu.vector_load_idx %arg6[%add3A_339] : memref<40000xf32, #tpu.memory_space<vmem>>[vector<16xi32>], vector<16xf32>,
        %add3A_341 = arith.constant 10000 : i32
        %add3A_342 = vector.broadcast %add3A_341 : i32 to vector<16xi32>
        %add3A_343 = arith.addi %shift_right_logical3A_202, %add3A_342 : vector<16xi32>
        %gather3A_344 = tpu.vector_load_idx %arg6[%add3A_343] : memref<40000xf32, #tpu.memory_space<vmem>>[vector<16xi32>], vector<16xf32>,
        %add3A_345 = arith.constant 20000 : i32
        %add3A_346 = vector.broadcast %add3A_345 : i32 to vector<16xi32>
        %add3A_347 = arith.addi %shift_right_logical3A_202, %add3A_346 : vector<16xi32>
        %gather3A_348 = tpu.vector_load_idx %arg6[%add3A_347] : memref<40000xf32, #tpu.memory_space<vmem>>[vector<16xi32>], vector<16xf32>,
        %add3A_349 = arith.constant 30000 : i32
        %add3A_350 = vector.broadcast %add3A_349 : i32 to vector<16xi32>
        %add3A_351 = arith.addi %shift_right_logical3A_202, %add3A_350 : vector<16xi32>
        %gather3A_352 = tpu.vector_load_idx %arg6[%add3A_351] : memref<40000xf32, #tpu.memory_space<vmem>>[vector<16xi32>], vector<16xf32>,
        %add3A_353 = arith.constant 0 : i32
        %add3A_354 = vector.broadcast %add3A_353 : i32 to vector<16xi32>
        %add3A_355 = arith.addi %and3A_204, %add3A_354 : vector<16xi32>
        %mul3A_356 = arith.mulf %gather3A, %get3A_123 : vector<16xf32>
        tpu.vector_store_idx %arg7[%add3A_355], %mul3A_356 {add = true} : memref<40000xf32, #tpu.memory_space<vmem>>[vector<16xi32>], vector<16xf32>,
        %add3A_357 = arith.constant 10000 : i32
        %add3A_358 = vector.broadcast %add3A_357 : i32 to vector<16xi32>
        %add3A_359 = arith.addi %and3A_204, %add3A_358 : vector<16xi32>
        %mul3A_360 = arith.mulf %gather3A_232, %get3A_123 : vector<16xf32>
        tpu.vector_store_idx %arg7[%add3A_359], %mul3A_360 {add = true} : memref<40000xf32, #tpu.memory_space<vmem>>[vector<16xi32>], vector<16xf32>,
        %add3A_361 = arith.constant 20000 : i32
        %add3A_362 = vector.broadcast %add3A_361 : i32 to vector<16xi32>
        %add3A_363 = arith.addi %and3A_204, %add3A_362 : vector<16xi32>
        %mul3A_364 = arith.mulf %gather3A_236, %get3A_123 : vector<16xf32>
        tpu.vector_store_idx %arg7[%add3A_363], %mul3A_364 {add = true} : memref<40000xf32, #tpu.memory_space<vmem>>[vector<16xi32>], vector<16xf32>,
        %add3A_365 = arith.constant 30000 : i32
        %add3A_366 = vector.broadcast %add3A_365 : i32 to vector<16xi32>
        %add3A_367 = arith.addi %and3A_204, %add3A_366 : vector<16xi32>
        %mul3A_368 = arith.mulf %gather3A_240, %get3A_123 : vector<16xf32>
        tpu.vector_store_idx %arg7[%add3A_367], %mul3A_368 {add = true} : memref<40000xf32, #tpu.memory_space<vmem>>[vector<16xi32>], vector<16xf32>,
        %add3A_369 = arith.constant 0 : i32
        %add3A_370 = vector.broadcast %add3A_369 : i32 to vector<16xi32>
        %add3A_371 = arith.addi %and3A_207, %add3A_370 : vector<16xi32>
        %mul3A_372 = arith.mulf %gather3A_244, %get3A_131 : vector<16xf32>
        tpu.vector_store_idx %arg7[%add3A_371], %mul3A_372 {add = true} : memref<40000xf32, #tpu.memory_space<vmem>>[vector<16xi32>], vector<16xf32>,
        %add3A_373 = arith.constant 10000 : i32
        %add3A_374 = vector.broadcast %add3A_373 : i32 to vector<16xi32>
        %add3A_375 = arith.addi %and3A_207, %add3A_374 : vector<16xi32>
        %mul3A_376 = arith.mulf %gather3A_248, %get3A_131 : vector<16xf32>
        tpu.vector_store_idx %arg7[%add3A_375], %mul3A_376 {add = true} : memref<40000xf32, #tpu.memory_space<vmem>>[vector<16xi32>], vector<16xf32>,
        %add3A_377 = arith.constant 20000 : i32
        %add3A_378 = vector.broadcast %add3A_377 : i32 to vector<16xi32>
        %add3A_379 = arith.addi %and3A_207, %add3A_378 : vector<16xi32>
        %mul3A_380 = arith.mulf %gather3A_252, %get3A_131 : vector<16xf32>
        tpu.vector_store_idx %arg7[%add3A_379], %mul3A_380 {add = true} : memref<40000xf32, #tpu.memory_space<vmem>>[vector<16xi32>], vector<16xf32>,
        %add3A_381 = arith.constant 30000 : i32
        %add3A_382 = vector.broadcast %add3A_381 : i32 to vector<16xi32>
        %add3A_383 = arith.addi %and3A_207, %add3A_382 : vector<16xi32>
        %mul3A_384 = arith.mulf %gather3A_256, %get3A_131 : vector<16xf32>
        tpu.vector_store_idx %arg7[%add3A_383], %mul3A_384 {add = true} : memref<40000xf32, #tpu.memory_space<vmem>>[vector<16xi32>], vector<16xf32>,
        %add3A_385 = arith.constant 0 : i32
        %add3A_386 = vector.broadcast %add3A_385 : i32 to vector<16xi32>
        %add3A_387 = arith.addi %and3A_210, %add3A_386 : vector<16xi32>
        %mul3A_388 = arith.mulf %gather3A_260, %get3A_139 : vector<16xf32>
        tpu.vector_store_idx %arg7[%add3A_387], %mul3A_388 {add = true} : memref<40000xf32, #tpu.memory_space<vmem>>[vector<16xi32>], vector<16xf32>,
        %add3A_389 = arith.constant 10000 : i32
        %add3A_390 = vector.broadcast %add3A_389 : i32 to vector<16xi32>
        %add3A_391 = arith.addi %and3A_210, %add3A_390 : vector<16xi32>
        %mul3A_392 = arith.mulf %gather3A_264, %get3A_139 : vector<16xf32>
        tpu.vector_store_idx %arg7[%add3A_391], %mul3A_392 {add = true} : memref<40000xf32, #tpu.memory_space<vmem>>[vector<16xi32>], vector<16xf32>,
        %add3A_393 = arith.constant 20000 : i32
        %add3A_394 = vector.broadcast %add3A_393 : i32 to vector<16xi32>
        %add3A_395 = arith.addi %and3A_210, %add3A_394 : vector<16xi32>
        %mul3A_396 = arith.mulf %gather3A_268, %get3A_139 : vector<16xf32>
        tpu.vector_store_idx %arg7[%add3A_395], %mul3A_396 {add = true} : memref<40000xf32, #tpu.memory_space<vmem>>[vector<16xi32>], vector<16xf32>,
        %add3A_397 = arith.constant 30000 : i32
        %add3A_398 = vector.broadcast %add3A_397 : i32 to vector<16xi32>
        %add3A_399 = arith.addi %and3A_210, %add3A_398 : vector<16xi32>
        %mul3A_400 = arith.mulf %gather3A_272, %get3A_139 : vector<16xf32>
        tpu.vector_store_idx %arg7[%add3A_399], %mul3A_400 {add = true} : memref<40000xf32, #tpu.memory_space<vmem>>[vector<16xi32>], vector<16xf32>,
        %add3A_401 = arith.constant 0 : i32
        %add3A_402 = vector.broadcast %add3A_401 : i32 to vector<16xi32>
        %add3A_403 = arith.addi %and3A_213, %add3A_402 : vector<16xi32>
        %mul3A_404 = arith.mulf %gather3A_276, %get3A_147 : vector<16xf32>
        tpu.vector_store_idx %arg7[%add3A_403], %mul3A_404 {add = true} : memref<40000xf32, #tpu.memory_space<vmem>>[vector<16xi32>], vector<16xf32>,
        %add3A_405 = arith.constant 10000 : i32
        %add3A_406 = vector.broadcast %add3A_405 : i32 to vector<16xi32>
        %add3A_407 = arith.addi %and3A_213, %add3A_406 : vector<16xi32>
        %mul3A_408 = arith.mulf %gather3A_280, %get3A_147 : vector<16xf32>
        tpu.vector_store_idx %arg7[%add3A_407], %mul3A_408 {add = true} : memref<40000xf32, #tpu.memory_space<vmem>>[vector<16xi32>], vector<16xf32>,
        %add3A_409 = arith.constant 20000 : i32
        %add3A_410 = vector.broadcast %add3A_409 : i32 to vector<16xi32>
        %add3A_411 = arith.addi %and3A_213, %add3A_410 : vector<16xi32>
        %mul3A_412 = arith.mulf %gather3A_284, %get3A_147 : vector<16xf32>
        tpu.vector_store_idx %arg7[%add3A_411], %mul3A_412 {add = true} : memref<40000xf32, #tpu.memory_space<vmem>>[vector<16xi32>], vector<16xf32>,
        %add3A_413 = arith.constant 30000 : i32
        %add3A_414 = vector.broadcast %add3A_413 : i32 to vector<16xi32>
        %add3A_415 = arith.addi %and3A_213, %add3A_414 : vector<16xi32>
        %mul3A_416 = arith.mulf %gather3A_288, %get3A_147 : vector<16xf32>
        tpu.vector_store_idx %arg7[%add3A_415], %mul3A_416 {add = true} : memref<40000xf32, #tpu.memory_space<vmem>>[vector<16xi32>], vector<16xf32>,
        %add3A_417 = arith.constant 0 : i32
        %add3A_418 = vector.broadcast %add3A_417 : i32 to vector<16xi32>
        %add3A_419 = arith.addi %and3A_216, %add3A_418 : vector<16xi32>
        %mul3A_420 = arith.mulf %gather3A_292, %get3A_155 : vector<16xf32>
        tpu.vector_store_idx %arg7[%add3A_419], %mul3A_420 {add = true} : memref<40000xf32, #tpu.memory_space<vmem>>[vector<16xi32>], vector<16xf32>,
        %add3A_421 = arith.constant 10000 : i32
        %add3A_422 = vector.broadcast %add3A_421 : i32 to vector<16xi32>
        %add3A_423 = arith.addi %and3A_216, %add3A_422 : vector<16xi32>
        %mul3A_424 = arith.mulf %gather3A_296, %get3A_155 : vector<16xf32>
        tpu.vector_store_idx %arg7[%add3A_423], %mul3A_424 {add = true} : memref<40000xf32, #tpu.memory_space<vmem>>[vector<16xi32>], vector<16xf32>,
        %add3A_425 = arith.constant 20000 : i32
        %add3A_426 = vector.broadcast %add3A_425 : i32 to vector<16xi32>
        %add3A_427 = arith.addi %and3A_216, %add3A_426 : vector<16xi32>
        %mul3A_428 = arith.mulf %gather3A_300, %get3A_155 : vector<16xf32>
        tpu.vector_store_idx %arg7[%add3A_427], %mul3A_428 {add = true} : memref<40000xf32, #tpu.memory_space<vmem>>[vector<16xi32>], vector<16xf32>,
        %add3A_429 = arith.constant 30000 : i32
        %add3A_430 = vector.broadcast %add3A_429 : i32 to vector<16xi32>
        %add3A_431 = arith.addi %and3A_216, %add3A_430 : vector<16xi32>
        %mul3A_432 = arith.mulf %gather3A_304, %get3A_155 : vector<16xf32>
        tpu.vector_store_idx %arg7[%add3A_431], %mul3A_432 {add = true} : memref<40000xf32, #tpu.memory_space<vmem>>[vector<16xi32>], vector<16xf32>,
        %add3A_433 = arith.constant 0 : i32
        %add3A_434 = vector.broadcast %add3A_433 : i32 to vector<16xi32>
        %add3A_435 = arith.addi %and3A_219, %add3A_434 : vector<16xi32>
        %mul3A_436 = arith.mulf %gather3A_308, %get3A_163 : vector<16xf32>
        tpu.vector_store_idx %arg7[%add3A_435], %mul3A_436 {add = true} : memref<40000xf32, #tpu.memory_space<vmem>>[vector<16xi32>], vector<16xf32>,
        %add3A_437 = arith.constant 10000 : i32
        %add3A_438 = vector.broadcast %add3A_437 : i32 to vector<16xi32>
        %add3A_439 = arith.addi %and3A_219, %add3A_438 : vector<16xi32>
        %mul3A_440 = arith.mulf %gather3A_312, %get3A_163 : vector<16xf32>
        tpu.vector_store_idx %arg7[%add3A_439], %mul3A_440 {add = true} : memref<40000xf32, #tpu.memory_space<vmem>>[vector<16xi32>], vector<16xf32>,
        %add3A_441 = arith.constant 20000 : i32
        %add3A_442 = vector.broadcast %add3A_441 : i32 to vector<16xi32>
        %add3A_443 = arith.addi %and3A_219, %add3A_442 : vector<16xi32>
        %mul3A_444 = arith.mulf %gather3A_316, %get3A_163 : vector<16xf32>
        tpu.vector_store_idx %arg7[%add3A_443], %mul3A_444 {add = true} : memref<40000xf32, #tpu.memory_space<vmem>>[vector<16xi32>], vector<16xf32>,
        %add3A_445 = arith.constant 30000 : i32
        %add3A_446 = vector.broadcast %add3A_445 : i32 to vector<16xi32>
        %add3A_447 = arith.addi %and3A_219, %add3A_446 : vector<16xi32>
        %mul3A_448 = arith.mulf %gather3A_320, %get3A_163 : vector<16xf32>
        tpu.vector_store_idx %arg7[%add3A_447], %mul3A_448 {add = true} : memref<40000xf32, #tpu.memory_space<vmem>>[vector<16xi32>], vector<16xf32>,
        %add3A_449 = arith.constant 0 : i32
        %add3A_450 = vector.broadcast %add3A_449 : i32 to vector<16xi32>
        %add3A_451 = arith.addi %and3A_222, %add3A_450 : vector<16xi32>
        %mul3A_452 = arith.mulf %gather3A_324, %get3A_171 : vector<16xf32>
        tpu.vector_store_idx %arg7[%add3A_451], %mul3A_452 {add = true} : memref<40000xf32, #tpu.memory_space<vmem>>[vector<16xi32>], vector<16xf32>,
        %add3A_453 = arith.constant 10000 : i32
        %add3A_454 = vector.broadcast %add3A_453 : i32 to vector<16xi32>
        %add3A_455 = arith.addi %and3A_222, %add3A_454 : vector<16xi32>
        %mul3A_456 = arith.mulf %gather3A_328, %get3A_171 : vector<16xf32>
        tpu.vector_store_idx %arg7[%add3A_455], %mul3A_456 {add = true} : memref<40000xf32, #tpu.memory_space<vmem>>[vector<16xi32>], vector<16xf32>,
        %add3A_457 = arith.constant 20000 : i32
        %add3A_458 = vector.broadcast %add3A_457 : i32 to vector<16xi32>
        %add3A_459 = arith.addi %and3A_222, %add3A_458 : vector<16xi32>
        %mul3A_460 = arith.mulf %gather3A_332, %get3A_171 : vector<16xf32>
        tpu.vector_store_idx %arg7[%add3A_459], %mul3A_460 {add = true} : memref<40000xf32, #tpu.memory_space<vmem>>[vector<16xi32>], vector<16xf32>,
        %add3A_461 = arith.constant 30000 : i32
        %add3A_462 = vector.broadcast %add3A_461 : i32 to vector<16xi32>
        %add3A_463 = arith.addi %and3A_222, %add3A_462 : vector<16xi32>
        %mul3A_464 = arith.mulf %gather3A_336, %get3A_171 : vector<16xf32>
        tpu.vector_store_idx %arg7[%add3A_463], %mul3A_464 {add = true} : memref<40000xf32, #tpu.memory_space<vmem>>[vector<16xi32>], vector<16xf32>,
        %add3A_465 = arith.constant 0 : i32
        %add3A_466 = vector.broadcast %add3A_465 : i32 to vector<16xi32>
        %add3A_467 = arith.addi %and3A_225, %add3A_466 : vector<16xi32>
        %mul3A_468 = arith.mulf %gather3A_340, %get3A_179 : vector<16xf32>
        tpu.vector_store_idx %arg7[%add3A_467], %mul3A_468 {add = true} : memref<40000xf32, #tpu.memory_space<vmem>>[vector<16xi32>], vector<16xf32>,
        %add3A_469 = arith.constant 10000 : i32
        %add3A_470 = vector.broadcast %add3A_469 : i32 to vector<16xi32>
        %add3A_471 = arith.addi %and3A_225, %add3A_470 : vector<16xi32>
        %mul3A_472 = arith.mulf %gather3A_344, %get3A_179 : vector<16xf32>
        tpu.vector_store_idx %arg7[%add3A_471], %mul3A_472 {add = true} : memref<40000xf32, #tpu.memory_space<vmem>>[vector<16xi32>], vector<16xf32>,
        %add3A_473 = arith.constant 20000 : i32
        %add3A_474 = vector.broadcast %add3A_473 : i32 to vector<16xi32>
        %add3A_475 = arith.addi %and3A_225, %add3A_474 : vector<16xi32>
        %mul3A_476 = arith.mulf %gather3A_348, %get3A_179 : vector<16xf32>
        tpu.vector_store_idx %arg7[%add3A_475], %mul3A_476 {add = true} : memref<40000xf32, #tpu.memory_space<vmem>>[vector<16xi32>], vector<16xf32>,
        %add3A_477 = arith.constant 30000 : i32
        %add3A_478 = vector.broadcast %add3A_477 : i32 to vector<16xi32>
        %add3A_479 = arith.addi %and3A_225, %add3A_478 : vector<16xi32>
        %mul3A_480 = arith.mulf %gather3A_352, %get3A_179 : vector<16xf32>
        tpu.vector_store_idx %arg7[%add3A_479], %mul3A_480 {add = true} : memref<40000xf32, #tpu.memory_space<vmem>>[vector<16xi32>], vector<16xf32>,
      }
      %scan3A_81 = arith.constant 50 : i32
      %add3A_82 = arith.constant 2 : i32
      %add3A_83 = arith.addi %add3A_67, %add3A_82 : i32
      %mul3A_84 = arith.constant 6400 : i32
      %mul3A_85 = arith.muli %add3A_83, %mul3A_84 : i32
      %dma_start3A_86 = tpu.memref_slice %arg3[%mul3A_85] : memref<320000xi32, #tpu.memory_space<hbm>> -> memref<6400xi32, #tpu.memory_space<hbm>>
      %dma_start3A_87 = tpu.memref_slice %arg3[%mul3A_85] : memref<320000xi32, #tpu.memory_space<hbm>> -> memref<6400xi32, #tpu.memory_space<hbm>>
      tpu.enqueue_dma source(%dma_start3A_87 : memref<6400xi32, #tpu.memory_space<hbm>>) target(%arg8 : memref<6400xi32, #tpu.memory_space<vmem>>) target_semaphore(%arg12 : memref<!tpu.dma_semaphore, #tpu.memory_space<semaphore_mem>>)
      %dma_start3A_88 = tpu.memref_slice %arg4[%mul3A_85] : memref<320000xf32, #tpu.memory_space<hbm>> -> memref<6400xf32, #tpu.memory_space<hbm>>
      %dma_start3A_89 = tpu.memref_slice %arg4[%mul3A_85] : memref<320000xf32, #tpu.memory_space<hbm>> -> memref<6400xf32, #tpu.memory_space<hbm>>
      tpu.enqueue_dma source(%dma_start3A_89 : memref<6400xf32, #tpu.memory_space<hbm>>) target(%arg10 : memref<6400xf32, #tpu.memory_space<vmem>>) target_semaphore(%arg12 : memref<!tpu.dma_semaphore, #tpu.memory_space<semaphore_mem>>)
      %mul3A_90 = arith.constant 2 : i32
      %mul3A_91 = arith.muli %scan3A_63, %mul3A_90 : i32
      %add3A_92 = arith.constant 1 : i32
      %add3A_93 = arith.addi %mul3A_91, %add3A_92 : i32
      %dma_wait3A_94 = arith.constant 0 : i32
      %dma_wait3A_95 = tpu.memref_slice %arg3[%dma_wait3A_94] : memref<320000xi32, #tpu.memory_space<hbm>> -> memref<6400xi32, #tpu.memory_space<hbm>>
      %dma_wait3A_96 = arith.constant 0 : i32
      %dma_wait3A_97 = tpu.memref_slice %arg3[%dma_wait3A_96] : memref<320000xi32, #tpu.memory_space<hbm>> -> memref<6400xi32, #tpu.memory_space<hbm>>
      tpu.wait_dma2 semaphore(%arg13 : memref<!tpu.dma_semaphore, #tpu.memory_space<semaphore_mem>>) src(%dma_wait3A_97 : memref<6400xi32, #tpu.memory_space<hbm>>) dst(%arg9 : memref<6400xi32, #tpu.memory_space<vmem>>)
      %dma_wait3A_98 = arith.constant 0 : i32
      %dma_wait3A_99 = tpu.memref_slice %arg4[%dma_wait3A_98] : memref<320000xf32, #tpu.memory_space<hbm>> -> memref<6400xf32, #tpu.memory_space<hbm>>
      %dma_wait3A_100 = arith.constant 0 : i32
      %dma_wait3A_101 = tpu.memref_slice %arg4[%dma_wait3A_100] : memref<320000xf32, #tpu.memory_space<hbm>> -> memref<6400xf32, #tpu.memory_space<hbm>>
      tpu.wait_dma2 semaphore(%arg13 : memref<!tpu.dma_semaphore, #tpu.memory_space<semaphore_mem>>) src(%dma_wait3A_101 : memref<6400xf32, #tpu.memory_space<hbm>>) dst(%arg11 : memref<6400xf32, #tpu.memory_space<vmem>>)
      %scan3A_102 = arith.constant 0 : i32
      %scan3A_103 = arith.constant 0 : i32
      %scan3A_104 = arith.constant 50 : i32
      %scan3A_105 = arith.addi %scan3A_103, %scan3A_104 : i32
      %scan3A_106 = arith.constant 1 : i32
      scf.for %scan3A_116 = %scan3A_103 to %scan3A_105 step %scan3A_106  : i32 {
        %mul3A_117 = arith.constant 128 : i32
        %mul3A_118 = arith.muli %scan3A_116, %mul3A_117 : i32
        %add3A_119 = arith.constant 0 : i32
        %add3A_120 = arith.addi %mul3A_118, %add3A_119 : i32
        %get3A = arith.index_cast %add3A_120 : i32 to index
        %get3A_121 = tpu.vector_load %arg9[%get3A] {strides = array<i32>} : memref<6400xi32, #tpu.memory_space<vmem>>, vector<16xi32>,
        %get3A_122 = arith.index_cast %add3A_120 : i32 to index
        %get3A_123 = tpu.vector_load %arg11[%get3A_122] {strides = array<i32>} : memref<6400xf32, #tpu.memory_space<vmem>>, vector<16xf32>,
        %mul3A_124 = arith.constant 128 : i32
        %mul3A_125 = arith.muli %scan3A_116, %mul3A_124 : i32
        %add3A_126 = arith.constant 16 : i32
        %add3A_127 = arith.addi %mul3A_125, %add3A_126 : i32
        %get3A_128 = arith.index_cast %add3A_127 : i32 to index
        %get3A_129 = tpu.vector_load %arg9[%get3A_128] {strides = array<i32>} : memref<6400xi32, #tpu.memory_space<vmem>>, vector<16xi32>,
        %get3A_130 = arith.index_cast %add3A_127 : i32 to index
        %get3A_131 = tpu.vector_load %arg11[%get3A_130] {strides = array<i32>} : memref<6400xf32, #tpu.memory_space<vmem>>, vector<16xf32>,
        %mul3A_132 = arith.constant 128 : i32
        %mul3A_133 = arith.muli %scan3A_116, %mul3A_132 : i32
        %add3A_134 = arith.constant 32 : i32
        %add3A_135 = arith.addi %mul3A_133, %add3A_134 : i32
        %get3A_136 = arith.index_cast %add3A_135 : i32 to index
        %get3A_137 = tpu.vector_load %arg9[%get3A_136] {strides = array<i32>} : memref<6400xi32, #tpu.memory_space<vmem>>, vector<16xi32>,
        %get3A_138 = arith.index_cast %add3A_135 : i32 to index
        %get3A_139 = tpu.vector_load %arg11[%get3A_138] {strides = array<i32>} : memref<6400xf32, #tpu.memory_space<vmem>>, vector<16xf32>,
        %mul3A_140 = arith.constant 128 : i32
        %mul3A_141 = arith.muli %scan3A_116, %mul3A_140 : i32
        %add3A_142 = arith.constant 48 : i32
        %add3A_143 = arith.addi %mul3A_141, %add3A_142 : i32
        %get3A_144 = arith.index_cast %add3A_143 : i32 to index
        %get3A_145 = tpu.vector_load %arg9[%get3A_144] {strides = array<i32>} : memref<6400xi32, #tpu.memory_space<vmem>>, vector<16xi32>,
        %get3A_146 = arith.index_cast %add3A_143 : i32 to index
        %get3A_147 = tpu.vector_load %arg11[%get3A_146] {strides = array<i32>} : memref<6400xf32, #tpu.memory_space<vmem>>, vector<16xf32>,
        %mul3A_148 = arith.constant 128 : i32
        %mul3A_149 = arith.muli %scan3A_116, %mul3A_148 : i32
        %add3A_150 = arith.constant 64 : i32
        %add3A_151 = arith.addi %mul3A_149, %add3A_150 : i32
        %get3A_152 = arith.index_cast %add3A_151 : i32 to index
        %get3A_153 = tpu.vector_load %arg9[%get3A_152] {strides = array<i32>} : memref<6400xi32, #tpu.memory_space<vmem>>, vector<16xi32>,
        %get3A_154 = arith.index_cast %add3A_151 : i32 to index
        %get3A_155 = tpu.vector_load %arg11[%get3A_154] {strides = array<i32>} : memref<6400xf32, #tpu.memory_space<vmem>>, vector<16xf32>,
        %mul3A_156 = arith.constant 128 : i32
        %mul3A_157 = arith.muli %scan3A_116, %mul3A_156 : i32
        %add3A_158 = arith.constant 80 : i32
        %add3A_159 = arith.addi %mul3A_157, %add3A_158 : i32
        %get3A_160 = arith.index_cast %add3A_159 : i32 to index
        %get3A_161 = tpu.vector_load %arg9[%get3A_160] {strides = array<i32>} : memref<6400xi32, #tpu.memory_space<vmem>>, vector<16xi32>,
        %get3A_162 = arith.index_cast %add3A_159 : i32 to index
        %get3A_163 = tpu.vector_load %arg11[%get3A_162] {strides = array<i32>} : memref<6400xf32, #tpu.memory_space<vmem>>, vector<16xf32>,
        %mul3A_164 = arith.constant 128 : i32
        %mul3A_165 = arith.muli %scan3A_116, %mul3A_164 : i32
        %add3A_166 = arith.constant 96 : i32
        %add3A_167 = arith.addi %mul3A_165, %add3A_166 : i32
        %get3A_168 = arith.index_cast %add3A_167 : i32 to index
        %get3A_169 = tpu.vector_load %arg9[%get3A_168] {strides = array<i32>} : memref<6400xi32, #tpu.memory_space<vmem>>, vector<16xi32>,
        %get3A_170 = arith.index_cast %add3A_167 : i32 to index
        %get3A_171 = tpu.vector_load %arg11[%get3A_170] {strides = array<i32>} : memref<6400xf32, #tpu.memory_space<vmem>>, vector<16xf32>,
        %mul3A_172 = arith.constant 128 : i32
        %mul3A_173 = arith.muli %scan3A_116, %mul3A_172 : i32
        %add3A_174 = arith.constant 112 : i32
        %add3A_175 = arith.addi %mul3A_173, %add3A_174 : i32
        %get3A_176 = arith.index_cast %add3A_175 : i32 to index
        %get3A_177 = tpu.vector_load %arg9[%get3A_176] {strides = array<i32>} : memref<6400xi32, #tpu.memory_space<vmem>>, vector<16xi32>,
        %get3A_178 = arith.index_cast %add3A_175 : i32 to index
        %get3A_179 = tpu.vector_load %arg11[%get3A_178] {strides = array<i32>} : memref<6400xf32, #tpu.memory_space<vmem>>, vector<16xf32>,
        %shift_right_logical3A = arith.constant 16 : i32
        %shift_right_logical3A_180 = vector.broadcast %shift_right_logical3A : i32 to vector<16xi32>
        %shift_right_logical3A_181 = arith.shrui %get3A_121, %shift_right_logical3A_180 : vector<16xi32>
        %shift_right_logical3A_182 = arith.constant 16 : i32
        %shift_right_logical3A_183 = vector.broadcast %shift_right_logical3A_182 : i32 to vector<16xi32>
        %shift_right_logical3A_184 = arith.shrui %get3A_129, %shift_right_logical3A_183 : vector<16xi32>
        %shift_right_logical3A_185 = arith.constant 16 : i32
        %shift_right_logical3A_186 = vector.broadcast %shift_right_logical3A_185 : i32 to vector<16xi32>
        %shift_right_logical3A_187 = arith.shrui %get3A_137, %shift_right_logical3A_186 : vector<16xi32>
        %shift_right_logical3A_188 = arith.constant 16 : i32
        %shift_right_logical3A_189 = vector.broadcast %shift_right_logical3A_188 : i32 to vector<16xi32>
        %shift_right_logical3A_190 = arith.shrui %get3A_145, %shift_right_logical3A_189 : vector<16xi32>
        %shift_right_logical3A_191 = arith.constant 16 : i32
        %shift_right_logical3A_192 = vector.broadcast %shift_right_logical3A_191 : i32 to vector<16xi32>
        %shift_right_logical3A_193 = arith.shrui %get3A_153, %shift_right_logical3A_192 : vector<16xi32>
        %shift_right_logical3A_194 = arith.constant 16 : i32
        %shift_right_logical3A_195 = vector.broadcast %shift_right_logical3A_194 : i32 to vector<16xi32>
        %shift_right_logical3A_196 = arith.shrui %get3A_161, %shift_right_logical3A_195 : vector<16xi32>
        %shift_right_logical3A_197 = arith.constant 16 : i32
        %shift_right_logical3A_198 = vector.broadcast %shift_right_logical3A_197 : i32 to vector<16xi32>
        %shift_right_logical3A_199 = arith.shrui %get3A_169, %shift_right_logical3A_198 : vector<16xi32>
        %shift_right_logical3A_200 = arith.constant 16 : i32
        %shift_right_logical3A_201 = vector.broadcast %shift_right_logical3A_200 : i32 to vector<16xi32>
        %shift_right_logical3A_202 = arith.shrui %get3A_177, %shift_right_logical3A_201 : vector<16xi32>
        %and3A = arith.constant 65535 : i32
        %and3A_203 = vector.broadcast %and3A : i32 to vector<16xi32>
        %and3A_204 = arith.andi %get3A_121, %and3A_203 : vector<16xi32>
        %and3A_205 = arith.constant 65535 : i32
        %and3A_206 = vector.broadcast %and3A_205 : i32 to vector<16xi32>
        %and3A_207 = arith.andi %get3A_129, %and3A_206 : vector<16xi32>
        %and3A_208 = arith.constant 65535 : i32
        %and3A_209 = vector.broadcast %and3A_208 : i32 to vector<16xi32>
        %and3A_210 = arith.andi %get3A_137, %and3A_209 : vector<16xi32>
        %and3A_211 = arith.constant 65535 : i32
        %and3A_212 = vector.broadcast %and3A_211 : i32 to vector<16xi32>
        %and3A_213 = arith.andi %get3A_145, %and3A_212 : vector<16xi32>
        %and3A_214 = arith.constant 65535 : i32
        %and3A_215 = vector.broadcast %and3A_214 : i32 to vector<16xi32>
        %and3A_216 = arith.andi %get3A_153, %and3A_215 : vector<16xi32>
        %and3A_217 = arith.constant 65535 : i32
        %and3A_218 = vector.broadcast %and3A_217 : i32 to vector<16xi32>
        %and3A_219 = arith.andi %get3A_161, %and3A_218 : vector<16xi32>
        %and3A_220 = arith.constant 65535 : i32
        %and3A_221 = vector.broadcast %and3A_220 : i32 to vector<16xi32>
        %and3A_222 = arith.andi %get3A_169, %and3A_221 : vector<16xi32>
        %and3A_223 = arith.constant 65535 : i32
        %and3A_224 = vector.broadcast %and3A_223 : i32 to vector<16xi32>
        %and3A_225 = arith.andi %get3A_177, %and3A_224 : vector<16xi32>
        %add3A_226 = arith.constant 0 : i32
        %add3A_227 = vector.broadcast %add3A_226 : i32 to vector<16xi32>
        %add3A_228 = arith.addi %shift_right_logical3A_181, %add3A_227 : vector<16xi32>
        %gather3A = tpu.vector_load_idx %arg6[%add3A_228] : memref<40000xf32, #tpu.memory_space<vmem>>[vector<16xi32>], vector<16xf32>,
        %add3A_229 = arith.constant 10000 : i32
        %add3A_230 = vector.broadcast %add3A_229 : i32 to vector<16xi32>
        %add3A_231 = arith.addi %shift_right_logical3A_181, %add3A_230 : vector<16xi32>
        %gather3A_232 = tpu.vector_load_idx %arg6[%add3A_231] : memref<40000xf32, #tpu.memory_space<vmem>>[vector<16xi32>], vector<16xf32>,
        %add3A_233 = arith.constant 20000 : i32
        %add3A_234 = vector.broadcast %add3A_233 : i32 to vector<16xi32>
        %add3A_235 = arith.addi %shift_right_logical3A_181, %add3A_234 : vector<16xi32>
        %gather3A_236 = tpu.vector_load_idx %arg6[%add3A_235] : memref<40000xf32, #tpu.memory_space<vmem>>[vector<16xi32>], vector<16xf32>,
        %add3A_237 = arith.constant 30000 : i32
        %add3A_238 = vector.broadcast %add3A_237 : i32 to vector<16xi32>
        %add3A_239 = arith.addi %shift_right_logical3A_181, %add3A_238 : vector<16xi32>
        %gather3A_240 = tpu.vector_load_idx %arg6[%add3A_239] : memref<40000xf32, #tpu.memory_space<vmem>>[vector<16xi32>], vector<16xf32>,
        %add3A_241 = arith.constant 0 : i32
        %add3A_242 = vector.broadcast %add3A_241 : i32 to vector<16xi32>
        %add3A_243 = arith.addi %shift_right_logical3A_184, %add3A_242 : vector<16xi32>
        %gather3A_244 = tpu.vector_load_idx %arg6[%add3A_243] : memref<40000xf32, #tpu.memory_space<vmem>>[vector<16xi32>], vector<16xf32>,
        %add3A_245 = arith.constant 10000 : i32
        %add3A_246 = vector.broadcast %add3A_245 : i32 to vector<16xi32>
        %add3A_247 = arith.addi %shift_right_logical3A_184, %add3A_246 : vector<16xi32>
        %gather3A_248 = tpu.vector_load_idx %arg6[%add3A_247] : memref<40000xf32, #tpu.memory_space<vmem>>[vector<16xi32>], vector<16xf32>,
        %add3A_249 = arith.constant 20000 : i32
        %add3A_250 = vector.broadcast %add3A_249 : i32 to vector<16xi32>
        %add3A_251 = arith.addi %shift_right_logical3A_184, %add3A_250 : vector<16xi32>
        %gather3A_252 = tpu.vector_load_idx %arg6[%add3A_251] : memref<40000xf32, #tpu.memory_space<vmem>>[vector<16xi32>], vector<16xf32>,
        %add3A_253 = arith.constant 30000 : i32
        %add3A_254 = vector.broadcast %add3A_253 : i32 to vector<16xi32>
        %add3A_255 = arith.addi %shift_right_logical3A_184, %add3A_254 : vector<16xi32>
        %gather3A_256 = tpu.vector_load_idx %arg6[%add3A_255] : memref<40000xf32, #tpu.memory_space<vmem>>[vector<16xi32>], vector<16xf32>,
        %add3A_257 = arith.constant 0 : i32
        %add3A_258 = vector.broadcast %add3A_257 : i32 to vector<16xi32>
        %add3A_259 = arith.addi %shift_right_logical3A_187, %add3A_258 : vector<16xi32>
        %gather3A_260 = tpu.vector_load_idx %arg6[%add3A_259] : memref<40000xf32, #tpu.memory_space<vmem>>[vector<16xi32>], vector<16xf32>,
        %add3A_261 = arith.constant 10000 : i32
        %add3A_262 = vector.broadcast %add3A_261 : i32 to vector<16xi32>
        %add3A_263 = arith.addi %shift_right_logical3A_187, %add3A_262 : vector<16xi32>
        %gather3A_264 = tpu.vector_load_idx %arg6[%add3A_263] : memref<40000xf32, #tpu.memory_space<vmem>>[vector<16xi32>], vector<16xf32>,
        %add3A_265 = arith.constant 20000 : i32
        %add3A_266 = vector.broadcast %add3A_265 : i32 to vector<16xi32>
        %add3A_267 = arith.addi %shift_right_logical3A_187, %add3A_266 : vector<16xi32>
        %gather3A_268 = tpu.vector_load_idx %arg6[%add3A_267] : memref<40000xf32, #tpu.memory_space<vmem>>[vector<16xi32>], vector<16xf32>,
        %add3A_269 = arith.constant 30000 : i32
        %add3A_270 = vector.broadcast %add3A_269 : i32 to vector<16xi32>
        %add3A_271 = arith.addi %shift_right_logical3A_187, %add3A_270 : vector<16xi32>
        %gather3A_272 = tpu.vector_load_idx %arg6[%add3A_271] : memref<40000xf32, #tpu.memory_space<vmem>>[vector<16xi32>], vector<16xf32>,
        %add3A_273 = arith.constant 0 : i32
        %add3A_274 = vector.broadcast %add3A_273 : i32 to vector<16xi32>
        %add3A_275 = arith.addi %shift_right_logical3A_190, %add3A_274 : vector<16xi32>
        %gather3A_276 = tpu.vector_load_idx %arg6[%add3A_275] : memref<40000xf32, #tpu.memory_space<vmem>>[vector<16xi32>], vector<16xf32>,
        %add3A_277 = arith.constant 10000 : i32
        %add3A_278 = vector.broadcast %add3A_277 : i32 to vector<16xi32>
        %add3A_279 = arith.addi %shift_right_logical3A_190, %add3A_278 : vector<16xi32>
        %gather3A_280 = tpu.vector_load_idx %arg6[%add3A_279] : memref<40000xf32, #tpu.memory_space<vmem>>[vector<16xi32>], vector<16xf32>,
        %add3A_281 = arith.constant 20000 : i32
        %add3A_282 = vector.broadcast %add3A_281 : i32 to vector<16xi32>
        %add3A_283 = arith.addi %shift_right_logical3A_190, %add3A_282 : vector<16xi32>
        %gather3A_284 = tpu.vector_load_idx %arg6[%add3A_283] : memref<40000xf32, #tpu.memory_space<vmem>>[vector<16xi32>], vector<16xf32>,
        %add3A_285 = arith.constant 30000 : i32
        %add3A_286 = vector.broadcast %add3A_285 : i32 to vector<16xi32>
        %add3A_287 = arith.addi %shift_right_logical3A_190, %add3A_286 : vector<16xi32>
        %gather3A_288 = tpu.vector_load_idx %arg6[%add3A_287] : memref<40000xf32, #tpu.memory_space<vmem>>[vector<16xi32>], vector<16xf32>,
        %add3A_289 = arith.constant 0 : i32
        %add3A_290 = vector.broadcast %add3A_289 : i32 to vector<16xi32>
        %add3A_291 = arith.addi %shift_right_logical3A_193, %add3A_290 : vector<16xi32>
        %gather3A_292 = tpu.vector_load_idx %arg6[%add3A_291] : memref<40000xf32, #tpu.memory_space<vmem>>[vector<16xi32>], vector<16xf32>,
        %add3A_293 = arith.constant 10000 : i32
        %add3A_294 = vector.broadcast %add3A_293 : i32 to vector<16xi32>
        %add3A_295 = arith.addi %shift_right_logical3A_193, %add3A_294 : vector<16xi32>
        %gather3A_296 = tpu.vector_load_idx %arg6[%add3A_295] : memref<40000xf32, #tpu.memory_space<vmem>>[vector<16xi32>], vector<16xf32>,
        %add3A_297 = arith.constant 20000 : i32
        %add3A_298 = vector.broadcast %add3A_297 : i32 to vector<16xi32>
        %add3A_299 = arith.addi %shift_right_logical3A_193, %add3A_298 : vector<16xi32>
        %gather3A_300 = tpu.vector_load_idx %arg6[%add3A_299] : memref<40000xf32, #tpu.memory_space<vmem>>[vector<16xi32>], vector<16xf32>,
        %add3A_301 = arith.constant 30000 : i32
        %add3A_302 = vector.broadcast %add3A_301 : i32 to vector<16xi32>
        %add3A_303 = arith.addi %shift_right_logical3A_193, %add3A_302 : vector<16xi32>
        %gather3A_304 = tpu.vector_load_idx %arg6[%add3A_303] : memref<40000xf32, #tpu.memory_space<vmem>>[vector<16xi32>], vector<16xf32>,
        %add3A_305 = arith.constant 0 : i32
        %add3A_306 = vector.broadcast %add3A_305 : i32 to vector<16xi32>
        %add3A_307 = arith.addi %shift_right_logical3A_196, %add3A_306 : vector<16xi32>
        %gather3A_308 = tpu.vector_load_idx %arg6[%add3A_307] : memref<40000xf32, #tpu.memory_space<vmem>>[vector<16xi32>], vector<16xf32>,
        %add3A_309 = arith.constant 10000 : i32
        %add3A_310 = vector.broadcast %add3A_309 : i32 to vector<16xi32>
        %add3A_311 = arith.addi %shift_right_logical3A_196, %add3A_310 : vector<16xi32>
        %gather3A_312 = tpu.vector_load_idx %arg6[%add3A_311] : memref<40000xf32, #tpu.memory_space<vmem>>[vector<16xi32>], vector<16xf32>,
        %add3A_313 = arith.constant 20000 : i32
        %add3A_314 = vector.broadcast %add3A_313 : i32 to vector<16xi32>
        %add3A_315 = arith.addi %shift_right_logical3A_196, %add3A_314 : vector<16xi32>
        %gather3A_316 = tpu.vector_load_idx %arg6[%add3A_315] : memref<40000xf32, #tpu.memory_space<vmem>>[vector<16xi32>], vector<16xf32>,
        %add3A_317 = arith.constant 30000 : i32
        %add3A_318 = vector.broadcast %add3A_317 : i32 to vector<16xi32>
        %add3A_319 = arith.addi %shift_right_logical3A_196, %add3A_318 : vector<16xi32>
        %gather3A_320 = tpu.vector_load_idx %arg6[%add3A_319] : memref<40000xf32, #tpu.memory_space<vmem>>[vector<16xi32>], vector<16xf32>,
        %add3A_321 = arith.constant 0 : i32
        %add3A_322 = vector.broadcast %add3A_321 : i32 to vector<16xi32>
        %add3A_323 = arith.addi %shift_right_logical3A_199, %add3A_322 : vector<16xi32>
        %gather3A_324 = tpu.vector_load_idx %arg6[%add3A_323] : memref<40000xf32, #tpu.memory_space<vmem>>[vector<16xi32>], vector<16xf32>,
        %add3A_325 = arith.constant 10000 : i32
        %add3A_326 = vector.broadcast %add3A_325 : i32 to vector<16xi32>
        %add3A_327 = arith.addi %shift_right_logical3A_199, %add3A_326 : vector<16xi32>
        %gather3A_328 = tpu.vector_load_idx %arg6[%add3A_327] : memref<40000xf32, #tpu.memory_space<vmem>>[vector<16xi32>], vector<16xf32>,
        %add3A_329 = arith.constant 20000 : i32
        %add3A_330 = vector.broadcast %add3A_329 : i32 to vector<16xi32>
        %add3A_331 = arith.addi %shift_right_logical3A_199, %add3A_330 : vector<16xi32>
        %gather3A_332 = tpu.vector_load_idx %arg6[%add3A_331] : memref<40000xf32, #tpu.memory_space<vmem>>[vector<16xi32>], vector<16xf32>,
        %add3A_333 = arith.constant 30000 : i32
        %add3A_334 = vector.broadcast %add3A_333 : i32 to vector<16xi32>
        %add3A_335 = arith.addi %shift_right_logical3A_199, %add3A_334 : vector<16xi32>
        %gather3A_336 = tpu.vector_load_idx %arg6[%add3A_335] : memref<40000xf32, #tpu.memory_space<vmem>>[vector<16xi32>], vector<16xf32>,
        %add3A_337 = arith.constant 0 : i32
        %add3A_338 = vector.broadcast %add3A_337 : i32 to vector<16xi32>
        %add3A_339 = arith.addi %shift_right_logical3A_202, %add3A_338 : vector<16xi32>
        %gather3A_340 = tpu.vector_load_idx %arg6[%add3A_339] : memref<40000xf32, #tpu.memory_space<vmem>>[vector<16xi32>], vector<16xf32>,
        %add3A_341 = arith.constant 10000 : i32
        %add3A_342 = vector.broadcast %add3A_341 : i32 to vector<16xi32>
        %add3A_343 = arith.addi %shift_right_logical3A_202, %add3A_342 : vector<16xi32>
        %gather3A_344 = tpu.vector_load_idx %arg6[%add3A_343] : memref<40000xf32, #tpu.memory_space<vmem>>[vector<16xi32>], vector<16xf32>,
        %add3A_345 = arith.constant 20000 : i32
        %add3A_346 = vector.broadcast %add3A_345 : i32 to vector<16xi32>
        %add3A_347 = arith.addi %shift_right_logical3A_202, %add3A_346 : vector<16xi32>
        %gather3A_348 = tpu.vector_load_idx %arg6[%add3A_347] : memref<40000xf32, #tpu.memory_space<vmem>>[vector<16xi32>], vector<16xf32>,
        %add3A_349 = arith.constant 30000 : i32
        %add3A_350 = vector.broadcast %add3A_349 : i32 to vector<16xi32>
        %add3A_351 = arith.addi %shift_right_logical3A_202, %add3A_350 : vector<16xi32>
        %gather3A_352 = tpu.vector_load_idx %arg6[%add3A_351] : memref<40000xf32, #tpu.memory_space<vmem>>[vector<16xi32>], vector<16xf32>,
        %add3A_353 = arith.constant 0 : i32
        %add3A_354 = vector.broadcast %add3A_353 : i32 to vector<16xi32>
        %add3A_355 = arith.addi %and3A_204, %add3A_354 : vector<16xi32>
        %mul3A_356 = arith.mulf %gather3A, %get3A_123 : vector<16xf32>
        tpu.vector_store_idx %arg7[%add3A_355], %mul3A_356 {add = true} : memref<40000xf32, #tpu.memory_space<vmem>>[vector<16xi32>], vector<16xf32>,
        %add3A_357 = arith.constant 10000 : i32
        %add3A_358 = vector.broadcast %add3A_357 : i32 to vector<16xi32>
        %add3A_359 = arith.addi %and3A_204, %add3A_358 : vector<16xi32>
        %mul3A_360 = arith.mulf %gather3A_232, %get3A_123 : vector<16xf32>
        tpu.vector_store_idx %arg7[%add3A_359], %mul3A_360 {add = true} : memref<40000xf32, #tpu.memory_space<vmem>>[vector<16xi32>], vector<16xf32>,
        %add3A_361 = arith.constant 20000 : i32
        %add3A_362 = vector.broadcast %add3A_361 : i32 to vector<16xi32>
        %add3A_363 = arith.addi %and3A_204, %add3A_362 : vector<16xi32>
        %mul3A_364 = arith.mulf %gather3A_236, %get3A_123 : vector<16xf32>
        tpu.vector_store_idx %arg7[%add3A_363], %mul3A_364 {add = true} : memref<40000xf32, #tpu.memory_space<vmem>>[vector<16xi32>], vector<16xf32>,
        %add3A_365 = arith.constant 30000 : i32
        %add3A_366 = vector.broadcast %add3A_365 : i32 to vector<16xi32>
        %add3A_367 = arith.addi %and3A_204, %add3A_366 : vector<16xi32>
        %mul3A_368 = arith.mulf %gather3A_240, %get3A_123 : vector<16xf32>
        tpu.vector_store_idx %arg7[%add3A_367], %mul3A_368 {add = true} : memref<40000xf32, #tpu.memory_space<vmem>>[vector<16xi32>], vector<16xf32>,
        %add3A_369 = arith.constant 0 : i32
        %add3A_370 = vector.broadcast %add3A_369 : i32 to vector<16xi32>
        %add3A_371 = arith.addi %and3A_207, %add3A_370 : vector<16xi32>
        %mul3A_372 = arith.mulf %gather3A_244, %get3A_131 : vector<16xf32>
        tpu.vector_store_idx %arg7[%add3A_371], %mul3A_372 {add = true} : memref<40000xf32, #tpu.memory_space<vmem>>[vector<16xi32>], vector<16xf32>,
        %add3A_373 = arith.constant 10000 : i32
        %add3A_374 = vector.broadcast %add3A_373 : i32 to vector<16xi32>
        %add3A_375 = arith.addi %and3A_207, %add3A_374 : vector<16xi32>
        %mul3A_376 = arith.mulf %gather3A_248, %get3A_131 : vector<16xf32>
        tpu.vector_store_idx %arg7[%add3A_375], %mul3A_376 {add = true} : memref<40000xf32, #tpu.memory_space<vmem>>[vector<16xi32>], vector<16xf32>,
        %add3A_377 = arith.constant 20000 : i32
        %add3A_378 = vector.broadcast %add3A_377 : i32 to vector<16xi32>
        %add3A_379 = arith.addi %and3A_207, %add3A_378 : vector<16xi32>
        %mul3A_380 = arith.mulf %gather3A_252, %get3A_131 : vector<16xf32>
        tpu.vector_store_idx %arg7[%add3A_379], %mul3A_380 {add = true} : memref<40000xf32, #tpu.memory_space<vmem>>[vector<16xi32>], vector<16xf32>,
        %add3A_381 = arith.constant 30000 : i32
        %add3A_382 = vector.broadcast %add3A_381 : i32 to vector<16xi32>
        %add3A_383 = arith.addi %and3A_207, %add3A_382 : vector<16xi32>
        %mul3A_384 = arith.mulf %gather3A_256, %get3A_131 : vector<16xf32>
        tpu.vector_store_idx %arg7[%add3A_383], %mul3A_384 {add = true} : memref<40000xf32, #tpu.memory_space<vmem>>[vector<16xi32>], vector<16xf32>,
        %add3A_385 = arith.constant 0 : i32
        %add3A_386 = vector.broadcast %add3A_385 : i32 to vector<16xi32>
        %add3A_387 = arith.addi %and3A_210, %add3A_386 : vector<16xi32>
        %mul3A_388 = arith.mulf %gather3A_260, %get3A_139 : vector<16xf32>
        tpu.vector_store_idx %arg7[%add3A_387], %mul3A_388 {add = true} : memref<40000xf32, #tpu.memory_space<vmem>>[vector<16xi32>], vector<16xf32>,
        %add3A_389 = arith.constant 10000 : i32
        %add3A_390 = vector.broadcast %add3A_389 : i32 to vector<16xi32>
        %add3A_391 = arith.addi %and3A_210, %add3A_390 : vector<16xi32>
        %mul3A_392 = arith.mulf %gather3A_264, %get3A_139 : vector<16xf32>
        tpu.vector_store_idx %arg7[%add3A_391], %mul3A_392 {add = true} : memref<40000xf32, #tpu.memory_space<vmem>>[vector<16xi32>], vector<16xf32>,
        %add3A_393 = arith.constant 20000 : i32
        %add3A_394 = vector.broadcast %add3A_393 : i32 to vector<16xi32>
        %add3A_395 = arith.addi %and3A_210, %add3A_394 : vector<16xi32>
        %mul3A_396 = arith.mulf %gather3A_268, %get3A_139 : vector<16xf32>
        tpu.vector_store_idx %arg7[%add3A_395], %mul3A_396 {add = true} : memref<40000xf32, #tpu.memory_space<vmem>>[vector<16xi32>], vector<16xf32>,
        %add3A_397 = arith.constant 30000 : i32
        %add3A_398 = vector.broadcast %add3A_397 : i32 to vector<16xi32>
        %add3A_399 = arith.addi %and3A_210, %add3A_398 : vector<16xi32>
        %mul3A_400 = arith.mulf %gather3A_272, %get3A_139 : vector<16xf32>
        tpu.vector_store_idx %arg7[%add3A_399], %mul3A_400 {add = true} : memref<40000xf32, #tpu.memory_space<vmem>>[vector<16xi32>], vector<16xf32>,
        %add3A_401 = arith.constant 0 : i32
        %add3A_402 = vector.broadcast %add3A_401 : i32 to vector<16xi32>
        %add3A_403 = arith.addi %and3A_213, %add3A_402 : vector<16xi32>
        %mul3A_404 = arith.mulf %gather3A_276, %get3A_147 : vector<16xf32>
        tpu.vector_store_idx %arg7[%add3A_403], %mul3A_404 {add = true} : memref<40000xf32, #tpu.memory_space<vmem>>[vector<16xi32>], vector<16xf32>,
        %add3A_405 = arith.constant 10000 : i32
        %add3A_406 = vector.broadcast %add3A_405 : i32 to vector<16xi32>
        %add3A_407 = arith.addi %and3A_213, %add3A_406 : vector<16xi32>
        %mul3A_408 = arith.mulf %gather3A_280, %get3A_147 : vector<16xf32>
        tpu.vector_store_idx %arg7[%add3A_407], %mul3A_408 {add = true} : memref<40000xf32, #tpu.memory_space<vmem>>[vector<16xi32>], vector<16xf32>,
        %add3A_409 = arith.constant 20000 : i32
        %add3A_410 = vector.broadcast %add3A_409 : i32 to vector<16xi32>
        %add3A_411 = arith.addi %and3A_213, %add3A_410 : vector<16xi32>
        %mul3A_412 = arith.mulf %gather3A_284, %get3A_147 : vector<16xf32>
        tpu.vector_store_idx %arg7[%add3A_411], %mul3A_412 {add = true} : memref<40000xf32, #tpu.memory_space<vmem>>[vector<16xi32>], vector<16xf32>,
        %add3A_413 = arith.constant 30000 : i32
        %add3A_414 = vector.broadcast %add3A_413 : i32 to vector<16xi32>
        %add3A_415 = arith.addi %and3A_213, %add3A_414 : vector<16xi32>
        %mul3A_416 = arith.mulf %gather3A_288, %get3A_147 : vector<16xf32>
        tpu.vector_store_idx %arg7[%add3A_415], %mul3A_416 {add = true} : memref<40000xf32, #tpu.memory_space<vmem>>[vector<16xi32>], vector<16xf32>,
        %add3A_417 = arith.constant 0 : i32
        %add3A_418 = vector.broadcast %add3A_417 : i32 to vector<16xi32>
        %add3A_419 = arith.addi %and3A_216, %add3A_418 : vector<16xi32>
        %mul3A_420 = arith.mulf %gather3A_292, %get3A_155 : vector<16xf32>
        tpu.vector_store_idx %arg7[%add3A_419], %mul3A_420 {add = true} : memref<40000xf32, #tpu.memory_space<vmem>>[vector<16xi32>], vector<16xf32>,
        %add3A_421 = arith.constant 10000 : i32
        %add3A_422 = vector.broadcast %add3A_421 : i32 to vector<16xi32>
        %add3A_423 = arith.addi %and3A_216, %add3A_422 : vector<16xi32>
        %mul3A_424 = arith.mulf %gather3A_296, %get3A_155 : vector<16xf32>
        tpu.vector_store_idx %arg7[%add3A_423], %mul3A_424 {add = true} : memref<40000xf32, #tpu.memory_space<vmem>>[vector<16xi32>], vector<16xf32>,
        %add3A_425 = arith.constant 20000 : i32
        %add3A_426 = vector.broadcast %add3A_425 : i32 to vector<16xi32>
        %add3A_427 = arith.addi %and3A_216, %add3A_426 : vector<16xi32>
        %mul3A_428 = arith.mulf %gather3A_300, %get3A_155 : vector<16xf32>
        tpu.vector_store_idx %arg7[%add3A_427], %mul3A_428 {add = true} : memref<40000xf32, #tpu.memory_space<vmem>>[vector<16xi32>], vector<16xf32>,
        %add3A_429 = arith.constant 30000 : i32
        %add3A_430 = vector.broadcast %add3A_429 : i32 to vector<16xi32>
        %add3A_431 = arith.addi %and3A_216, %add3A_430 : vector<16xi32>
        %mul3A_432 = arith.mulf %gather3A_304, %get3A_155 : vector<16xf32>
        tpu.vector_store_idx %arg7[%add3A_431], %mul3A_432 {add = true} : memref<40000xf32, #tpu.memory_space<vmem>>[vector<16xi32>], vector<16xf32>,
        %add3A_433 = arith.constant 0 : i32
        %add3A_434 = vector.broadcast %add3A_433 : i32 to vector<16xi32>
        %add3A_435 = arith.addi %and3A_219, %add3A_434 : vector<16xi32>
        %mul3A_436 = arith.mulf %gather3A_308, %get3A_163 : vector<16xf32>
        tpu.vector_store_idx %arg7[%add3A_435], %mul3A_436 {add = true} : memref<40000xf32, #tpu.memory_space<vmem>>[vector<16xi32>], vector<16xf32>,
        %add3A_437 = arith.constant 10000 : i32
        %add3A_438 = vector.broadcast %add3A_437 : i32 to vector<16xi32>
        %add3A_439 = arith.addi %and3A_219, %add3A_438 : vector<16xi32>
        %mul3A_440 = arith.mulf %gather3A_312, %get3A_163 : vector<16xf32>
        tpu.vector_store_idx %arg7[%add3A_439], %mul3A_440 {add = true} : memref<40000xf32, #tpu.memory_space<vmem>>[vector<16xi32>], vector<16xf32>,
        %add3A_441 = arith.constant 20000 : i32
        %add3A_442 = vector.broadcast %add3A_441 : i32 to vector<16xi32>
        %add3A_443 = arith.addi %and3A_219, %add3A_442 : vector<16xi32>
        %mul3A_444 = arith.mulf %gather3A_316, %get3A_163 : vector<16xf32>
        tpu.vector_store_idx %arg7[%add3A_443], %mul3A_444 {add = true} : memref<40000xf32, #tpu.memory_space<vmem>>[vector<16xi32>], vector<16xf32>,
        %add3A_445 = arith.constant 30000 : i32
        %add3A_446 = vector.broadcast %add3A_445 : i32 to vector<16xi32>
        %add3A_447 = arith.addi %and3A_219, %add3A_446 : vector<16xi32>
        %mul3A_448 = arith.mulf %gather3A_320, %get3A_163 : vector<16xf32>
        tpu.vector_store_idx %arg7[%add3A_447], %mul3A_448 {add = true} : memref<40000xf32, #tpu.memory_space<vmem>>[vector<16xi32>], vector<16xf32>,
        %add3A_449 = arith.constant 0 : i32
        %add3A_450 = vector.broadcast %add3A_449 : i32 to vector<16xi32>
        %add3A_451 = arith.addi %and3A_222, %add3A_450 : vector<16xi32>
        %mul3A_452 = arith.mulf %gather3A_324, %get3A_171 : vector<16xf32>
        tpu.vector_store_idx %arg7[%add3A_451], %mul3A_452 {add = true} : memref<40000xf32, #tpu.memory_space<vmem>>[vector<16xi32>], vector<16xf32>,
        %add3A_453 = arith.constant 10000 : i32
        %add3A_454 = vector.broadcast %add3A_453 : i32 to vector<16xi32>
        %add3A_455 = arith.addi %and3A_222, %add3A_454 : vector<16xi32>
        %mul3A_456 = arith.mulf %gather3A_328, %get3A_171 : vector<16xf32>
        tpu.vector_store_idx %arg7[%add3A_455], %mul3A_456 {add = true} : memref<40000xf32, #tpu.memory_space<vmem>>[vector<16xi32>], vector<16xf32>,
        %add3A_457 = arith.constant 20000 : i32
        %add3A_458 = vector.broadcast %add3A_457 : i32 to vector<16xi32>
        %add3A_459 = arith.addi %and3A_222, %add3A_458 : vector<16xi32>
        %mul3A_460 = arith.mulf %gather3A_332, %get3A_171 : vector<16xf32>
        tpu.vector_store_idx %arg7[%add3A_459], %mul3A_460 {add = true} : memref<40000xf32, #tpu.memory_space<vmem>>[vector<16xi32>], vector<16xf32>,
        %add3A_461 = arith.constant 30000 : i32
        %add3A_462 = vector.broadcast %add3A_461 : i32 to vector<16xi32>
        %add3A_463 = arith.addi %and3A_222, %add3A_462 : vector<16xi32>
        %mul3A_464 = arith.mulf %gather3A_336, %get3A_171 : vector<16xf32>
        tpu.vector_store_idx %arg7[%add3A_463], %mul3A_464 {add = true} : memref<40000xf32, #tpu.memory_space<vmem>>[vector<16xi32>], vector<16xf32>,
        %add3A_465 = arith.constant 0 : i32
        %add3A_466 = vector.broadcast %add3A_465 : i32 to vector<16xi32>
        %add3A_467 = arith.addi %and3A_225, %add3A_466 : vector<16xi32>
        %mul3A_468 = arith.mulf %gather3A_340, %get3A_179 : vector<16xf32>
        tpu.vector_store_idx %arg7[%add3A_467], %mul3A_468 {add = true} : memref<40000xf32, #tpu.memory_space<vmem>>[vector<16xi32>], vector<16xf32>,
        %add3A_469 = arith.constant 10000 : i32
        %add3A_470 = vector.broadcast %add3A_469 : i32 to vector<16xi32>
        %add3A_471 = arith.addi %and3A_225, %add3A_470 : vector<16xi32>
        %mul3A_472 = arith.mulf %gather3A_344, %get3A_179 : vector<16xf32>
        tpu.vector_store_idx %arg7[%add3A_471], %mul3A_472 {add = true} : memref<40000xf32, #tpu.memory_space<vmem>>[vector<16xi32>], vector<16xf32>,
        %add3A_473 = arith.constant 20000 : i32
        %add3A_474 = vector.broadcast %add3A_473 : i32 to vector<16xi32>
        %add3A_475 = arith.addi %and3A_225, %add3A_474 : vector<16xi32>
        %mul3A_476 = arith.mulf %gather3A_348, %get3A_179 : vector<16xf32>
        tpu.vector_store_idx %arg7[%add3A_475], %mul3A_476 {add = true} : memref<40000xf32, #tpu.memory_space<vmem>>[vector<16xi32>], vector<16xf32>,
        %add3A_477 = arith.constant 30000 : i32
        %add3A_478 = vector.broadcast %add3A_477 : i32 to vector<16xi32>
        %add3A_479 = arith.addi %and3A_225, %add3A_478 : vector<16xi32>
        %mul3A_480 = arith.mulf %gather3A_352, %get3A_179 : vector<16xf32>
        tpu.vector_store_idx %arg7[%add3A_479], %mul3A_480 {add = true} : memref<40000xf32, #tpu.memory_space<vmem>>[vector<16xi32>], vector<16xf32>,
      }
      %scan3A_107 = arith.constant 50 : i32
      %add3A_108 = arith.constant 2 : i32
      %add3A_109 = arith.addi %add3A_93, %add3A_108 : i32
      %mul3A_110 = arith.constant 6400 : i32
      %mul3A_111 = arith.muli %add3A_109, %mul3A_110 : i32
      %dma_start3A_112 = tpu.memref_slice %arg3[%mul3A_111] : memref<320000xi32, #tpu.memory_space<hbm>> -> memref<6400xi32, #tpu.memory_space<hbm>>
      %dma_start3A_113 = tpu.memref_slice %arg3[%mul3A_111] : memref<320000xi32, #tpu.memory_space<hbm>> -> memref<6400xi32, #tpu.memory_space<hbm>>
      tpu.enqueue_dma source(%dma_start3A_113 : memref<6400xi32, #tpu.memory_space<hbm>>) target(%arg9 : memref<6400xi32, #tpu.memory_space<vmem>>) target_semaphore(%arg13 : memref<!tpu.dma_semaphore, #tpu.memory_space<semaphore_mem>>)
      %dma_start3A_114 = tpu.memref_slice %arg4[%mul3A_111] : memref<320000xf32, #tpu.memory_space<hbm>> -> memref<6400xf32, #tpu.memory_space<hbm>>
      %dma_start3A_115 = tpu.memref_slice %arg4[%mul3A_111] : memref<320000xf32, #tpu.memory_space<hbm>> -> memref<6400xf32, #tpu.memory_space<hbm>>
      tpu.enqueue_dma source(%dma_start3A_115 : memref<6400xf32, #tpu.memory_space<hbm>>) target(%arg11 : memref<6400xf32, #tpu.memory_space<vmem>>) target_semaphore(%arg13 : memref<!tpu.dma_semaphore, #tpu.memory_space<semaphore_mem>>)
    }
    %scan3A_29 = arith.constant 24 : i32
    %dma_wait3A = arith.constant 0 : i32
    %dma_wait3A_30 = tpu.memref_slice %arg3[%dma_wait3A] : memref<320000xi32, #tpu.memory_space<hbm>> -> memref<6400xi32, #tpu.memory_space<hbm>>
    %dma_wait3A_31 = arith.constant 0 : i32
    %dma_wait3A_32 = tpu.memref_slice %arg3[%dma_wait3A_31] : memref<320000xi32, #tpu.memory_space<hbm>> -> memref<6400xi32, #tpu.memory_space<hbm>>
    tpu.wait_dma2 semaphore(%arg12 : memref<!tpu.dma_semaphore, #tpu.memory_space<semaphore_mem>>) src(%dma_wait3A_32 : memref<6400xi32, #tpu.memory_space<hbm>>) dst(%arg8 : memref<6400xi32, #tpu.memory_space<vmem>>)
    %dma_wait3A_33 = arith.constant 0 : i32
    %dma_wait3A_34 = tpu.memref_slice %arg4[%dma_wait3A_33] : memref<320000xf32, #tpu.memory_space<hbm>> -> memref<6400xf32, #tpu.memory_space<hbm>>
    %dma_wait3A_35 = arith.constant 0 : i32
    %dma_wait3A_36 = tpu.memref_slice %arg4[%dma_wait3A_35] : memref<320000xf32, #tpu.memory_space<hbm>> -> memref<6400xf32, #tpu.memory_space<hbm>>
    tpu.wait_dma2 semaphore(%arg12 : memref<!tpu.dma_semaphore, #tpu.memory_space<semaphore_mem>>) src(%dma_wait3A_36 : memref<6400xf32, #tpu.memory_space<hbm>>) dst(%arg10 : memref<6400xf32, #tpu.memory_space<vmem>>)
    %scan3A_37 = arith.constant 0 : i32
    %scan3A_38 = arith.constant 0 : i32
    %scan3A_39 = arith.constant 50 : i32
    %scan3A_40 = arith.addi %scan3A_38, %scan3A_39 : i32
    %scan3A_41 = arith.constant 1 : i32
    scf.for %scan3A_63 = %scan3A_38 to %scan3A_40 step %scan3A_41  : i32 {
      %mul3A_64 = arith.constant 128 : i32
      %mul3A_65 = arith.muli %scan3A_63, %mul3A_64 : i32
      %add3A_66 = arith.constant 0 : i32
      %add3A_67 = arith.addi %mul3A_65, %add3A_66 : i32
      %get3A = arith.index_cast %add3A_67 : i32 to index
      %get3A_68 = tpu.vector_load %arg8[%get3A] {strides = array<i32>} : memref<6400xi32, #tpu.memory_space<vmem>>, vector<16xi32>,
      %get3A_69 = arith.index_cast %add3A_67 : i32 to index
      %get3A_70 = tpu.vector_load %arg10[%get3A_69] {strides = array<i32>} : memref<6400xf32, #tpu.memory_space<vmem>>, vector<16xf32>,
      %mul3A_71 = arith.constant 128 : i32
      %mul3A_72 = arith.muli %scan3A_63, %mul3A_71 : i32
      %add3A_73 = arith.constant 16 : i32
      %add3A_74 = arith.addi %mul3A_72, %add3A_73 : i32
      %get3A_75 = arith.index_cast %add3A_74 : i32 to index
      %get3A_76 = tpu.vector_load %arg8[%get3A_75] {strides = array<i32>} : memref<6400xi32, #tpu.memory_space<vmem>>, vector<16xi32>,
      %get3A_77 = arith.index_cast %add3A_74 : i32 to index
      %get3A_78 = tpu.vector_load %arg10[%get3A_77] {strides = array<i32>} : memref<6400xf32, #tpu.memory_space<vmem>>, vector<16xf32>,
      %mul3A_79 = arith.constant 128 : i32
      %mul3A_80 = arith.muli %scan3A_63, %mul3A_79 : i32
      %add3A_81 = arith.constant 32 : i32
      %add3A_82 = arith.addi %mul3A_80, %add3A_81 : i32
      %get3A_83 = arith.index_cast %add3A_82 : i32 to index
      %get3A_84 = tpu.vector_load %arg8[%get3A_83] {strides = array<i32>} : memref<6400xi32, #tpu.memory_space<vmem>>, vector<16xi32>,
      %get3A_85 = arith.index_cast %add3A_82 : i32 to index
      %get3A_86 = tpu.vector_load %arg10[%get3A_85] {strides = array<i32>} : memref<6400xf32, #tpu.memory_space<vmem>>, vector<16xf32>,
      %mul3A_87 = arith.constant 128 : i32
      %mul3A_88 = arith.muli %scan3A_63, %mul3A_87 : i32
      %add3A_89 = arith.constant 48 : i32
      %add3A_90 = arith.addi %mul3A_88, %add3A_89 : i32
      %get3A_91 = arith.index_cast %add3A_90 : i32 to index
      %get3A_92 = tpu.vector_load %arg8[%get3A_91] {strides = array<i32>} : memref<6400xi32, #tpu.memory_space<vmem>>, vector<16xi32>,
      %get3A_93 = arith.index_cast %add3A_90 : i32 to index
      %get3A_94 = tpu.vector_load %arg10[%get3A_93] {strides = array<i32>} : memref<6400xf32, #tpu.memory_space<vmem>>, vector<16xf32>,
      %mul3A_95 = arith.constant 128 : i32
      %mul3A_96 = arith.muli %scan3A_63, %mul3A_95 : i32
      %add3A_97 = arith.constant 64 : i32
      %add3A_98 = arith.addi %mul3A_96, %add3A_97 : i32
      %get3A_99 = arith.index_cast %add3A_98 : i32 to index
      %get3A_100 = tpu.vector_load %arg8[%get3A_99] {strides = array<i32>} : memref<6400xi32, #tpu.memory_space<vmem>>, vector<16xi32>,
      %get3A_101 = arith.index_cast %add3A_98 : i32 to index
      %get3A_102 = tpu.vector_load %arg10[%get3A_101] {strides = array<i32>} : memref<6400xf32, #tpu.memory_space<vmem>>, vector<16xf32>,
      %mul3A_103 = arith.constant 128 : i32
      %mul3A_104 = arith.muli %scan3A_63, %mul3A_103 : i32
      %add3A_105 = arith.constant 80 : i32
      %add3A_106 = arith.addi %mul3A_104, %add3A_105 : i32
      %get3A_107 = arith.index_cast %add3A_106 : i32 to index
      %get3A_108 = tpu.vector_load %arg8[%get3A_107] {strides = array<i32>} : memref<6400xi32, #tpu.memory_space<vmem>>, vector<16xi32>,
      %get3A_109 = arith.index_cast %add3A_106 : i32 to index
      %get3A_110 = tpu.vector_load %arg10[%get3A_109] {strides = array<i32>} : memref<6400xf32, #tpu.memory_space<vmem>>, vector<16xf32>,
      %mul3A_111 = arith.constant 128 : i32
      %mul3A_112 = arith.muli %scan3A_63, %mul3A_111 : i32
      %add3A_113 = arith.constant 96 : i32
      %add3A_114 = arith.addi %mul3A_112, %add3A_113 : i32
      %get3A_115 = arith.index_cast %add3A_114 : i32 to index
      %get3A_116 = tpu.vector_load %arg8[%get3A_115] {strides = array<i32>} : memref<6400xi32, #tpu.memory_space<vmem>>, vector<16xi32>,
      %get3A_117 = arith.index_cast %add3A_114 : i32 to index
      %get3A_118 = tpu.vector_load %arg10[%get3A_117] {strides = array<i32>} : memref<6400xf32, #tpu.memory_space<vmem>>, vector<16xf32>,
      %mul3A_119 = arith.constant 128 : i32
      %mul3A_120 = arith.muli %scan3A_63, %mul3A_119 : i32
      %add3A_121 = arith.constant 112 : i32
      %add3A_122 = arith.addi %mul3A_120, %add3A_121 : i32
      %get3A_123 = arith.index_cast %add3A_122 : i32 to index
      %get3A_124 = tpu.vector_load %arg8[%get3A_123] {strides = array<i32>} : memref<6400xi32, #tpu.memory_space<vmem>>, vector<16xi32>,
      %get3A_125 = arith.index_cast %add3A_122 : i32 to index
      %get3A_126 = tpu.vector_load %arg10[%get3A_125] {strides = array<i32>} : memref<6400xf32, #tpu.memory_space<vmem>>, vector<16xf32>,
      %shift_right_logical3A = arith.constant 16 : i32
      %shift_right_logical3A_127 = vector.broadcast %shift_right_logical3A : i32 to vector<16xi32>
      %shift_right_logical3A_128 = arith.shrui %get3A_68, %shift_right_logical3A_127 : vector<16xi32>
      %shift_right_logical3A_129 = arith.constant 16 : i32
      %shift_right_logical3A_130 = vector.broadcast %shift_right_logical3A_129 : i32 to vector<16xi32>
      %shift_right_logical3A_131 = arith.shrui %get3A_76, %shift_right_logical3A_130 : vector<16xi32>
      %shift_right_logical3A_132 = arith.constant 16 : i32
      %shift_right_logical3A_133 = vector.broadcast %shift_right_logical3A_132 : i32 to vector<16xi32>
      %shift_right_logical3A_134 = arith.shrui %get3A_84, %shift_right_logical3A_133 : vector<16xi32>
      %shift_right_logical3A_135 = arith.constant 16 : i32
      %shift_right_logical3A_136 = vector.broadcast %shift_right_logical3A_135 : i32 to vector<16xi32>
      %shift_right_logical3A_137 = arith.shrui %get3A_92, %shift_right_logical3A_136 : vector<16xi32>
      %shift_right_logical3A_138 = arith.constant 16 : i32
      %shift_right_logical3A_139 = vector.broadcast %shift_right_logical3A_138 : i32 to vector<16xi32>
      %shift_right_logical3A_140 = arith.shrui %get3A_100, %shift_right_logical3A_139 : vector<16xi32>
      %shift_right_logical3A_141 = arith.constant 16 : i32
      %shift_right_logical3A_142 = vector.broadcast %shift_right_logical3A_141 : i32 to vector<16xi32>
      %shift_right_logical3A_143 = arith.shrui %get3A_108, %shift_right_logical3A_142 : vector<16xi32>
      %shift_right_logical3A_144 = arith.constant 16 : i32
      %shift_right_logical3A_145 = vector.broadcast %shift_right_logical3A_144 : i32 to vector<16xi32>
      %shift_right_logical3A_146 = arith.shrui %get3A_116, %shift_right_logical3A_145 : vector<16xi32>
      %shift_right_logical3A_147 = arith.constant 16 : i32
      %shift_right_logical3A_148 = vector.broadcast %shift_right_logical3A_147 : i32 to vector<16xi32>
      %shift_right_logical3A_149 = arith.shrui %get3A_124, %shift_right_logical3A_148 : vector<16xi32>
      %and3A = arith.constant 65535 : i32
      %and3A_150 = vector.broadcast %and3A : i32 to vector<16xi32>
      %and3A_151 = arith.andi %get3A_68, %and3A_150 : vector<16xi32>
      %and3A_152 = arith.constant 65535 : i32
      %and3A_153 = vector.broadcast %and3A_152 : i32 to vector<16xi32>
      %and3A_154 = arith.andi %get3A_76, %and3A_153 : vector<16xi32>
      %and3A_155 = arith.constant 65535 : i32
      %and3A_156 = vector.broadcast %and3A_155 : i32 to vector<16xi32>
      %and3A_157 = arith.andi %get3A_84, %and3A_156 : vector<16xi32>
      %and3A_158 = arith.constant 65535 : i32
      %and3A_159 = vector.broadcast %and3A_158 : i32 to vector<16xi32>
      %and3A_160 = arith.andi %get3A_92, %and3A_159 : vector<16xi32>
      %and3A_161 = arith.constant 65535 : i32
      %and3A_162 = vector.broadcast %and3A_161 : i32 to vector<16xi32>
      %and3A_163 = arith.andi %get3A_100, %and3A_162 : vector<16xi32>
      %and3A_164 = arith.constant 65535 : i32
      %and3A_165 = vector.broadcast %and3A_164 : i32 to vector<16xi32>
      %and3A_166 = arith.andi %get3A_108, %and3A_165 : vector<16xi32>
      %and3A_167 = arith.constant 65535 : i32
      %and3A_168 = vector.broadcast %and3A_167 : i32 to vector<16xi32>
      %and3A_169 = arith.andi %get3A_116, %and3A_168 : vector<16xi32>
      %and3A_170 = arith.constant 65535 : i32
      %and3A_171 = vector.broadcast %and3A_170 : i32 to vector<16xi32>
      %and3A_172 = arith.andi %get3A_124, %and3A_171 : vector<16xi32>
      %add3A_173 = arith.constant 0 : i32
      %add3A_174 = vector.broadcast %add3A_173 : i32 to vector<16xi32>
      %add3A_175 = arith.addi %shift_right_logical3A_128, %add3A_174 : vector<16xi32>
      %gather3A = tpu.vector_load_idx %arg6[%add3A_175] : memref<40000xf32, #tpu.memory_space<vmem>>[vector<16xi32>], vector<16xf32>,
      %add3A_176 = arith.constant 10000 : i32
      %add3A_177 = vector.broadcast %add3A_176 : i32 to vector<16xi32>
      %add3A_178 = arith.addi %shift_right_logical3A_128, %add3A_177 : vector<16xi32>
      %gather3A_179 = tpu.vector_load_idx %arg6[%add3A_178] : memref<40000xf32, #tpu.memory_space<vmem>>[vector<16xi32>], vector<16xf32>,
      %add3A_180 = arith.constant 20000 : i32
      %add3A_181 = vector.broadcast %add3A_180 : i32 to vector<16xi32>
      %add3A_182 = arith.addi %shift_right_logical3A_128, %add3A_181 : vector<16xi32>
      %gather3A_183 = tpu.vector_load_idx %arg6[%add3A_182] : memref<40000xf32, #tpu.memory_space<vmem>>[vector<16xi32>], vector<16xf32>,
      %add3A_184 = arith.constant 30000 : i32
      %add3A_185 = vector.broadcast %add3A_184 : i32 to vector<16xi32>
      %add3A_186 = arith.addi %shift_right_logical3A_128, %add3A_185 : vector<16xi32>
      %gather3A_187 = tpu.vector_load_idx %arg6[%add3A_186] : memref<40000xf32, #tpu.memory_space<vmem>>[vector<16xi32>], vector<16xf32>,
      %add3A_188 = arith.constant 0 : i32
      %add3A_189 = vector.broadcast %add3A_188 : i32 to vector<16xi32>
      %add3A_190 = arith.addi %shift_right_logical3A_131, %add3A_189 : vector<16xi32>
      %gather3A_191 = tpu.vector_load_idx %arg6[%add3A_190] : memref<40000xf32, #tpu.memory_space<vmem>>[vector<16xi32>], vector<16xf32>,
      %add3A_192 = arith.constant 10000 : i32
      %add3A_193 = vector.broadcast %add3A_192 : i32 to vector<16xi32>
      %add3A_194 = arith.addi %shift_right_logical3A_131, %add3A_193 : vector<16xi32>
      %gather3A_195 = tpu.vector_load_idx %arg6[%add3A_194] : memref<40000xf32, #tpu.memory_space<vmem>>[vector<16xi32>], vector<16xf32>,
      %add3A_196 = arith.constant 20000 : i32
      %add3A_197 = vector.broadcast %add3A_196 : i32 to vector<16xi32>
      %add3A_198 = arith.addi %shift_right_logical3A_131, %add3A_197 : vector<16xi32>
      %gather3A_199 = tpu.vector_load_idx %arg6[%add3A_198] : memref<40000xf32, #tpu.memory_space<vmem>>[vector<16xi32>], vector<16xf32>,
      %add3A_200 = arith.constant 30000 : i32
      %add3A_201 = vector.broadcast %add3A_200 : i32 to vector<16xi32>
      %add3A_202 = arith.addi %shift_right_logical3A_131, %add3A_201 : vector<16xi32>
      %gather3A_203 = tpu.vector_load_idx %arg6[%add3A_202] : memref<40000xf32, #tpu.memory_space<vmem>>[vector<16xi32>], vector<16xf32>,
      %add3A_204 = arith.constant 0 : i32
      %add3A_205 = vector.broadcast %add3A_204 : i32 to vector<16xi32>
      %add3A_206 = arith.addi %shift_right_logical3A_134, %add3A_205 : vector<16xi32>
      %gather3A_207 = tpu.vector_load_idx %arg6[%add3A_206] : memref<40000xf32, #tpu.memory_space<vmem>>[vector<16xi32>], vector<16xf32>,
      %add3A_208 = arith.constant 10000 : i32
      %add3A_209 = vector.broadcast %add3A_208 : i32 to vector<16xi32>
      %add3A_210 = arith.addi %shift_right_logical3A_134, %add3A_209 : vector<16xi32>
      %gather3A_211 = tpu.vector_load_idx %arg6[%add3A_210] : memref<40000xf32, #tpu.memory_space<vmem>>[vector<16xi32>], vector<16xf32>,
      %add3A_212 = arith.constant 20000 : i32
      %add3A_213 = vector.broadcast %add3A_212 : i32 to vector<16xi32>
      %add3A_214 = arith.addi %shift_right_logical3A_134, %add3A_213 : vector<16xi32>
      %gather3A_215 = tpu.vector_load_idx %arg6[%add3A_214] : memref<40000xf32, #tpu.memory_space<vmem>>[vector<16xi32>], vector<16xf32>,
      %add3A_216 = arith.constant 30000 : i32
      %add3A_217 = vector.broadcast %add3A_216 : i32 to vector<16xi32>
      %add3A_218 = arith.addi %shift_right_logical3A_134, %add3A_217 : vector<16xi32>
      %gather3A_219 = tpu.vector_load_idx %arg6[%add3A_218] : memref<40000xf32, #tpu.memory_space<vmem>>[vector<16xi32>], vector<16xf32>,
      %add3A_220 = arith.constant 0 : i32
      %add3A_221 = vector.broadcast %add3A_220 : i32 to vector<16xi32>
      %add3A_222 = arith.addi %shift_right_logical3A_137, %add3A_221 : vector<16xi32>
      %gather3A_223 = tpu.vector_load_idx %arg6[%add3A_222] : memref<40000xf32, #tpu.memory_space<vmem>>[vector<16xi32>], vector<16xf32>,
      %add3A_224 = arith.constant 10000 : i32
      %add3A_225 = vector.broadcast %add3A_224 : i32 to vector<16xi32>
      %add3A_226 = arith.addi %shift_right_logical3A_137, %add3A_225 : vector<16xi32>
      %gather3A_227 = tpu.vector_load_idx %arg6[%add3A_226] : memref<40000xf32, #tpu.memory_space<vmem>>[vector<16xi32>], vector<16xf32>,
      %add3A_228 = arith.constant 20000 : i32
      %add3A_229 = vector.broadcast %add3A_228 : i32 to vector<16xi32>
      %add3A_230 = arith.addi %shift_right_logical3A_137, %add3A_229 : vector<16xi32>
      %gather3A_231 = tpu.vector_load_idx %arg6[%add3A_230] : memref<40000xf32, #tpu.memory_space<vmem>>[vector<16xi32>], vector<16xf32>,
      %add3A_232 = arith.constant 30000 : i32
      %add3A_233 = vector.broadcast %add3A_232 : i32 to vector<16xi32>
      %add3A_234 = arith.addi %shift_right_logical3A_137, %add3A_233 : vector<16xi32>
      %gather3A_235 = tpu.vector_load_idx %arg6[%add3A_234] : memref<40000xf32, #tpu.memory_space<vmem>>[vector<16xi32>], vector<16xf32>,
      %add3A_236 = arith.constant 0 : i32
      %add3A_237 = vector.broadcast %add3A_236 : i32 to vector<16xi32>
      %add3A_238 = arith.addi %shift_right_logical3A_140, %add3A_237 : vector<16xi32>
      %gather3A_239 = tpu.vector_load_idx %arg6[%add3A_238] : memref<40000xf32, #tpu.memory_space<vmem>>[vector<16xi32>], vector<16xf32>,
      %add3A_240 = arith.constant 10000 : i32
      %add3A_241 = vector.broadcast %add3A_240 : i32 to vector<16xi32>
      %add3A_242 = arith.addi %shift_right_logical3A_140, %add3A_241 : vector<16xi32>
      %gather3A_243 = tpu.vector_load_idx %arg6[%add3A_242] : memref<40000xf32, #tpu.memory_space<vmem>>[vector<16xi32>], vector<16xf32>,
      %add3A_244 = arith.constant 20000 : i32
      %add3A_245 = vector.broadcast %add3A_244 : i32 to vector<16xi32>
      %add3A_246 = arith.addi %shift_right_logical3A_140, %add3A_245 : vector<16xi32>
      %gather3A_247 = tpu.vector_load_idx %arg6[%add3A_246] : memref<40000xf32, #tpu.memory_space<vmem>>[vector<16xi32>], vector<16xf32>,
      %add3A_248 = arith.constant 30000 : i32
      %add3A_249 = vector.broadcast %add3A_248 : i32 to vector<16xi32>
      %add3A_250 = arith.addi %shift_right_logical3A_140, %add3A_249 : vector<16xi32>
      %gather3A_251 = tpu.vector_load_idx %arg6[%add3A_250] : memref<40000xf32, #tpu.memory_space<vmem>>[vector<16xi32>], vector<16xf32>,
      %add3A_252 = arith.constant 0 : i32
      %add3A_253 = vector.broadcast %add3A_252 : i32 to vector<16xi32>
      %add3A_254 = arith.addi %shift_right_logical3A_143, %add3A_253 : vector<16xi32>
      %gather3A_255 = tpu.vector_load_idx %arg6[%add3A_254] : memref<40000xf32, #tpu.memory_space<vmem>>[vector<16xi32>], vector<16xf32>,
      %add3A_256 = arith.constant 10000 : i32
      %add3A_257 = vector.broadcast %add3A_256 : i32 to vector<16xi32>
      %add3A_258 = arith.addi %shift_right_logical3A_143, %add3A_257 : vector<16xi32>
      %gather3A_259 = tpu.vector_load_idx %arg6[%add3A_258] : memref<40000xf32, #tpu.memory_space<vmem>>[vector<16xi32>], vector<16xf32>,
      %add3A_260 = arith.constant 20000 : i32
      %add3A_261 = vector.broadcast %add3A_260 : i32 to vector<16xi32>
      %add3A_262 = arith.addi %shift_right_logical3A_143, %add3A_261 : vector<16xi32>
      %gather3A_263 = tpu.vector_load_idx %arg6[%add3A_262] : memref<40000xf32, #tpu.memory_space<vmem>>[vector<16xi32>], vector<16xf32>,
      %add3A_264 = arith.constant 30000 : i32
      %add3A_265 = vector.broadcast %add3A_264 : i32 to vector<16xi32>
      %add3A_266 = arith.addi %shift_right_logical3A_143, %add3A_265 : vector<16xi32>
      %gather3A_267 = tpu.vector_load_idx %arg6[%add3A_266] : memref<40000xf32, #tpu.memory_space<vmem>>[vector<16xi32>], vector<16xf32>,
      %add3A_268 = arith.constant 0 : i32
      %add3A_269 = vector.broadcast %add3A_268 : i32 to vector<16xi32>
      %add3A_270 = arith.addi %shift_right_logical3A_146, %add3A_269 : vector<16xi32>
      %gather3A_271 = tpu.vector_load_idx %arg6[%add3A_270] : memref<40000xf32, #tpu.memory_space<vmem>>[vector<16xi32>], vector<16xf32>,
      %add3A_272 = arith.constant 10000 : i32
      %add3A_273 = vector.broadcast %add3A_272 : i32 to vector<16xi32>
      %add3A_274 = arith.addi %shift_right_logical3A_146, %add3A_273 : vector<16xi32>
      %gather3A_275 = tpu.vector_load_idx %arg6[%add3A_274] : memref<40000xf32, #tpu.memory_space<vmem>>[vector<16xi32>], vector<16xf32>,
      %add3A_276 = arith.constant 20000 : i32
      %add3A_277 = vector.broadcast %add3A_276 : i32 to vector<16xi32>
      %add3A_278 = arith.addi %shift_right_logical3A_146, %add3A_277 : vector<16xi32>
      %gather3A_279 = tpu.vector_load_idx %arg6[%add3A_278] : memref<40000xf32, #tpu.memory_space<vmem>>[vector<16xi32>], vector<16xf32>,
      %add3A_280 = arith.constant 30000 : i32
      %add3A_281 = vector.broadcast %add3A_280 : i32 to vector<16xi32>
      %add3A_282 = arith.addi %shift_right_logical3A_146, %add3A_281 : vector<16xi32>
      %gather3A_283 = tpu.vector_load_idx %arg6[%add3A_282] : memref<40000xf32, #tpu.memory_space<vmem>>[vector<16xi32>], vector<16xf32>,
      %add3A_284 = arith.constant 0 : i32
      %add3A_285 = vector.broadcast %add3A_284 : i32 to vector<16xi32>
      %add3A_286 = arith.addi %shift_right_logical3A_149, %add3A_285 : vector<16xi32>
      %gather3A_287 = tpu.vector_load_idx %arg6[%add3A_286] : memref<40000xf32, #tpu.memory_space<vmem>>[vector<16xi32>], vector<16xf32>,
      %add3A_288 = arith.constant 10000 : i32
      %add3A_289 = vector.broadcast %add3A_288 : i32 to vector<16xi32>
      %add3A_290 = arith.addi %shift_right_logical3A_149, %add3A_289 : vector<16xi32>
      %gather3A_291 = tpu.vector_load_idx %arg6[%add3A_290] : memref<40000xf32, #tpu.memory_space<vmem>>[vector<16xi32>], vector<16xf32>,
      %add3A_292 = arith.constant 20000 : i32
      %add3A_293 = vector.broadcast %add3A_292 : i32 to vector<16xi32>
      %add3A_294 = arith.addi %shift_right_logical3A_149, %add3A_293 : vector<16xi32>
      %gather3A_295 = tpu.vector_load_idx %arg6[%add3A_294] : memref<40000xf32, #tpu.memory_space<vmem>>[vector<16xi32>], vector<16xf32>,
      %add3A_296 = arith.constant 30000 : i32
      %add3A_297 = vector.broadcast %add3A_296 : i32 to vector<16xi32>
      %add3A_298 = arith.addi %shift_right_logical3A_149, %add3A_297 : vector<16xi32>
      %gather3A_299 = tpu.vector_load_idx %arg6[%add3A_298] : memref<40000xf32, #tpu.memory_space<vmem>>[vector<16xi32>], vector<16xf32>,
      %add3A_300 = arith.constant 0 : i32
      %add3A_301 = vector.broadcast %add3A_300 : i32 to vector<16xi32>
      %add3A_302 = arith.addi %and3A_151, %add3A_301 : vector<16xi32>
      %mul3A_303 = arith.mulf %gather3A, %get3A_70 : vector<16xf32>
      tpu.vector_store_idx %arg7[%add3A_302], %mul3A_303 {add = true} : memref<40000xf32, #tpu.memory_space<vmem>>[vector<16xi32>], vector<16xf32>,
      %add3A_304 = arith.constant 10000 : i32
      %add3A_305 = vector.broadcast %add3A_304 : i32 to vector<16xi32>
      %add3A_306 = arith.addi %and3A_151, %add3A_305 : vector<16xi32>
      %mul3A_307 = arith.mulf %gather3A_179, %get3A_70 : vector<16xf32>
      tpu.vector_store_idx %arg7[%add3A_306], %mul3A_307 {add = true} : memref<40000xf32, #tpu.memory_space<vmem>>[vector<16xi32>], vector<16xf32>,
      %add3A_308 = arith.constant 20000 : i32
      %add3A_309 = vector.broadcast %add3A_308 : i32 to vector<16xi32>
      %add3A_310 = arith.addi %and3A_151, %add3A_309 : vector<16xi32>
      %mul3A_311 = arith.mulf %gather3A_183, %get3A_70 : vector<16xf32>
      tpu.vector_store_idx %arg7[%add3A_310], %mul3A_311 {add = true} : memref<40000xf32, #tpu.memory_space<vmem>>[vector<16xi32>], vector<16xf32>,
      %add3A_312 = arith.constant 30000 : i32
      %add3A_313 = vector.broadcast %add3A_312 : i32 to vector<16xi32>
      %add3A_314 = arith.addi %and3A_151, %add3A_313 : vector<16xi32>
      %mul3A_315 = arith.mulf %gather3A_187, %get3A_70 : vector<16xf32>
      tpu.vector_store_idx %arg7[%add3A_314], %mul3A_315 {add = true} : memref<40000xf32, #tpu.memory_space<vmem>>[vector<16xi32>], vector<16xf32>,
      %add3A_316 = arith.constant 0 : i32
      %add3A_317 = vector.broadcast %add3A_316 : i32 to vector<16xi32>
      %add3A_318 = arith.addi %and3A_154, %add3A_317 : vector<16xi32>
      %mul3A_319 = arith.mulf %gather3A_191, %get3A_78 : vector<16xf32>
      tpu.vector_store_idx %arg7[%add3A_318], %mul3A_319 {add = true} : memref<40000xf32, #tpu.memory_space<vmem>>[vector<16xi32>], vector<16xf32>,
      %add3A_320 = arith.constant 10000 : i32
      %add3A_321 = vector.broadcast %add3A_320 : i32 to vector<16xi32>
      %add3A_322 = arith.addi %and3A_154, %add3A_321 : vector<16xi32>
      %mul3A_323 = arith.mulf %gather3A_195, %get3A_78 : vector<16xf32>
      tpu.vector_store_idx %arg7[%add3A_322], %mul3A_323 {add = true} : memref<40000xf32, #tpu.memory_space<vmem>>[vector<16xi32>], vector<16xf32>,
      %add3A_324 = arith.constant 20000 : i32
      %add3A_325 = vector.broadcast %add3A_324 : i32 to vector<16xi32>
      %add3A_326 = arith.addi %and3A_154, %add3A_325 : vector<16xi32>
      %mul3A_327 = arith.mulf %gather3A_199, %get3A_78 : vector<16xf32>
      tpu.vector_store_idx %arg7[%add3A_326], %mul3A_327 {add = true} : memref<40000xf32, #tpu.memory_space<vmem>>[vector<16xi32>], vector<16xf32>,
      %add3A_328 = arith.constant 30000 : i32
      %add3A_329 = vector.broadcast %add3A_328 : i32 to vector<16xi32>
      %add3A_330 = arith.addi %and3A_154, %add3A_329 : vector<16xi32>
      %mul3A_331 = arith.mulf %gather3A_203, %get3A_78 : vector<16xf32>
      tpu.vector_store_idx %arg7[%add3A_330], %mul3A_331 {add = true} : memref<40000xf32, #tpu.memory_space<vmem>>[vector<16xi32>], vector<16xf32>,
      %add3A_332 = arith.constant 0 : i32
      %add3A_333 = vector.broadcast %add3A_332 : i32 to vector<16xi32>
      %add3A_334 = arith.addi %and3A_157, %add3A_333 : vector<16xi32>
      %mul3A_335 = arith.mulf %gather3A_207, %get3A_86 : vector<16xf32>
      tpu.vector_store_idx %arg7[%add3A_334], %mul3A_335 {add = true} : memref<40000xf32, #tpu.memory_space<vmem>>[vector<16xi32>], vector<16xf32>,
      %add3A_336 = arith.constant 10000 : i32
      %add3A_337 = vector.broadcast %add3A_336 : i32 to vector<16xi32>
      %add3A_338 = arith.addi %and3A_157, %add3A_337 : vector<16xi32>
      %mul3A_339 = arith.mulf %gather3A_211, %get3A_86 : vector<16xf32>
      tpu.vector_store_idx %arg7[%add3A_338], %mul3A_339 {add = true} : memref<40000xf32, #tpu.memory_space<vmem>>[vector<16xi32>], vector<16xf32>,
      %add3A_340 = arith.constant 20000 : i32
      %add3A_341 = vector.broadcast %add3A_340 : i32 to vector<16xi32>
      %add3A_342 = arith.addi %and3A_157, %add3A_341 : vector<16xi32>
      %mul3A_343 = arith.mulf %gather3A_215, %get3A_86 : vector<16xf32>
      tpu.vector_store_idx %arg7[%add3A_342], %mul3A_343 {add = true} : memref<40000xf32, #tpu.memory_space<vmem>>[vector<16xi32>], vector<16xf32>,
      %add3A_344 = arith.constant 30000 : i32
      %add3A_345 = vector.broadcast %add3A_344 : i32 to vector<16xi32>
      %add3A_346 = arith.addi %and3A_157, %add3A_345 : vector<16xi32>
      %mul3A_347 = arith.mulf %gather3A_219, %get3A_86 : vector<16xf32>
      tpu.vector_store_idx %arg7[%add3A_346], %mul3A_347 {add = true} : memref<40000xf32, #tpu.memory_space<vmem>>[vector<16xi32>], vector<16xf32>,
      %add3A_348 = arith.constant 0 : i32
      %add3A_349 = vector.broadcast %add3A_348 : i32 to vector<16xi32>
      %add3A_350 = arith.addi %and3A_160, %add3A_349 : vector<16xi32>
      %mul3A_351 = arith.mulf %gather3A_223, %get3A_94 : vector<16xf32>
      tpu.vector_store_idx %arg7[%add3A_350], %mul3A_351 {add = true} : memref<40000xf32, #tpu.memory_space<vmem>>[vector<16xi32>], vector<16xf32>,
      %add3A_352 = arith.constant 10000 : i32
      %add3A_353 = vector.broadcast %add3A_352 : i32 to vector<16xi32>
      %add3A_354 = arith.addi %and3A_160, %add3A_353 : vector<16xi32>
      %mul3A_355 = arith.mulf %gather3A_227, %get3A_94 : vector<16xf32>
      tpu.vector_store_idx %arg7[%add3A_354], %mul3A_355 {add = true} : memref<40000xf32, #tpu.memory_space<vmem>>[vector<16xi32>], vector<16xf32>,
      %add3A_356 = arith.constant 20000 : i32
      %add3A_357 = vector.broadcast %add3A_356 : i32 to vector<16xi32>
      %add3A_358 = arith.addi %and3A_160, %add3A_357 : vector<16xi32>
      %mul3A_359 = arith.mulf %gather3A_231, %get3A_94 : vector<16xf32>
      tpu.vector_store_idx %arg7[%add3A_358], %mul3A_359 {add = true} : memref<40000xf32, #tpu.memory_space<vmem>>[vector<16xi32>], vector<16xf32>,
      %add3A_360 = arith.constant 30000 : i32
      %add3A_361 = vector.broadcast %add3A_360 : i32 to vector<16xi32>
      %add3A_362 = arith.addi %and3A_160, %add3A_361 : vector<16xi32>
      %mul3A_363 = arith.mulf %gather3A_235, %get3A_94 : vector<16xf32>
      tpu.vector_store_idx %arg7[%add3A_362], %mul3A_363 {add = true} : memref<40000xf32, #tpu.memory_space<vmem>>[vector<16xi32>], vector<16xf32>,
      %add3A_364 = arith.constant 0 : i32
      %add3A_365 = vector.broadcast %add3A_364 : i32 to vector<16xi32>
      %add3A_366 = arith.addi %and3A_163, %add3A_365 : vector<16xi32>
      %mul3A_367 = arith.mulf %gather3A_239, %get3A_102 : vector<16xf32>
      tpu.vector_store_idx %arg7[%add3A_366], %mul3A_367 {add = true} : memref<40000xf32, #tpu.memory_space<vmem>>[vector<16xi32>], vector<16xf32>,
      %add3A_368 = arith.constant 10000 : i32
      %add3A_369 = vector.broadcast %add3A_368 : i32 to vector<16xi32>
      %add3A_370 = arith.addi %and3A_163, %add3A_369 : vector<16xi32>
      %mul3A_371 = arith.mulf %gather3A_243, %get3A_102 : vector<16xf32>
      tpu.vector_store_idx %arg7[%add3A_370], %mul3A_371 {add = true} : memref<40000xf32, #tpu.memory_space<vmem>>[vector<16xi32>], vector<16xf32>,
      %add3A_372 = arith.constant 20000 : i32
      %add3A_373 = vector.broadcast %add3A_372 : i32 to vector<16xi32>
      %add3A_374 = arith.addi %and3A_163, %add3A_373 : vector<16xi32>
      %mul3A_375 = arith.mulf %gather3A_247, %get3A_102 : vector<16xf32>
      tpu.vector_store_idx %arg7[%add3A_374], %mul3A_375 {add = true} : memref<40000xf32, #tpu.memory_space<vmem>>[vector<16xi32>], vector<16xf32>,
      %add3A_376 = arith.constant 30000 : i32
      %add3A_377 = vector.broadcast %add3A_376 : i32 to vector<16xi32>
      %add3A_378 = arith.addi %and3A_163, %add3A_377 : vector<16xi32>
      %mul3A_379 = arith.mulf %gather3A_251, %get3A_102 : vector<16xf32>
      tpu.vector_store_idx %arg7[%add3A_378], %mul3A_379 {add = true} : memref<40000xf32, #tpu.memory_space<vmem>>[vector<16xi32>], vector<16xf32>,
      %add3A_380 = arith.constant 0 : i32
      %add3A_381 = vector.broadcast %add3A_380 : i32 to vector<16xi32>
      %add3A_382 = arith.addi %and3A_166, %add3A_381 : vector<16xi32>
      %mul3A_383 = arith.mulf %gather3A_255, %get3A_110 : vector<16xf32>
      tpu.vector_store_idx %arg7[%add3A_382], %mul3A_383 {add = true} : memref<40000xf32, #tpu.memory_space<vmem>>[vector<16xi32>], vector<16xf32>,
      %add3A_384 = arith.constant 10000 : i32
      %add3A_385 = vector.broadcast %add3A_384 : i32 to vector<16xi32>
      %add3A_386 = arith.addi %and3A_166, %add3A_385 : vector<16xi32>
      %mul3A_387 = arith.mulf %gather3A_259, %get3A_110 : vector<16xf32>
      tpu.vector_store_idx %arg7[%add3A_386], %mul3A_387 {add = true} : memref<40000xf32, #tpu.memory_space<vmem>>[vector<16xi32>], vector<16xf32>,
      %add3A_388 = arith.constant 20000 : i32
      %add3A_389 = vector.broadcast %add3A_388 : i32 to vector<16xi32>
      %add3A_390 = arith.addi %and3A_166, %add3A_389 : vector<16xi32>
      %mul3A_391 = arith.mulf %gather3A_263, %get3A_110 : vector<16xf32>
      tpu.vector_store_idx %arg7[%add3A_390], %mul3A_391 {add = true} : memref<40000xf32, #tpu.memory_space<vmem>>[vector<16xi32>], vector<16xf32>,
      %add3A_392 = arith.constant 30000 : i32
      %add3A_393 = vector.broadcast %add3A_392 : i32 to vector<16xi32>
      %add3A_394 = arith.addi %and3A_166, %add3A_393 : vector<16xi32>
      %mul3A_395 = arith.mulf %gather3A_267, %get3A_110 : vector<16xf32>
      tpu.vector_store_idx %arg7[%add3A_394], %mul3A_395 {add = true} : memref<40000xf32, #tpu.memory_space<vmem>>[vector<16xi32>], vector<16xf32>,
      %add3A_396 = arith.constant 0 : i32
      %add3A_397 = vector.broadcast %add3A_396 : i32 to vector<16xi32>
      %add3A_398 = arith.addi %and3A_169, %add3A_397 : vector<16xi32>
      %mul3A_399 = arith.mulf %gather3A_271, %get3A_118 : vector<16xf32>
      tpu.vector_store_idx %arg7[%add3A_398], %mul3A_399 {add = true} : memref<40000xf32, #tpu.memory_space<vmem>>[vector<16xi32>], vector<16xf32>,
      %add3A_400 = arith.constant 10000 : i32
      %add3A_401 = vector.broadcast %add3A_400 : i32 to vector<16xi32>
      %add3A_402 = arith.addi %and3A_169, %add3A_401 : vector<16xi32>
      %mul3A_403 = arith.mulf %gather3A_275, %get3A_118 : vector<16xf32>
      tpu.vector_store_idx %arg7[%add3A_402], %mul3A_403 {add = true} : memref<40000xf32, #tpu.memory_space<vmem>>[vector<16xi32>], vector<16xf32>,
      %add3A_404 = arith.constant 20000 : i32
      %add3A_405 = vector.broadcast %add3A_404 : i32 to vector<16xi32>
      %add3A_406 = arith.addi %and3A_169, %add3A_405 : vector<16xi32>
      %mul3A_407 = arith.mulf %gather3A_279, %get3A_118 : vector<16xf32>
      tpu.vector_store_idx %arg7[%add3A_406], %mul3A_407 {add = true} : memref<40000xf32, #tpu.memory_space<vmem>>[vector<16xi32>], vector<16xf32>,
      %add3A_408 = arith.constant 30000 : i32
      %add3A_409 = vector.broadcast %add3A_408 : i32 to vector<16xi32>
      %add3A_410 = arith.addi %and3A_169, %add3A_409 : vector<16xi32>
      %mul3A_411 = arith.mulf %gather3A_283, %get3A_118 : vector<16xf32>
      tpu.vector_store_idx %arg7[%add3A_410], %mul3A_411 {add = true} : memref<40000xf32, #tpu.memory_space<vmem>>[vector<16xi32>], vector<16xf32>,
      %add3A_412 = arith.constant 0 : i32
      %add3A_413 = vector.broadcast %add3A_412 : i32 to vector<16xi32>
      %add3A_414 = arith.addi %and3A_172, %add3A_413 : vector<16xi32>
      %mul3A_415 = arith.mulf %gather3A_287, %get3A_126 : vector<16xf32>
      tpu.vector_store_idx %arg7[%add3A_414], %mul3A_415 {add = true} : memref<40000xf32, #tpu.memory_space<vmem>>[vector<16xi32>], vector<16xf32>,
      %add3A_416 = arith.constant 10000 : i32
      %add3A_417 = vector.broadcast %add3A_416 : i32 to vector<16xi32>
      %add3A_418 = arith.addi %and3A_172, %add3A_417 : vector<16xi32>
      %mul3A_419 = arith.mulf %gather3A_291, %get3A_126 : vector<16xf32>
      tpu.vector_store_idx %arg7[%add3A_418], %mul3A_419 {add = true} : memref<40000xf32, #tpu.memory_space<vmem>>[vector<16xi32>], vector<16xf32>,
      %add3A_420 = arith.constant 20000 : i32
      %add3A_421 = vector.broadcast %add3A_420 : i32 to vector<16xi32>
      %add3A_422 = arith.addi %and3A_172, %add3A_421 : vector<16xi32>
      %mul3A_423 = arith.mulf %gather3A_295, %get3A_126 : vector<16xf32>
      tpu.vector_store_idx %arg7[%add3A_422], %mul3A_423 {add = true} : memref<40000xf32, #tpu.memory_space<vmem>>[vector<16xi32>], vector<16xf32>,
      %add3A_424 = arith.constant 30000 : i32
      %add3A_425 = vector.broadcast %add3A_424 : i32 to vector<16xi32>
      %add3A_426 = arith.addi %and3A_172, %add3A_425 : vector<16xi32>
      %mul3A_427 = arith.mulf %gather3A_299, %get3A_126 : vector<16xf32>
      tpu.vector_store_idx %arg7[%add3A_426], %mul3A_427 {add = true} : memref<40000xf32, #tpu.memory_space<vmem>>[vector<16xi32>], vector<16xf32>,
    }
    %scan3A_42 = arith.constant 50 : i32
    %dma_wait3A_43 = arith.constant 0 : i32
    %dma_wait3A_44 = tpu.memref_slice %arg3[%dma_wait3A_43] : memref<320000xi32, #tpu.memory_space<hbm>> -> memref<6400xi32, #tpu.memory_space<hbm>>
    %dma_wait3A_45 = arith.constant 0 : i32
    %dma_wait3A_46 = tpu.memref_slice %arg3[%dma_wait3A_45] : memref<320000xi32, #tpu.memory_space<hbm>> -> memref<6400xi32, #tpu.memory_space<hbm>>
    tpu.wait_dma2 semaphore(%arg13 : memref<!tpu.dma_semaphore, #tpu.memory_space<semaphore_mem>>) src(%dma_wait3A_46 : memref<6400xi32, #tpu.memory_space<hbm>>) dst(%arg9 : memref<6400xi32, #tpu.memory_space<vmem>>)
    %dma_wait3A_47 = arith.constant 0 : i32
    %dma_wait3A_48 = tpu.memref_slice %arg4[%dma_wait3A_47] : memref<320000xf32, #tpu.memory_space<hbm>> -> memref<6400xf32, #tpu.memory_space<hbm>>
    %dma_wait3A_49 = arith.constant 0 : i32
    %dma_wait3A_50 = tpu.memref_slice %arg4[%dma_wait3A_49] : memref<320000xf32, #tpu.memory_space<hbm>> -> memref<6400xf32, #tpu.memory_space<hbm>>
    tpu.wait_dma2 semaphore(%arg13 : memref<!tpu.dma_semaphore, #tpu.memory_space<semaphore_mem>>) src(%dma_wait3A_50 : memref<6400xf32, #tpu.memory_space<hbm>>) dst(%arg11 : memref<6400xf32, #tpu.memory_space<vmem>>)
    %scan3A_51 = arith.constant 0 : i32
    %scan3A_52 = arith.constant 0 : i32
    %scan3A_53 = arith.constant 50 : i32
    %scan3A_54 = arith.addi %scan3A_52, %scan3A_53 : i32
    %scan3A_55 = arith.constant 1 : i32
    scf.for %scan3A_63 = %scan3A_52 to %scan3A_54 step %scan3A_55  : i32 {
      %mul3A_64 = arith.constant 128 : i32
      %mul3A_65 = arith.muli %scan3A_63, %mul3A_64 : i32
      %add3A_66 = arith.constant 0 : i32
      %add3A_67 = arith.addi %mul3A_65, %add3A_66 : i32
      %get3A = arith.index_cast %add3A_67 : i32 to index
      %get3A_68 = tpu.vector_load %arg9[%get3A] {strides = array<i32>} : memref<6400xi32, #tpu.memory_space<vmem>>, vector<16xi32>,
      %get3A_69 = arith.index_cast %add3A_67 : i32 to index
      %get3A_70 = tpu.vector_load %arg11[%get3A_69] {strides = array<i32>} : memref<6400xf32, #tpu.memory_space<vmem>>, vector<16xf32>,
      %mul3A_71 = arith.constant 128 : i32
      %mul3A_72 = arith.muli %scan3A_63, %mul3A_71 : i32
      %add3A_73 = arith.constant 16 : i32
      %add3A_74 = arith.addi %mul3A_72, %add3A_73 : i32
      %get3A_75 = arith.index_cast %add3A_74 : i32 to index
      %get3A_76 = tpu.vector_load %arg9[%get3A_75] {strides = array<i32>} : memref<6400xi32, #tpu.memory_space<vmem>>, vector<16xi32>,
      %get3A_77 = arith.index_cast %add3A_74 : i32 to index
      %get3A_78 = tpu.vector_load %arg11[%get3A_77] {strides = array<i32>} : memref<6400xf32, #tpu.memory_space<vmem>>, vector<16xf32>,
      %mul3A_79 = arith.constant 128 : i32
      %mul3A_80 = arith.muli %scan3A_63, %mul3A_79 : i32
      %add3A_81 = arith.constant 32 : i32
      %add3A_82 = arith.addi %mul3A_80, %add3A_81 : i32
      %get3A_83 = arith.index_cast %add3A_82 : i32 to index
      %get3A_84 = tpu.vector_load %arg9[%get3A_83] {strides = array<i32>} : memref<6400xi32, #tpu.memory_space<vmem>>, vector<16xi32>,
      %get3A_85 = arith.index_cast %add3A_82 : i32 to index
      %get3A_86 = tpu.vector_load %arg11[%get3A_85] {strides = array<i32>} : memref<6400xf32, #tpu.memory_space<vmem>>, vector<16xf32>,
      %mul3A_87 = arith.constant 128 : i32
      %mul3A_88 = arith.muli %scan3A_63, %mul3A_87 : i32
      %add3A_89 = arith.constant 48 : i32
      %add3A_90 = arith.addi %mul3A_88, %add3A_89 : i32
      %get3A_91 = arith.index_cast %add3A_90 : i32 to index
      %get3A_92 = tpu.vector_load %arg9[%get3A_91] {strides = array<i32>} : memref<6400xi32, #tpu.memory_space<vmem>>, vector<16xi32>,
      %get3A_93 = arith.index_cast %add3A_90 : i32 to index
      %get3A_94 = tpu.vector_load %arg11[%get3A_93] {strides = array<i32>} : memref<6400xf32, #tpu.memory_space<vmem>>, vector<16xf32>,
      %mul3A_95 = arith.constant 128 : i32
      %mul3A_96 = arith.muli %scan3A_63, %mul3A_95 : i32
      %add3A_97 = arith.constant 64 : i32
      %add3A_98 = arith.addi %mul3A_96, %add3A_97 : i32
      %get3A_99 = arith.index_cast %add3A_98 : i32 to index
      %get3A_100 = tpu.vector_load %arg9[%get3A_99] {strides = array<i32>} : memref<6400xi32, #tpu.memory_space<vmem>>, vector<16xi32>,
      %get3A_101 = arith.index_cast %add3A_98 : i32 to index
      %get3A_102 = tpu.vector_load %arg11[%get3A_101] {strides = array<i32>} : memref<6400xf32, #tpu.memory_space<vmem>>, vector<16xf32>,
      %mul3A_103 = arith.constant 128 : i32
      %mul3A_104 = arith.muli %scan3A_63, %mul3A_103 : i32
      %add3A_105 = arith.constant 80 : i32
      %add3A_106 = arith.addi %mul3A_104, %add3A_105 : i32
      %get3A_107 = arith.index_cast %add3A_106 : i32 to index
      %get3A_108 = tpu.vector_load %arg9[%get3A_107] {strides = array<i32>} : memref<6400xi32, #tpu.memory_space<vmem>>, vector<16xi32>,
      %get3A_109 = arith.index_cast %add3A_106 : i32 to index
      %get3A_110 = tpu.vector_load %arg11[%get3A_109] {strides = array<i32>} : memref<6400xf32, #tpu.memory_space<vmem>>, vector<16xf32>,
      %mul3A_111 = arith.constant 128 : i32
      %mul3A_112 = arith.muli %scan3A_63, %mul3A_111 : i32
      %add3A_113 = arith.constant 96 : i32
      %add3A_114 = arith.addi %mul3A_112, %add3A_113 : i32
      %get3A_115 = arith.index_cast %add3A_114 : i32 to index
      %get3A_116 = tpu.vector_load %arg9[%get3A_115] {strides = array<i32>} : memref<6400xi32, #tpu.memory_space<vmem>>, vector<16xi32>,
      %get3A_117 = arith.index_cast %add3A_114 : i32 to index
      %get3A_118 = tpu.vector_load %arg11[%get3A_117] {strides = array<i32>} : memref<6400xf32, #tpu.memory_space<vmem>>, vector<16xf32>,
      %mul3A_119 = arith.constant 128 : i32
      %mul3A_120 = arith.muli %scan3A_63, %mul3A_119 : i32
      %add3A_121 = arith.constant 112 : i32
      %add3A_122 = arith.addi %mul3A_120, %add3A_121 : i32
      %get3A_123 = arith.index_cast %add3A_122 : i32 to index
      %get3A_124 = tpu.vector_load %arg9[%get3A_123] {strides = array<i32>} : memref<6400xi32, #tpu.memory_space<vmem>>, vector<16xi32>,
      %get3A_125 = arith.index_cast %add3A_122 : i32 to index
      %get3A_126 = tpu.vector_load %arg11[%get3A_125] {strides = array<i32>} : memref<6400xf32, #tpu.memory_space<vmem>>, vector<16xf32>,
      %shift_right_logical3A = arith.constant 16 : i32
      %shift_right_logical3A_127 = vector.broadcast %shift_right_logical3A : i32 to vector<16xi32>
      %shift_right_logical3A_128 = arith.shrui %get3A_68, %shift_right_logical3A_127 : vector<16xi32>
      %shift_right_logical3A_129 = arith.constant 16 : i32
      %shift_right_logical3A_130 = vector.broadcast %shift_right_logical3A_129 : i32 to vector<16xi32>
      %shift_right_logical3A_131 = arith.shrui %get3A_76, %shift_right_logical3A_130 : vector<16xi32>
      %shift_right_logical3A_132 = arith.constant 16 : i32
      %shift_right_logical3A_133 = vector.broadcast %shift_right_logical3A_132 : i32 to vector<16xi32>
      %shift_right_logical3A_134 = arith.shrui %get3A_84, %shift_right_logical3A_133 : vector<16xi32>
      %shift_right_logical3A_135 = arith.constant 16 : i32
      %shift_right_logical3A_136 = vector.broadcast %shift_right_logical3A_135 : i32 to vector<16xi32>
      %shift_right_logical3A_137 = arith.shrui %get3A_92, %shift_right_logical3A_136 : vector<16xi32>
      %shift_right_logical3A_138 = arith.constant 16 : i32
      %shift_right_logical3A_139 = vector.broadcast %shift_right_logical3A_138 : i32 to vector<16xi32>
      %shift_right_logical3A_140 = arith.shrui %get3A_100, %shift_right_logical3A_139 : vector<16xi32>
      %shift_right_logical3A_141 = arith.constant 16 : i32
      %shift_right_logical3A_142 = vector.broadcast %shift_right_logical3A_141 : i32 to vector<16xi32>
      %shift_right_logical3A_143 = arith.shrui %get3A_108, %shift_right_logical3A_142 : vector<16xi32>
      %shift_right_logical3A_144 = arith.constant 16 : i32
      %shift_right_logical3A_145 = vector.broadcast %shift_right_logical3A_144 : i32 to vector<16xi32>
      %shift_right_logical3A_146 = arith.shrui %get3A_116, %shift_right_logical3A_145 : vector<16xi32>
      %shift_right_logical3A_147 = arith.constant 16 : i32
      %shift_right_logical3A_148 = vector.broadcast %shift_right_logical3A_147 : i32 to vector<16xi32>
      %shift_right_logical3A_149 = arith.shrui %get3A_124, %shift_right_logical3A_148 : vector<16xi32>
      %and3A = arith.constant 65535 : i32
      %and3A_150 = vector.broadcast %and3A : i32 to vector<16xi32>
      %and3A_151 = arith.andi %get3A_68, %and3A_150 : vector<16xi32>
      %and3A_152 = arith.constant 65535 : i32
      %and3A_153 = vector.broadcast %and3A_152 : i32 to vector<16xi32>
      %and3A_154 = arith.andi %get3A_76, %and3A_153 : vector<16xi32>
      %and3A_155 = arith.constant 65535 : i32
      %and3A_156 = vector.broadcast %and3A_155 : i32 to vector<16xi32>
      %and3A_157 = arith.andi %get3A_84, %and3A_156 : vector<16xi32>
      %and3A_158 = arith.constant 65535 : i32
      %and3A_159 = vector.broadcast %and3A_158 : i32 to vector<16xi32>
      %and3A_160 = arith.andi %get3A_92, %and3A_159 : vector<16xi32>
      %and3A_161 = arith.constant 65535 : i32
      %and3A_162 = vector.broadcast %and3A_161 : i32 to vector<16xi32>
      %and3A_163 = arith.andi %get3A_100, %and3A_162 : vector<16xi32>
      %and3A_164 = arith.constant 65535 : i32
      %and3A_165 = vector.broadcast %and3A_164 : i32 to vector<16xi32>
      %and3A_166 = arith.andi %get3A_108, %and3A_165 : vector<16xi32>
      %and3A_167 = arith.constant 65535 : i32
      %and3A_168 = vector.broadcast %and3A_167 : i32 to vector<16xi32>
      %and3A_169 = arith.andi %get3A_116, %and3A_168 : vector<16xi32>
      %and3A_170 = arith.constant 65535 : i32
      %and3A_171 = vector.broadcast %and3A_170 : i32 to vector<16xi32>
      %and3A_172 = arith.andi %get3A_124, %and3A_171 : vector<16xi32>
      %add3A_173 = arith.constant 0 : i32
      %add3A_174 = vector.broadcast %add3A_173 : i32 to vector<16xi32>
      %add3A_175 = arith.addi %shift_right_logical3A_128, %add3A_174 : vector<16xi32>
      %gather3A = tpu.vector_load_idx %arg6[%add3A_175] : memref<40000xf32, #tpu.memory_space<vmem>>[vector<16xi32>], vector<16xf32>,
      %add3A_176 = arith.constant 10000 : i32
      %add3A_177 = vector.broadcast %add3A_176 : i32 to vector<16xi32>
      %add3A_178 = arith.addi %shift_right_logical3A_128, %add3A_177 : vector<16xi32>
      %gather3A_179 = tpu.vector_load_idx %arg6[%add3A_178] : memref<40000xf32, #tpu.memory_space<vmem>>[vector<16xi32>], vector<16xf32>,
      %add3A_180 = arith.constant 20000 : i32
      %add3A_181 = vector.broadcast %add3A_180 : i32 to vector<16xi32>
      %add3A_182 = arith.addi %shift_right_logical3A_128, %add3A_181 : vector<16xi32>
      %gather3A_183 = tpu.vector_load_idx %arg6[%add3A_182] : memref<40000xf32, #tpu.memory_space<vmem>>[vector<16xi32>], vector<16xf32>,
      %add3A_184 = arith.constant 30000 : i32
      %add3A_185 = vector.broadcast %add3A_184 : i32 to vector<16xi32>
      %add3A_186 = arith.addi %shift_right_logical3A_128, %add3A_185 : vector<16xi32>
      %gather3A_187 = tpu.vector_load_idx %arg6[%add3A_186] : memref<40000xf32, #tpu.memory_space<vmem>>[vector<16xi32>], vector<16xf32>,
      %add3A_188 = arith.constant 0 : i32
      %add3A_189 = vector.broadcast %add3A_188 : i32 to vector<16xi32>
      %add3A_190 = arith.addi %shift_right_logical3A_131, %add3A_189 : vector<16xi32>
      %gather3A_191 = tpu.vector_load_idx %arg6[%add3A_190] : memref<40000xf32, #tpu.memory_space<vmem>>[vector<16xi32>], vector<16xf32>,
      %add3A_192 = arith.constant 10000 : i32
      %add3A_193 = vector.broadcast %add3A_192 : i32 to vector<16xi32>
      %add3A_194 = arith.addi %shift_right_logical3A_131, %add3A_193 : vector<16xi32>
      %gather3A_195 = tpu.vector_load_idx %arg6[%add3A_194] : memref<40000xf32, #tpu.memory_space<vmem>>[vector<16xi32>], vector<16xf32>,
      %add3A_196 = arith.constant 20000 : i32
      %add3A_197 = vector.broadcast %add3A_196 : i32 to vector<16xi32>
      %add3A_198 = arith.addi %shift_right_logical3A_131, %add3A_197 : vector<16xi32>
      %gather3A_199 = tpu.vector_load_idx %arg6[%add3A_198] : memref<40000xf32, #tpu.memory_space<vmem>>[vector<16xi32>], vector<16xf32>,
      %add3A_200 = arith.constant 30000 : i32
      %add3A_201 = vector.broadcast %add3A_200 : i32 to vector<16xi32>
      %add3A_202 = arith.addi %shift_right_logical3A_131, %add3A_201 : vector<16xi32>
      %gather3A_203 = tpu.vector_load_idx %arg6[%add3A_202] : memref<40000xf32, #tpu.memory_space<vmem>>[vector<16xi32>], vector<16xf32>,
      %add3A_204 = arith.constant 0 : i32
      %add3A_205 = vector.broadcast %add3A_204 : i32 to vector<16xi32>
      %add3A_206 = arith.addi %shift_right_logical3A_134, %add3A_205 : vector<16xi32>
      %gather3A_207 = tpu.vector_load_idx %arg6[%add3A_206] : memref<40000xf32, #tpu.memory_space<vmem>>[vector<16xi32>], vector<16xf32>,
      %add3A_208 = arith.constant 10000 : i32
      %add3A_209 = vector.broadcast %add3A_208 : i32 to vector<16xi32>
      %add3A_210 = arith.addi %shift_right_logical3A_134, %add3A_209 : vector<16xi32>
      %gather3A_211 = tpu.vector_load_idx %arg6[%add3A_210] : memref<40000xf32, #tpu.memory_space<vmem>>[vector<16xi32>], vector<16xf32>,
      %add3A_212 = arith.constant 20000 : i32
      %add3A_213 = vector.broadcast %add3A_212 : i32 to vector<16xi32>
      %add3A_214 = arith.addi %shift_right_logical3A_134, %add3A_213 : vector<16xi32>
      %gather3A_215 = tpu.vector_load_idx %arg6[%add3A_214] : memref<40000xf32, #tpu.memory_space<vmem>>[vector<16xi32>], vector<16xf32>,
      %add3A_216 = arith.constant 30000 : i32
      %add3A_217 = vector.broadcast %add3A_216 : i32 to vector<16xi32>
      %add3A_218 = arith.addi %shift_right_logical3A_134, %add3A_217 : vector<16xi32>
      %gather3A_219 = tpu.vector_load_idx %arg6[%add3A_218] : memref<40000xf32, #tpu.memory_space<vmem>>[vector<16xi32>], vector<16xf32>,
      %add3A_220 = arith.constant 0 : i32
      %add3A_221 = vector.broadcast %add3A_220 : i32 to vector<16xi32>
      %add3A_222 = arith.addi %shift_right_logical3A_137, %add3A_221 : vector<16xi32>
      %gather3A_223 = tpu.vector_load_idx %arg6[%add3A_222] : memref<40000xf32, #tpu.memory_space<vmem>>[vector<16xi32>], vector<16xf32>,
      %add3A_224 = arith.constant 10000 : i32
      %add3A_225 = vector.broadcast %add3A_224 : i32 to vector<16xi32>
      %add3A_226 = arith.addi %shift_right_logical3A_137, %add3A_225 : vector<16xi32>
      %gather3A_227 = tpu.vector_load_idx %arg6[%add3A_226] : memref<40000xf32, #tpu.memory_space<vmem>>[vector<16xi32>], vector<16xf32>,
      %add3A_228 = arith.constant 20000 : i32
      %add3A_229 = vector.broadcast %add3A_228 : i32 to vector<16xi32>
      %add3A_230 = arith.addi %shift_right_logical3A_137, %add3A_229 : vector<16xi32>
      %gather3A_231 = tpu.vector_load_idx %arg6[%add3A_230] : memref<40000xf32, #tpu.memory_space<vmem>>[vector<16xi32>], vector<16xf32>,
      %add3A_232 = arith.constant 30000 : i32
      %add3A_233 = vector.broadcast %add3A_232 : i32 to vector<16xi32>
      %add3A_234 = arith.addi %shift_right_logical3A_137, %add3A_233 : vector<16xi32>
      %gather3A_235 = tpu.vector_load_idx %arg6[%add3A_234] : memref<40000xf32, #tpu.memory_space<vmem>>[vector<16xi32>], vector<16xf32>,
      %add3A_236 = arith.constant 0 : i32
      %add3A_237 = vector.broadcast %add3A_236 : i32 to vector<16xi32>
      %add3A_238 = arith.addi %shift_right_logical3A_140, %add3A_237 : vector<16xi32>
      %gather3A_239 = tpu.vector_load_idx %arg6[%add3A_238] : memref<40000xf32, #tpu.memory_space<vmem>>[vector<16xi32>], vector<16xf32>,
      %add3A_240 = arith.constant 10000 : i32
      %add3A_241 = vector.broadcast %add3A_240 : i32 to vector<16xi32>
      %add3A_242 = arith.addi %shift_right_logical3A_140, %add3A_241 : vector<16xi32>
      %gather3A_243 = tpu.vector_load_idx %arg6[%add3A_242] : memref<40000xf32, #tpu.memory_space<vmem>>[vector<16xi32>], vector<16xf32>,
      %add3A_244 = arith.constant 20000 : i32
      %add3A_245 = vector.broadcast %add3A_244 : i32 to vector<16xi32>
      %add3A_246 = arith.addi %shift_right_logical3A_140, %add3A_245 : vector<16xi32>
      %gather3A_247 = tpu.vector_load_idx %arg6[%add3A_246] : memref<40000xf32, #tpu.memory_space<vmem>>[vector<16xi32>], vector<16xf32>,
      %add3A_248 = arith.constant 30000 : i32
      %add3A_249 = vector.broadcast %add3A_248 : i32 to vector<16xi32>
      %add3A_250 = arith.addi %shift_right_logical3A_140, %add3A_249 : vector<16xi32>
      %gather3A_251 = tpu.vector_load_idx %arg6[%add3A_250] : memref<40000xf32, #tpu.memory_space<vmem>>[vector<16xi32>], vector<16xf32>,
      %add3A_252 = arith.constant 0 : i32
      %add3A_253 = vector.broadcast %add3A_252 : i32 to vector<16xi32>
      %add3A_254 = arith.addi %shift_right_logical3A_143, %add3A_253 : vector<16xi32>
      %gather3A_255 = tpu.vector_load_idx %arg6[%add3A_254] : memref<40000xf32, #tpu.memory_space<vmem>>[vector<16xi32>], vector<16xf32>,
      %add3A_256 = arith.constant 10000 : i32
      %add3A_257 = vector.broadcast %add3A_256 : i32 to vector<16xi32>
      %add3A_258 = arith.addi %shift_right_logical3A_143, %add3A_257 : vector<16xi32>
      %gather3A_259 = tpu.vector_load_idx %arg6[%add3A_258] : memref<40000xf32, #tpu.memory_space<vmem>>[vector<16xi32>], vector<16xf32>,
      %add3A_260 = arith.constant 20000 : i32
      %add3A_261 = vector.broadcast %add3A_260 : i32 to vector<16xi32>
      %add3A_262 = arith.addi %shift_right_logical3A_143, %add3A_261 : vector<16xi32>
      %gather3A_263 = tpu.vector_load_idx %arg6[%add3A_262] : memref<40000xf32, #tpu.memory_space<vmem>>[vector<16xi32>], vector<16xf32>,
      %add3A_264 = arith.constant 30000 : i32
      %add3A_265 = vector.broadcast %add3A_264 : i32 to vector<16xi32>
      %add3A_266 = arith.addi %shift_right_logical3A_143, %add3A_265 : vector<16xi32>
      %gather3A_267 = tpu.vector_load_idx %arg6[%add3A_266] : memref<40000xf32, #tpu.memory_space<vmem>>[vector<16xi32>], vector<16xf32>,
      %add3A_268 = arith.constant 0 : i32
      %add3A_269 = vector.broadcast %add3A_268 : i32 to vector<16xi32>
      %add3A_270 = arith.addi %shift_right_logical3A_146, %add3A_269 : vector<16xi32>
      %gather3A_271 = tpu.vector_load_idx %arg6[%add3A_270] : memref<40000xf32, #tpu.memory_space<vmem>>[vector<16xi32>], vector<16xf32>,
      %add3A_272 = arith.constant 10000 : i32
      %add3A_273 = vector.broadcast %add3A_272 : i32 to vector<16xi32>
      %add3A_274 = arith.addi %shift_right_logical3A_146, %add3A_273 : vector<16xi32>
      %gather3A_275 = tpu.vector_load_idx %arg6[%add3A_274] : memref<40000xf32, #tpu.memory_space<vmem>>[vector<16xi32>], vector<16xf32>,
      %add3A_276 = arith.constant 20000 : i32
      %add3A_277 = vector.broadcast %add3A_276 : i32 to vector<16xi32>
      %add3A_278 = arith.addi %shift_right_logical3A_146, %add3A_277 : vector<16xi32>
      %gather3A_279 = tpu.vector_load_idx %arg6[%add3A_278] : memref<40000xf32, #tpu.memory_space<vmem>>[vector<16xi32>], vector<16xf32>,
      %add3A_280 = arith.constant 30000 : i32
      %add3A_281 = vector.broadcast %add3A_280 : i32 to vector<16xi32>
      %add3A_282 = arith.addi %shift_right_logical3A_146, %add3A_281 : vector<16xi32>
      %gather3A_283 = tpu.vector_load_idx %arg6[%add3A_282] : memref<40000xf32, #tpu.memory_space<vmem>>[vector<16xi32>], vector<16xf32>,
      %add3A_284 = arith.constant 0 : i32
      %add3A_285 = vector.broadcast %add3A_284 : i32 to vector<16xi32>
      %add3A_286 = arith.addi %shift_right_logical3A_149, %add3A_285 : vector<16xi32>
      %gather3A_287 = tpu.vector_load_idx %arg6[%add3A_286] : memref<40000xf32, #tpu.memory_space<vmem>>[vector<16xi32>], vector<16xf32>,
      %add3A_288 = arith.constant 10000 : i32
      %add3A_289 = vector.broadcast %add3A_288 : i32 to vector<16xi32>
      %add3A_290 = arith.addi %shift_right_logical3A_149, %add3A_289 : vector<16xi32>
      %gather3A_291 = tpu.vector_load_idx %arg6[%add3A_290] : memref<40000xf32, #tpu.memory_space<vmem>>[vector<16xi32>], vector<16xf32>,
      %add3A_292 = arith.constant 20000 : i32
      %add3A_293 = vector.broadcast %add3A_292 : i32 to vector<16xi32>
      %add3A_294 = arith.addi %shift_right_logical3A_149, %add3A_293 : vector<16xi32>
      %gather3A_295 = tpu.vector_load_idx %arg6[%add3A_294] : memref<40000xf32, #tpu.memory_space<vmem>>[vector<16xi32>], vector<16xf32>,
      %add3A_296 = arith.constant 30000 : i32
      %add3A_297 = vector.broadcast %add3A_296 : i32 to vector<16xi32>
      %add3A_298 = arith.addi %shift_right_logical3A_149, %add3A_297 : vector<16xi32>
      %gather3A_299 = tpu.vector_load_idx %arg6[%add3A_298] : memref<40000xf32, #tpu.memory_space<vmem>>[vector<16xi32>], vector<16xf32>,
      %add3A_300 = arith.constant 0 : i32
      %add3A_301 = vector.broadcast %add3A_300 : i32 to vector<16xi32>
      %add3A_302 = arith.addi %and3A_151, %add3A_301 : vector<16xi32>
      %mul3A_303 = arith.mulf %gather3A, %get3A_70 : vector<16xf32>
      tpu.vector_store_idx %arg7[%add3A_302], %mul3A_303 {add = true} : memref<40000xf32, #tpu.memory_space<vmem>>[vector<16xi32>], vector<16xf32>,
      %add3A_304 = arith.constant 10000 : i32
      %add3A_305 = vector.broadcast %add3A_304 : i32 to vector<16xi32>
      %add3A_306 = arith.addi %and3A_151, %add3A_305 : vector<16xi32>
      %mul3A_307 = arith.mulf %gather3A_179, %get3A_70 : vector<16xf32>
      tpu.vector_store_idx %arg7[%add3A_306], %mul3A_307 {add = true} : memref<40000xf32, #tpu.memory_space<vmem>>[vector<16xi32>], vector<16xf32>,
      %add3A_308 = arith.constant 20000 : i32
      %add3A_309 = vector.broadcast %add3A_308 : i32 to vector<16xi32>
      %add3A_310 = arith.addi %and3A_151, %add3A_309 : vector<16xi32>
      %mul3A_311 = arith.mulf %gather3A_183, %get3A_70 : vector<16xf32>
      tpu.vector_store_idx %arg7[%add3A_310], %mul3A_311 {add = true} : memref<40000xf32, #tpu.memory_space<vmem>>[vector<16xi32>], vector<16xf32>,
      %add3A_312 = arith.constant 30000 : i32
      %add3A_313 = vector.broadcast %add3A_312 : i32 to vector<16xi32>
      %add3A_314 = arith.addi %and3A_151, %add3A_313 : vector<16xi32>
      %mul3A_315 = arith.mulf %gather3A_187, %get3A_70 : vector<16xf32>
      tpu.vector_store_idx %arg7[%add3A_314], %mul3A_315 {add = true} : memref<40000xf32, #tpu.memory_space<vmem>>[vector<16xi32>], vector<16xf32>,
      %add3A_316 = arith.constant 0 : i32
      %add3A_317 = vector.broadcast %add3A_316 : i32 to vector<16xi32>
      %add3A_318 = arith.addi %and3A_154, %add3A_317 : vector<16xi32>
      %mul3A_319 = arith.mulf %gather3A_191, %get3A_78 : vector<16xf32>
      tpu.vector_store_idx %arg7[%add3A_318], %mul3A_319 {add = true} : memref<40000xf32, #tpu.memory_space<vmem>>[vector<16xi32>], vector<16xf32>,
      %add3A_320 = arith.constant 10000 : i32
      %add3A_321 = vector.broadcast %add3A_320 : i32 to vector<16xi32>
      %add3A_322 = arith.addi %and3A_154, %add3A_321 : vector<16xi32>
      %mul3A_323 = arith.mulf %gather3A_195, %get3A_78 : vector<16xf32>
      tpu.vector_store_idx %arg7[%add3A_322], %mul3A_323 {add = true} : memref<40000xf32, #tpu.memory_space<vmem>>[vector<16xi32>], vector<16xf32>,
      %add3A_324 = arith.constant 20000 : i32
      %add3A_325 = vector.broadcast %add3A_324 : i32 to vector<16xi32>
      %add3A_326 = arith.addi %and3A_154, %add3A_325 : vector<16xi32>
      %mul3A_327 = arith.mulf %gather3A_199, %get3A_78 : vector<16xf32>
      tpu.vector_store_idx %arg7[%add3A_326], %mul3A_327 {add = true} : memref<40000xf32, #tpu.memory_space<vmem>>[vector<16xi32>], vector<16xf32>,
      %add3A_328 = arith.constant 30000 : i32
      %add3A_329 = vector.broadcast %add3A_328 : i32 to vector<16xi32>
      %add3A_330 = arith.addi %and3A_154, %add3A_329 : vector<16xi32>
      %mul3A_331 = arith.mulf %gather3A_203, %get3A_78 : vector<16xf32>
      tpu.vector_store_idx %arg7[%add3A_330], %mul3A_331 {add = true} : memref<40000xf32, #tpu.memory_space<vmem>>[vector<16xi32>], vector<16xf32>,
      %add3A_332 = arith.constant 0 : i32
      %add3A_333 = vector.broadcast %add3A_332 : i32 to vector<16xi32>
      %add3A_334 = arith.addi %and3A_157, %add3A_333 : vector<16xi32>
      %mul3A_335 = arith.mulf %gather3A_207, %get3A_86 : vector<16xf32>
      tpu.vector_store_idx %arg7[%add3A_334], %mul3A_335 {add = true} : memref<40000xf32, #tpu.memory_space<vmem>>[vector<16xi32>], vector<16xf32>,
      %add3A_336 = arith.constant 10000 : i32
      %add3A_337 = vector.broadcast %add3A_336 : i32 to vector<16xi32>
      %add3A_338 = arith.addi %and3A_157, %add3A_337 : vector<16xi32>
      %mul3A_339 = arith.mulf %gather3A_211, %get3A_86 : vector<16xf32>
      tpu.vector_store_idx %arg7[%add3A_338], %mul3A_339 {add = true} : memref<40000xf32, #tpu.memory_space<vmem>>[vector<16xi32>], vector<16xf32>,
      %add3A_340 = arith.constant 20000 : i32
      %add3A_341 = vector.broadcast %add3A_340 : i32 to vector<16xi32>
      %add3A_342 = arith.addi %and3A_157, %add3A_341 : vector<16xi32>
      %mul3A_343 = arith.mulf %gather3A_215, %get3A_86 : vector<16xf32>
      tpu.vector_store_idx %arg7[%add3A_342], %mul3A_343 {add = true} : memref<40000xf32, #tpu.memory_space<vmem>>[vector<16xi32>], vector<16xf32>,
      %add3A_344 = arith.constant 30000 : i32
      %add3A_345 = vector.broadcast %add3A_344 : i32 to vector<16xi32>
      %add3A_346 = arith.addi %and3A_157, %add3A_345 : vector<16xi32>
      %mul3A_347 = arith.mulf %gather3A_219, %get3A_86 : vector<16xf32>
      tpu.vector_store_idx %arg7[%add3A_346], %mul3A_347 {add = true} : memref<40000xf32, #tpu.memory_space<vmem>>[vector<16xi32>], vector<16xf32>,
      %add3A_348 = arith.constant 0 : i32
      %add3A_349 = vector.broadcast %add3A_348 : i32 to vector<16xi32>
      %add3A_350 = arith.addi %and3A_160, %add3A_349 : vector<16xi32>
      %mul3A_351 = arith.mulf %gather3A_223, %get3A_94 : vector<16xf32>
      tpu.vector_store_idx %arg7[%add3A_350], %mul3A_351 {add = true} : memref<40000xf32, #tpu.memory_space<vmem>>[vector<16xi32>], vector<16xf32>,
      %add3A_352 = arith.constant 10000 : i32
      %add3A_353 = vector.broadcast %add3A_352 : i32 to vector<16xi32>
      %add3A_354 = arith.addi %and3A_160, %add3A_353 : vector<16xi32>
      %mul3A_355 = arith.mulf %gather3A_227, %get3A_94 : vector<16xf32>
      tpu.vector_store_idx %arg7[%add3A_354], %mul3A_355 {add = true} : memref<40000xf32, #tpu.memory_space<vmem>>[vector<16xi32>], vector<16xf32>,
      %add3A_356 = arith.constant 20000 : i32
      %add3A_357 = vector.broadcast %add3A_356 : i32 to vector<16xi32>
      %add3A_358 = arith.addi %and3A_160, %add3A_357 : vector<16xi32>
      %mul3A_359 = arith.mulf %gather3A_231, %get3A_94 : vector<16xf32>
      tpu.vector_store_idx %arg7[%add3A_358], %mul3A_359 {add = true} : memref<40000xf32, #tpu.memory_space<vmem>>[vector<16xi32>], vector<16xf32>,
      %add3A_360 = arith.constant 30000 : i32
      %add3A_361 = vector.broadcast %add3A_360 : i32 to vector<16xi32>
      %add3A_362 = arith.addi %and3A_160, %add3A_361 : vector<16xi32>
      %mul3A_363 = arith.mulf %gather3A_235, %get3A_94 : vector<16xf32>
      tpu.vector_store_idx %arg7[%add3A_362], %mul3A_363 {add = true} : memref<40000xf32, #tpu.memory_space<vmem>>[vector<16xi32>], vector<16xf32>,
      %add3A_364 = arith.constant 0 : i32
      %add3A_365 = vector.broadcast %add3A_364 : i32 to vector<16xi32>
      %add3A_366 = arith.addi %and3A_163, %add3A_365 : vector<16xi32>
      %mul3A_367 = arith.mulf %gather3A_239, %get3A_102 : vector<16xf32>
      tpu.vector_store_idx %arg7[%add3A_366], %mul3A_367 {add = true} : memref<40000xf32, #tpu.memory_space<vmem>>[vector<16xi32>], vector<16xf32>,
      %add3A_368 = arith.constant 10000 : i32
      %add3A_369 = vector.broadcast %add3A_368 : i32 to vector<16xi32>
      %add3A_370 = arith.addi %and3A_163, %add3A_369 : vector<16xi32>
      %mul3A_371 = arith.mulf %gather3A_243, %get3A_102 : vector<16xf32>
      tpu.vector_store_idx %arg7[%add3A_370], %mul3A_371 {add = true} : memref<40000xf32, #tpu.memory_space<vmem>>[vector<16xi32>], vector<16xf32>,
      %add3A_372 = arith.constant 20000 : i32
      %add3A_373 = vector.broadcast %add3A_372 : i32 to vector<16xi32>
      %add3A_374 = arith.addi %and3A_163, %add3A_373 : vector<16xi32>
      %mul3A_375 = arith.mulf %gather3A_247, %get3A_102 : vector<16xf32>
      tpu.vector_store_idx %arg7[%add3A_374], %mul3A_375 {add = true} : memref<40000xf32, #tpu.memory_space<vmem>>[vector<16xi32>], vector<16xf32>,
      %add3A_376 = arith.constant 30000 : i32
      %add3A_377 = vector.broadcast %add3A_376 : i32 to vector<16xi32>
      %add3A_378 = arith.addi %and3A_163, %add3A_377 : vector<16xi32>
      %mul3A_379 = arith.mulf %gather3A_251, %get3A_102 : vector<16xf32>
      tpu.vector_store_idx %arg7[%add3A_378], %mul3A_379 {add = true} : memref<40000xf32, #tpu.memory_space<vmem>>[vector<16xi32>], vector<16xf32>,
      %add3A_380 = arith.constant 0 : i32
      %add3A_381 = vector.broadcast %add3A_380 : i32 to vector<16xi32>
      %add3A_382 = arith.addi %and3A_166, %add3A_381 : vector<16xi32>
      %mul3A_383 = arith.mulf %gather3A_255, %get3A_110 : vector<16xf32>
      tpu.vector_store_idx %arg7[%add3A_382], %mul3A_383 {add = true} : memref<40000xf32, #tpu.memory_space<vmem>>[vector<16xi32>], vector<16xf32>,
      %add3A_384 = arith.constant 10000 : i32
      %add3A_385 = vector.broadcast %add3A_384 : i32 to vector<16xi32>
      %add3A_386 = arith.addi %and3A_166, %add3A_385 : vector<16xi32>
      %mul3A_387 = arith.mulf %gather3A_259, %get3A_110 : vector<16xf32>
      tpu.vector_store_idx %arg7[%add3A_386], %mul3A_387 {add = true} : memref<40000xf32, #tpu.memory_space<vmem>>[vector<16xi32>], vector<16xf32>,
      %add3A_388 = arith.constant 20000 : i32
      %add3A_389 = vector.broadcast %add3A_388 : i32 to vector<16xi32>
      %add3A_390 = arith.addi %and3A_166, %add3A_389 : vector<16xi32>
      %mul3A_391 = arith.mulf %gather3A_263, %get3A_110 : vector<16xf32>
      tpu.vector_store_idx %arg7[%add3A_390], %mul3A_391 {add = true} : memref<40000xf32, #tpu.memory_space<vmem>>[vector<16xi32>], vector<16xf32>,
      %add3A_392 = arith.constant 30000 : i32
      %add3A_393 = vector.broadcast %add3A_392 : i32 to vector<16xi32>
      %add3A_394 = arith.addi %and3A_166, %add3A_393 : vector<16xi32>
      %mul3A_395 = arith.mulf %gather3A_267, %get3A_110 : vector<16xf32>
      tpu.vector_store_idx %arg7[%add3A_394], %mul3A_395 {add = true} : memref<40000xf32, #tpu.memory_space<vmem>>[vector<16xi32>], vector<16xf32>,
      %add3A_396 = arith.constant 0 : i32
      %add3A_397 = vector.broadcast %add3A_396 : i32 to vector<16xi32>
      %add3A_398 = arith.addi %and3A_169, %add3A_397 : vector<16xi32>
      %mul3A_399 = arith.mulf %gather3A_271, %get3A_118 : vector<16xf32>
      tpu.vector_store_idx %arg7[%add3A_398], %mul3A_399 {add = true} : memref<40000xf32, #tpu.memory_space<vmem>>[vector<16xi32>], vector<16xf32>,
      %add3A_400 = arith.constant 10000 : i32
      %add3A_401 = vector.broadcast %add3A_400 : i32 to vector<16xi32>
      %add3A_402 = arith.addi %and3A_169, %add3A_401 : vector<16xi32>
      %mul3A_403 = arith.mulf %gather3A_275, %get3A_118 : vector<16xf32>
      tpu.vector_store_idx %arg7[%add3A_402], %mul3A_403 {add = true} : memref<40000xf32, #tpu.memory_space<vmem>>[vector<16xi32>], vector<16xf32>,
      %add3A_404 = arith.constant 20000 : i32
      %add3A_405 = vector.broadcast %add3A_404 : i32 to vector<16xi32>
      %add3A_406 = arith.addi %and3A_169, %add3A_405 : vector<16xi32>
      %mul3A_407 = arith.mulf %gather3A_279, %get3A_118 : vector<16xf32>
      tpu.vector_store_idx %arg7[%add3A_406], %mul3A_407 {add = true} : memref<40000xf32, #tpu.memory_space<vmem>>[vector<16xi32>], vector<16xf32>,
      %add3A_408 = arith.constant 30000 : i32
      %add3A_409 = vector.broadcast %add3A_408 : i32 to vector<16xi32>
      %add3A_410 = arith.addi %and3A_169, %add3A_409 : vector<16xi32>
      %mul3A_411 = arith.mulf %gather3A_283, %get3A_118 : vector<16xf32>
      tpu.vector_store_idx %arg7[%add3A_410], %mul3A_411 {add = true} : memref<40000xf32, #tpu.memory_space<vmem>>[vector<16xi32>], vector<16xf32>,
      %add3A_412 = arith.constant 0 : i32
      %add3A_413 = vector.broadcast %add3A_412 : i32 to vector<16xi32>
      %add3A_414 = arith.addi %and3A_172, %add3A_413 : vector<16xi32>
      %mul3A_415 = arith.mulf %gather3A_287, %get3A_126 : vector<16xf32>
      tpu.vector_store_idx %arg7[%add3A_414], %mul3A_415 {add = true} : memref<40000xf32, #tpu.memory_space<vmem>>[vector<16xi32>], vector<16xf32>,
      %add3A_416 = arith.constant 10000 : i32
      %add3A_417 = vector.broadcast %add3A_416 : i32 to vector<16xi32>
      %add3A_418 = arith.addi %and3A_172, %add3A_417 : vector<16xi32>
      %mul3A_419 = arith.mulf %gather3A_291, %get3A_126 : vector<16xf32>
      tpu.vector_store_idx %arg7[%add3A_418], %mul3A_419 {add = true} : memref<40000xf32, #tpu.memory_space<vmem>>[vector<16xi32>], vector<16xf32>,
      %add3A_420 = arith.constant 20000 : i32
      %add3A_421 = vector.broadcast %add3A_420 : i32 to vector<16xi32>
      %add3A_422 = arith.addi %and3A_172, %add3A_421 : vector<16xi32>
      %mul3A_423 = arith.mulf %gather3A_295, %get3A_126 : vector<16xf32>
      tpu.vector_store_idx %arg7[%add3A_422], %mul3A_423 {add = true} : memref<40000xf32, #tpu.memory_space<vmem>>[vector<16xi32>], vector<16xf32>,
      %add3A_424 = arith.constant 30000 : i32
      %add3A_425 = vector.broadcast %add3A_424 : i32 to vector<16xi32>
      %add3A_426 = arith.addi %and3A_172, %add3A_425 : vector<16xi32>
      %mul3A_427 = arith.mulf %gather3A_299, %get3A_126 : vector<16xf32>
      tpu.vector_store_idx %arg7[%add3A_426], %mul3A_427 {add = true} : memref<40000xf32, #tpu.memory_space<vmem>>[vector<16xi32>], vector<16xf32>,
    }
    %scan3A_56 = arith.constant 50 : i32
    %scan3A_57 = arith.constant 0 : i32
    %scan3A_58 = arith.constant 0 : i32
    %scan3A_59 = arith.constant 625 : i32
    %scan3A_60 = arith.addi %scan3A_58, %scan3A_59 : i32
    %scan3A_61 = arith.constant 1 : i32
    scf.for %scan3A_63 = %scan3A_58 to %scan3A_60 step %scan3A_61  : i32 {
      %mul3A_64 = arith.constant 64 : i32
      %mul3A_65 = arith.muli %scan3A_63, %mul3A_64 : i32
      %add3A_66 = arith.constant 0 : i32
      %add3A_67 = arith.addi %mul3A_65, %add3A_66 : i32
      %get3A = arith.index_cast %add3A_67 : i32 to index
      %get3A_68 = tpu.vector_load %arg7[%get3A] {strides = array<i32>} : memref<40000xf32, #tpu.memory_space<vmem>>, vector<16xf32>,
      %max3A = arith.constant 0.000000e+00 : f32
      %max3A_69 = vector.broadcast %max3A : f32 to vector<16xf32>
      %max3A_70 = arith.maximumf %get3A_68, %max3A_69 : vector<16xf32>
      %swap3A = arith.index_cast %add3A_67 : i32 to index
      %swap3A_71 = tpu.vector_load %arg7[%swap3A] {strides = array<i32>} : memref<40000xf32, #tpu.memory_space<vmem>>, vector<16xf32>,
      tpu.vector_store %arg7[%swap3A], %max3A_70 {strides = array<i32>} : memref<40000xf32, #tpu.memory_space<vmem>>, vector<16xf32>,
      %mul3A_72 = arith.constant 64 : i32
      %mul3A_73 = arith.muli %scan3A_63, %mul3A_72 : i32
      %add3A_74 = arith.constant 16 : i32
      %add3A_75 = arith.addi %mul3A_73, %add3A_74 : i32
      %get3A_76 = arith.index_cast %add3A_75 : i32 to index
      %get3A_77 = tpu.vector_load %arg7[%get3A_76] {strides = array<i32>} : memref<40000xf32, #tpu.memory_space<vmem>>, vector<16xf32>,
      %max3A_78 = arith.constant 0.000000e+00 : f32
      %max3A_79 = vector.broadcast %max3A_78 : f32 to vector<16xf32>
      %max3A_80 = arith.maximumf %get3A_77, %max3A_79 : vector<16xf32>
      %swap3A_81 = arith.index_cast %add3A_75 : i32 to index
      %swap3A_82 = tpu.vector_load %arg7[%swap3A_81] {strides = array<i32>} : memref<40000xf32, #tpu.memory_space<vmem>>, vector<16xf32>,
      tpu.vector_store %arg7[%swap3A_81], %max3A_80 {strides = array<i32>} : memref<40000xf32, #tpu.memory_space<vmem>>, vector<16xf32>,
      %mul3A_83 = arith.constant 64 : i32
      %mul3A_84 = arith.muli %scan3A_63, %mul3A_83 : i32
      %add3A_85 = arith.constant 32 : i32
      %add3A_86 = arith.addi %mul3A_84, %add3A_85 : i32
      %get3A_87 = arith.index_cast %add3A_86 : i32 to index
      %get3A_88 = tpu.vector_load %arg7[%get3A_87] {strides = array<i32>} : memref<40000xf32, #tpu.memory_space<vmem>>, vector<16xf32>,
      %max3A_89 = arith.constant 0.000000e+00 : f32
      %max3A_90 = vector.broadcast %max3A_89 : f32 to vector<16xf32>
      %max3A_91 = arith.maximumf %get3A_88, %max3A_90 : vector<16xf32>
      %swap3A_92 = arith.index_cast %add3A_86 : i32 to index
      %swap3A_93 = tpu.vector_load %arg7[%swap3A_92] {strides = array<i32>} : memref<40000xf32, #tpu.memory_space<vmem>>, vector<16xf32>,
      tpu.vector_store %arg7[%swap3A_92], %max3A_91 {strides = array<i32>} : memref<40000xf32, #tpu.memory_space<vmem>>, vector<16xf32>,
      %mul3A_94 = arith.constant 64 : i32
      %mul3A_95 = arith.muli %scan3A_63, %mul3A_94 : i32
      %add3A_96 = arith.constant 48 : i32
      %add3A_97 = arith.addi %mul3A_95, %add3A_96 : i32
      %get3A_98 = arith.index_cast %add3A_97 : i32 to index
      %get3A_99 = tpu.vector_load %arg7[%get3A_98] {strides = array<i32>} : memref<40000xf32, #tpu.memory_space<vmem>>, vector<16xf32>,
      %max3A_100 = arith.constant 0.000000e+00 : f32
      %max3A_101 = vector.broadcast %max3A_100 : f32 to vector<16xf32>
      %max3A_102 = arith.maximumf %get3A_99, %max3A_101 : vector<16xf32>
      %swap3A_103 = arith.index_cast %add3A_97 : i32 to index
      %swap3A_104 = tpu.vector_load %arg7[%swap3A_103] {strides = array<i32>} : memref<40000xf32, #tpu.memory_space<vmem>>, vector<16xf32>,
      tpu.vector_store %arg7[%swap3A_103], %max3A_102 {strides = array<i32>} : memref<40000xf32, #tpu.memory_space<vmem>>, vector<16xf32>,
    }
    %scan3A_62 = arith.constant 625 : i32
    "tpu.region"() ({
      %run_scoped3A = tpu.sem_alloc : memref<!tpu.dma_semaphore, #tpu.memory_space<semaphore_mem>>
      %dma_start3A_63 = tpu.memref_slice %arg5[%mul3A_2] : memref<1280000xf32, #tpu.memory_space<hbm>> -> memref<40000xf32, #tpu.memory_space<hbm>>
      %dma_start3A_64 = tpu.memref_slice %arg5[%mul3A_2] : memref<1280000xf32, #tpu.memory_space<hbm>> -> memref<40000xf32, #tpu.memory_space<hbm>>
      tpu.enqueue_dma source(%arg7 : memref<40000xf32, #tpu.memory_space<vmem>>) target(%dma_start3A_64 : memref<40000xf32, #tpu.memory_space<hbm>>) target_semaphore(%run_scoped3A : memref<!tpu.dma_semaphore, #tpu.memory_space<semaphore_mem>>)
      %dma_wait3A_65 = tpu.memref_slice %arg5[%mul3A_2] : memref<1280000xf32, #tpu.memory_space<hbm>> -> memref<40000xf32, #tpu.memory_space<hbm>>
      %dma_wait3A_66 = tpu.memref_slice %arg5[%mul3A_2] : memref<1280000xf32, #tpu.memory_space<hbm>> -> memref<40000xf32, #tpu.memory_space<hbm>>
      tpu.wait_dma2 semaphore(%run_scoped3A : memref<!tpu.dma_semaphore, #tpu.memory_space<semaphore_mem>>) src(%arg7 : memref<40000xf32, #tpu.memory_space<vmem>>) dst(%dma_wait3A_66 : memref<40000xf32, #tpu.memory_space<hbm>>)
      tpu.yield
    }) : () -> ()
    return
  }
}

module attributes {stable_mosaic.version = 14 : i64} {
  func.func @_mm_body(%arg0: memref<10000x128xf32, #tpu.memory_space<vmem>>, %arg1: memref<128x128xf32, #tpu.memory_space<vmem>>, %arg2: memref<2x320000xi32, #tpu.memory_space<vmem>>, %arg3: memref<128x10000xf32, #tpu.memory_space<vmem>>, %arg4: memref<320000xi32, #tpu.memory_space<vmem>>) attributes {dimension_semantics = [], scalar_prefetch = 0 : i64, scratch_operands = 0 : i64, tpu.core_type = #tpu.core_type<tc>} {
    %get3A = arith.constant 0 : index
    %get3A_0 = arith.constant 0 : index
    %get3A_1 = vector.load %arg1[%get3A, %get3A_0] : memref<128x128xf32, #tpu.memory_space<vmem>>, vector<128x128xf32>
    %get3A_2 = arith.constant 0 : index
    %get3A_3 = arith.constant 0 : index
    %get3A_4 = vector.load %arg0[%get3A_2, %get3A_3] : memref<10000x128xf32, #tpu.memory_space<vmem>>, vector<10000x128xf32>
    %dot_general3A = arith.constant dense<0.000000e+00> : vector<128x10000xf32>
    %dot_general3A_5 = tpu.matmul %get3A_1, %get3A_4, %dot_general3A {dimension_numbers = #tpu.dot_dimension_numbers<[0], [1], [1], [0], [0, 1, 1, 0], [], []>, transpose_lhs_hint = false} : vector<128x128xf32>, vector<10000x128xf32>, vector<128x10000xf32> -> vector<128x10000xf32>
    %swap3A = arith.constant 0 : index
    %swap3A_6 = arith.constant 0 : index
    %swap3A_7 = vector.load %arg3[%swap3A, %swap3A_6] : memref<128x10000xf32, #tpu.memory_space<vmem>>, vector<128x10000xf32>
    tpu.vector_store %arg3[%swap3A, %swap3A_6], %dot_general3A_5 {strides = array<i32>} : memref<128x10000xf32, #tpu.memory_space<vmem>>, vector<128x10000xf32>,
    %get3A_8 = arith.constant 1 : index
    %get3A_9 = arith.constant 0 : index
    %get3A_10 = vector.load %arg2[%get3A_8, %get3A_9] : memref<2x320000xi32, #tpu.memory_space<vmem>>, vector<1x320000xi32>
    %get3A_11 = vector.shape_cast %get3A_10 : vector<1x320000xi32> to vector<320000xi32>
    %shift_left3A = arith.constant 16 : i32
    %shift_left3A_12 = vector.broadcast %shift_left3A : i32 to vector<320000xi32>
    %shift_left3A_13 = arith.shli %get3A_11, %shift_left3A_12 : vector<320000xi32>
    %get3A_14 = arith.constant 0 : index
    %get3A_15 = arith.constant 0 : index
    %get3A_16 = vector.load %arg2[%get3A_14, %get3A_15] : memref<2x320000xi32, #tpu.memory_space<vmem>>, vector<1x320000xi32>
    %get3A_17 = vector.shape_cast %get3A_16 : vector<1x320000xi32> to vector<320000xi32>
    %or3A = arith.ori %shift_left3A_13, %get3A_17 : vector<320000xi32>
    %swap3A_18 = arith.constant 0 : index
    %swap3A_19 = vector.load %arg4[%swap3A_18] : memref<320000xi32, #tpu.memory_space<vmem>>, vector<320000xi32>
    tpu.vector_store %arg4[%swap3A_18], %or3A {strides = array<i32>} : memref<320000xi32, #tpu.memory_space<vmem>>, vector<320000xi32>,
    return
  }
}

</mosaic_0001>

<sc_bundles>
// kernel: kernel.4.cloned.1.call-start
scs
__scs_entry_jumppad:
0x0: {  	(pc) =	sbr.rel $0x88, $3  }
0x1: {  	(tag) =	ssettag $0x0;
	lr =	simm.s32 $0x1  }
0x2: {  	[smem:$0x3F9D] =	sst lr;
	_ =	strace $0xD0000000  }
0x3: {  	_ = 	snop  }
0x4: {  	_ = 	snop  }
0x5: {  	_ = 	snop  }
0x6: {  	_ = 	snop  }
0x7: {  	_ = 	snop  }
__scs_overlays_trampoline_lowered:
0x8: {  	[smem:$0x3FAC] =	sst s0  }
0x9: {  	[smem:$0x3FAD] =	sst s1  }
0xa: {  	[smem:$0x3FAE] =	sst s2  }
0xb: {  	[smem:$0x3FAF] =	sst s3  }
0xc: {  	[smem:$0x3FB0] =	sst s4  }
0xd: {  	[smem:$0x3FB1] =	sst s5  }
0xe: {  	[smem:$0x3FB2] =	sst s6  }
0xf: {  	[smem:$0x3FB3] =	sst s7  }
0x10: {  	[smem:$0x3FB4] =	sst s8  }
0x11: {  	[smem:$0x3FB5] =	sst s9;
	s0 =	simm.s32 @!p0 $0x0  }
0x12: {  	s1 =	sld [smem:$0x3F9B];
	s0 =	simm.s32 @p0 $0x1  }
0x13: {  	[smem:$0x3FB6] =	sst s0;
	s0 =	simm.s32 @!p1 $0x0  }
0x14: {  	s2 =	sld [smem:$0x3F9A];
	s0 =	simm.s32 @p1 $0x1  }
0x15: {  	[smem:$0x3FB7] =	sst s0;
	s0 =	simm.s32 @!p2 $0x0  }
0x16: {  	s3 =	sld [smem:$0x3FDB];
	s0 =	simm.s32 @p2 $0x1  }
0x17: {  	s4 =	simm.s32 $0x1BF5;
	[smem:$0x3FB9] =	sst s0  }
0x18: {  	s0 =	sld [smem:$0x3F9C];
	_ =	swait.ge [sflag:s4], $0x0  }
0x19: {  	s7 =	sld [smem:$0x3F9D]  }
0x1a: {  	s8 =	sadd.s32 $0xFFFFE003, lr  }
0x1b: {  	s9 =	sadd.s32 $0xFFFFFEF7, lr;
	s5 =	simm.s32 $0xFFFFFFFF;
	p2 =	slt.u32 s8, $0xFFFFF086  }
0x1c: {  	p1 =	slt.u32 s9, $0xF7A;
	s5 =	simm.s32 @!p2 $0x0  }
0x1d: {  	s5 =	simm.s32 @p1 $0x1;
	p0 =	seq.s32 s7, s2  }
0x1e: {  	s7 =	smul.u32 @!p0 $0xF7A, s2;
	p2 =	seq.s32 @!p0 s5, $0x0  }
0x1f: {  	s9 =	smul.u32 $0xF7A, s1;
	s8 =	simm.s32 @!p0 $0x1BF5;
	p2 =	por !p2, p0  }
0x20: {  	[sflag:s8] =	ssyncset.s32 @!p0 $0xFFFFF086;
	s6 =	sadd.s32 @!p0 s3, s7;
	s7 =	simm.s32 @!p0 $0x108  }
0x21: {  	s3 =	sadd.s32 s3, s9;
	s6 =	sadd.s32 @!p0 $0x88, s6;
	s7 =	simm.s32 @p2 $0x1082  }
0x22: {  	[simem:s7], [sflag:s8] =	dma.local @!p0 [hbm:s6], $0xF7A  }
0x23: {  	s9 =	sor.u32 $0xD0000000, s2;
	s6 =	simm.s32 $0x108;
	_ =	swait.ge @!p0 [sflag:s8], $0x0  }
0x24: {  	s3 =	sadd.s32 $0x88, s3;
	s6 =	simm.s32 @!p1 $0x1082;
	[sflag:s4] =	ssyncset.s32 $0xFFFFF086  }
0x25: {  	[simem:s6], [sflag:s4] =	dma.local [hbm:s3], $0xF7A  }
0x26: {  	[smem:$0x3F9D] =	sst s1;
	(tag) =	ssettag s2;
	_ =	strace s9  }
0x27: {  	s1 =	sld [smem:$0x3FAD]  }
0x28: {  	s2 =	sld [smem:$0x3FAE]  }
0x29: {  	s4 =	sld [smem:$0x3FB0]  }
0x2a: {  	p0 =	seq.s32 s5, $0x0;
	s5 =	sld [smem:$0x3FB1]  }
0x2b: {  	s6 =	sld [smem:$0x3FB2]  }
0x2c: {  	s7 =	sld [smem:$0x3FB3]  }
0x2d: {  	s3 =	simm.s32 $0x108;
	s8 =	sld [smem:$0x3FB4]  }
0x2e: {  	s3 =	simm.s32 @!p0 $0x1082;
	s9 =	sld [smem:$0x3FB5]  }
0x2f: {  	lr =	sadd.s32 s0, s3;
	s0 =	sld [smem:$0x3FAC]  }
0x30: {  	s3 =	sld [smem:$0x3FAF]  }
0x31: {  	[smem:$0x3FB8] =	sst s10  }
0x32: {  	s10 =	sld [smem:$0x3FB6];
	_ =	sdelay $0x3  }
0x33: {  	p0 =	seq.s32 s10, $0x1;
	s10 =	sld [smem:$0x3FB8];
	_ =	sdelay $0x3  }
0x34: {  	[smem:$0x3FB8] =	sst s10  }
0x35: {  	s10 =	sld [smem:$0x3FB7];
	_ =	sdelay $0x3  }
0x36: {  	p1 =	seq.s32 s10, $0x1;
	s10 =	sld [smem:$0x3FB8];
	_ =	sdelay $0x3  }
0x37: {  	[smem:$0x3FB8] =	sst s10  }
0x38: {  	s10 =	sld [smem:$0x3FB9]  }
0x39: {  	_ = 	snop;
	(pc) =	sbr.ind lr, $3  }
0x3a: {  	_ = 	snop  }
0x3b: {  	_ = 	snop  }
0x3c: {  	p2 =	seq.s32 s10, $0x1;
	s10 =	sld [smem:$0x3FB8]  }
0x3d: {  	_ =	shalt  }
0x3e: {  	_ =	shalt  }
0x3f: {  	_ =	shalt  }
0x40: {  	_ =	shalt  }
0x41: {  	_ =	shalt  }
0x42: {  	_ =	shalt  }
0x43: {  	_ =	shalt  }
0x44: {  	_ =	shalt  }
0x45: {  	_ =	shalt  }
0x46: {  	_ =	shalt  }
0x47: {  	_ =	shalt  }
0x48: {  	_ =	shalt  }
0x49: {  	_ =	shalt  }
0x4a: {  	_ =	shalt  }
0x4b: {  	_ =	shalt  }
0x4c: {  	_ =	shalt  }
0x4d: {  	_ =	shalt  }
0x4e: {  	_ =	shalt  }
0x4f: {  	_ =	shalt  }
0x50: {  	_ =	shalt  }
0x51: {  	_ =	shalt  }
0x52: {  	_ =	shalt  }
0x53: {  	_ =	shalt  }
0x54: {  	_ =	shalt  }
0x55: {  	_ =	shalt  }
0x56: {  	_ =	shalt  }
0x57: {  	_ =	shalt  }
0x58: {  	_ =	shalt  }
0x59: {  	_ =	shalt  }
0x5a: {  	_ =	shalt  }
0x5b: {  	_ =	shalt  }
0x5c: {  	_ =	shalt  }
0x5d: {  	_ =	shalt  }
0x5e: {  	_ =	shalt  }
0x5f: {  	_ =	shalt  }
0x60: {  	_ =	shalt  }
0x61: {  	_ =	shalt  }
0x62: {  	_ =	shalt  }
0x63: {  	_ =	shalt  }
0x64: {  	_ =	shalt  }
0x65: {  	_ =	shalt  }
0x66: {  	_ =	shalt  }
0x67: {  	_ =	shalt  }
0x68: {  	_ =	shalt  }
0x69: {  	_ =	shalt  }
0x6a: {  	_ =	shalt  }
0x6b: {  	_ =	shalt  }
0x6c: {  	_ =	shalt  }
0x6d: {  	_ =	shalt  }
0x6e: {  	_ =	shalt  }
0x6f: {  	_ =	shalt  }
0x70: {  	_ =	shalt  }
0x71: {  	_ =	shalt  }
0x72: {  	_ =	shalt  }
0x73: {  	_ =	shalt  }
0x74: {  	_ =	shalt  }
0x75: {  	_ =	shalt  }
0x76: {  	_ =	shalt  }
0x77: {  	_ =	shalt  }
0x78: {  	_ =	shalt  }
0x79: {  	_ =	shalt  }
0x7a: {  	_ =	shalt  }
0x7b: {  	_ =	shalt  }
0x7c: {  	_ =	shalt  }
0x7d: {  	_ =	shalt  }
0x7e: {  	_ =	shalt  }
0x7f: {  	_ =	shalt  }
0x80: {  	_ =	shalt  }
0x81: {  	_ =	shalt  }
0x82: {  	_ =	shalt  }
0x83: {  	_ =	shalt  }
0x84: {  	_ =	shalt  }
0x85: {  	_ =	shalt  }
0x86: {  	_ =	shalt  }
0x87: {  	_ =	shalt  }
.Lfunc_end0:
.L_simem_size_0:
called_computation_lowered:
.L_overlay_start_0:
0x88: {  	s2 =	sld [smem:$0x3FD9]  }
0x89: {  	s3 =	sld [smem:$0x3FFE];
	_ =	sdelay $0x1  }
0x8a: {  	s1 =	srdreg.scid  }
0x8b: {  	s0 =	sand.u32 $0x1, s1  }
0x8c: {  	s17 =	sshll.u32 s0, $0xA;
	s2 =	sadd.s32 s3, s2  }
0x8d: {  	s2 =	sadd.s32 s2, s17  }
0x8e: {  	[smem:$0x3FC4] =	sst s2  }
0x8f: {  	_ = 	snop  }
0x90: {  	s2 =	sld [smem:$0x3FC7]  }
0x91: {  	s18 =	sld [smem:$0x3FD0];
	(tm) =	ssettm $0x1  }
0x92: {  	s4 =	sld [smem:$0x3FFB];
	_ =	sdelay $0x3  }
0x93: {  	_ =	strace s4  }
0x94: {  	s4 =	sld [smem:$0x3FFC];
	_ =	sdelay $0x3  }
0x95: {  	_ =	strace s4  }
0x96: {  	s4 =	sld [smem:$0x3FFD];
	_ =	sdelay $0x3  }
0x97: {  	_ =	strace s4  }
0x98: {  	_ =	strace $0x8FFFFFFF  }
0x99: {  	s19 =	sld [smem:$0x3FDB];
	_ =	sdelay $0x1  }
0x9a: {  	s5 =	simm.s32 $_scs_section_size  }
0x9b: {  	s6 =	simm.s32 $_size__tile_overlayer_lowered;
	s7 =	simm.s32 $_tile_overlayer_lowered  }
0x9c: {  	s22 =	simm.s32 $0x1BFF;
	s21 =	sshll.u32 s7, $0x1;
	s4 =	sadd.s32 s5, s19  }
0x9d: {  	s8 =	simm.s32 $0x0;
	s20 =	sshll.u32 s6, $0x1;
	s6 =	sadd.s32 s21, s4  }
0x9e: {  	[timem:s8], [sflag:s22] =	dma.local [hbm:s6], s20  }
0x9f: {  	_ =	swait.ge [sflag:s22], s20  }
0xa0: {  	s5 =	ssub.s32 $0x0, s20;
	[sflag:s22] =	ssyncset.done $0x0  }
0xa1: {  	[sflag:s22] =	ssyncadd.s32 s5;
	_ =	sdelay $0x1  }
0xa2: {  	s23 =	simm.s32 $0x1B8B  }
0xa3: {  	_ =	swait.ge [sflag:s23], $0x1  }
0xa4: {  	[sflag:s23] =	ssyncset.done $0x0  }
0xa5: {  	s25 =	simm.s32 $0x1B8E;
	s24 =	sld [smem:$0x3FFE];
	[sflag:s23] =	ssyncadd.s32 $0xFFFFFFFF  }
0xa6: {  	s26 =	simm.s32 $execute0_lowered;
	[smem:$0x3FD2] =	sst s25  }
0xa7: {  	s6 =	sshll.u32 s26, $0x1;
	_ =	strace $0x80000046;
	[dreg:$0x1] =	wrdreg $0xFFFFFFFF  }
0xa8: {  	s28 =	simm.s32 $_size_execute0_lowered;
	s4 =	sadd.s32 s4, s6;
	[dreg:$0x0] =	wrdreg $0x0  }
0xa9: {  	s6 =	sshll.u32 s28, $0x1;
	[dreg:$0x2] =	wrdreg s4  }
0xaa: {  	[dreg:$0x3] =	wrdreg s6  }
0xab: {  	[dreg:$0x4] =	wrdreg $0xC0  }
0xac: {  	_ =	task [dreg:s8], $0x5FFFF  }
0xad: {  	[dreg:$0x1] =	wrdreg $0xFFFFFFFF  }
0xae: {  	[dreg:$0x0] =	wrdreg $0x60  }
0xaf: {  	[dreg:$0x2] =	wrdreg s18  }
0xb0: {  	[dreg:$0x3] =	wrdreg s24  }
0xb1: {  	[dreg:$0x4] =	wrdreg s2  }
0xb2: {  	[dreg:$0x5] =	wrdreg $0x9  }
0xb3: {  	_ =	task.clear_ibuf [dreg:s8], $0x6FFFF;
	_ =	strace $0x90000046  }
0xb4: {  	s29 =	simm.s32 $0x9;
	_ =	strace $0x80000048  }
0xb5: {  	_ =	swait.ge [sflag:s29], $0x1  }
0xb6: {  	[sflag:s29] =	ssyncadd.s32 $0xFFFFFFFF  }
0xb7: {  	_ =	strace $0x90000048  }
0xb8: {  	_ =	sfence  }
0xb9: {  	s30 =	sld [smem:$0x0];
	_ =	sdelay $0x2  }
0xba: {  	s31 =	sshll.u32 s1, $0xD;
	s1 =	sshrl.u32 s1, $0x2  }
0xbb: {  	s3 =	sand.u32 $0x4000, s31;
	s1 =	sadd.s32 s1, s30  }
0xbc: {  	s0 =	sor.u32 s3, s0;
	s1 =	sshll.u32 s1, $0x11  }
0xbd: {  	s0 =	sor.u32 s1, s0  }
0xbe: {  	s0 =	sadd.s32 $0x8F2B, s0  }
0xbf: {  	[sflag:s0] =	ssyncadd.remote.s32 $0x1  }
0xc0: {  	_ =	sfence.sel $0xFFFF  }
0xc1: {  	[dreg:$0x0] =	wrdreg $0xFFFFFFFF;
	(pc) =	sbr.abs _section_cstart, $3  }
0xc2: {  	[dreg:$0x1] =	wrdreg $0xFFFFFFFF  }
0xc3: {  	_ =	task.clear_ibuf [dreg:s8], $0x2FFFF;
	_ =	strace $0x9FFFFFFF  }
0xc4: {  	(tm) =	ssettm $0x7FFFFFFF  }
0xc5: {  	_ =	shalt  }
tec
execute0_lowered:
.L_overlay_start_1:
0x0: {  	(tag) =	ssettag $0x1  }
0x1: {  	s7 =	rddreg [dreg:$0x0]  }
0x2: {  	s5 =	rddreg [dreg:$0x1];
	s1 =	srdreg.scid  }
0x3: {  	s0 =	stileid.u32;
	s2 =	rddreg [dreg:$0x2];
	s3 =	simm.s32 $0x0  }
0x4: {  	s11 =	simm.s32 $0x16B00;
	s12 =	simm.s32 $0x15200;
	s13 =	simm.s32 $0x18400  }
0x5: {  	s14 =	simm.s32 $0x3;
	s15 =	simm.s32 $0x1;
	s16 =	simm.s32 $0x9C80  }
0x6: {  	s17 =	simm.s32 $0x2;
	s18 =	simm.s32 $0x0;
	s23 =	simm.s32 $0x0  }
0x7: {  	s4 =	sand.u32 $0x1, s1;
	s6 =	sshll.u32 s0, $0x1;
	s1 =	rddreg [dreg:$0x3]  }
0x8: {  	[smem:$0x7FF] =	sst s3;
	s6 =	sor.u32 s4, s6;
	s31 =	ssub.s32 $0x2, s4  }
0x9: {  	_ =	strace $0x80000047;
	s8 =	smul.u32 $0x1388, s6;
	s10 =	sshrl.u32 s31, $0x1  }
0xa: {  	s4 =	sadd.s32 $0xE00, s5;
	s6 =	sadd.s32 $0x320, s2;
	s10 =	ssub.s32 s31, s10  }
0xb: {  	s9 =	sadd.s32 s8, s5;
	s5 =	sadd.s32 $0x1120, s5;
	s7 =	sadd.s32 s7, s8  }
0xc: {  	v0 =	vimm.f32 $0.0e+00;
	s8 =	sadd.s32 $0xAC00, s9;
	s9 =	smax.u32 s10, $0x1;
	s10 =	simm.s32 $0x13900  }
.LBB2_1:
0xd: {  	[tilespmem:s10], [sflag:$0x1] =	stream.linear.gather [hbm4b:s4+s3], $0x1900, $0x38;
	[tilespmem:$0x19D00] =	vst v63  }
0xe: {  	_ = 	snop  }
0xf: {  	[tilespmem:s11], [sflag:$0x1] =	stream.linear.gather [hbm4b:s2+s3], $0x1900, $0x38;
	[tilespmem:$0x19D00] =	vst v63  }
0x10: {  	_ = 	snop  }
0x11: {  	[tilespmem:s12], [sflag:$0x2] =	stream.linear.gather [hbm4b:s5+s3], $0x1900, $0x38;
	[tilespmem:$0x19D00] =	vst v63  }
0x12: {  	_ = 	snop  }
0x13: {  	[tilespmem:s13], [sflag:$0x2] =	stream.linear.gather [hbm4b:s6+s3], $0x1900, $0x38;
	[tilespmem:$0x19D00] =	vst v63  }
0x14: {  	_ = 	snop  }
0x15: {  	[tilespmem:s3], [sflag:$0x3] =	stream.linear.gather [hbm4b:s7+s3], $0x9C40, $0x38;
	[tilespmem:$0x19D00] =	vst v63  }
0x16: {  	_ =	swait.ge [sflag:s14], $0x9C40  }
0x17: {  	[sflag:s14] =	ssyncset.done $0x0  }
0x18: {  	s19 =	simm.s32 $0x100;
	s20 =	simm.s32 $0x0;
	[sflag:s14] =	ssyncadd.s32 $0xFFFF63C0  }
.LBB2_2:
0x19: {  	p0 =	sne.s32 s19, $0x27000;
	[tilespmem:s20+$0x9CB0] =	vst v0;
	s21 =	smov.u32 s19;
	s19 =	sadd.s32 $0x100, s19  }
.Ltmp0:
0x1a: {  	[tilespmem:s20+$0x9CA0] =	vst v0;
	(pc) =	sbr.rel @p0 .LBB2_2-.Ltmp0, $3  }
0x1b: {  	[tilespmem:s20+$0x9C80] =	vst v0  }
0x1c: {  	[tilespmem:s20+$0x9C90] =	vst v0;
	_ =	sdelay $0x1  }
0x1d: {  	s20 =	sshra.s32 s21, $0x2  }
0x1e: {  	[tilespmem:s20+$0x9CB0] =	vst v0  }
0x1f: {  	[tilespmem:s20+$0x9CA0] =	vst v0  }
0x20: {  	[tilespmem:s20+$0x9C80] =	vst v0  }
0x21: {  	s19 =	simm.s32 $0x0;
	[tilespmem:s20+$0x9C90] =	vst v0  }
.LBB2_4:
0x22: {  	_ =	swait.ge [sflag:s15], $0x1900  }
0x23: {  	[sflag:s15] =	ssyncset.done $0x0  }
0x24: {  	[sflag:s15] =	ssyncadd.s32 $0xFFFFE700  }
0x25: {  	_ =	swait.ge [sflag:s15], $0x1900  }
0x26: {  	[sflag:s15] =	ssyncset.done $0x0  }
0x27: {  	s20 =	simm.s32 $0x0;
	[sflag:s15] =	ssyncadd.s32 $0xFFFFE700  }
0x28: {  	v10 =	vld [tilespmem:s20+$0x13930]  }
0x29: {  	v11 =	vld [tilespmem:s20+$0x13920]  }
0x2a: {  	v8 =	vld [tilespmem:s20+$0x13950]  }
0x2b: {  	v4 =	vld [tilespmem:s20+$0x13960]  }
0x2c: {  	v12 =	vld [tilespmem:s20+$0x13940]  }
0x2d: {  	v13 =	vld [tilespmem:s20+$0x13910]  }
0x2e: {  	v14 =	vld [tilespmem:s20+$0x13900]  }
0x2f: {  	v2 =	vld [tilespmem:s20+$0x13970]  }
0x30: {  	v15 =	vld [tilespmem:s20+$0x16B00]  }
0x31: {  	v9 =	vld [tilespmem:s20+$0x16B40]  }
0x32: {  	v18 =	vld [tilespmem:s20+$0x16B30]  }
0x33: {  	v19 =	vld [tilespmem:s20+$0x16B20];
	v17 =	vshrl.u32 v12, $0x10  }
0x34: {  	v7 =	vld [tilespmem:s20+$0x16B50];
	v23 =	vshrl.u32 v4, $0x10  }
0x35: {  	v1 =	vld [tilespmem:s20+$0x16B70];
	v25 =	vshrl.u32 v14, $0x10  }
0x36: {  	v3 =	vld [tilespmem:s20+$0x16B60];
	v16 =	vshrl.u32 v8, $0x10  }
0x37: {  	v28 =	vld [tilespmem:s20+$0x16B10];
	v29 =	vshrl.u32 v13, $0x10  }
0x38: {  	v41 =	vshrl.u32 v11, $0x10;
	v26 =	vld.idx.msk [tilespmem:v17+s3+$0x0], $0xffff  }
0x39: {  	v44 =	vshrl.u32 v10, $0x10;
	v30 =	vld.idx.msk [tilespmem:v23+s3+$0x0], $0xffff  }
0x3a: {  	v5 =	vadd.s32 $0x2710, v16;
	v32 =	vld.idx.msk [tilespmem:v25+s3+$0x0], $0xffff  }
0x3b: {  	v6 =	vadd.s32 $0x2710, v17;
	v35 =	vld.idx.msk [tilespmem:v16+s3+$0x0], $0xffff  }
0x3c: {  	v20 =	vshrl.u32 v2, $0x10;
	v38 =	vld.idx.msk [tilespmem:v29+s3+$0x0], $0xffff  }
0x3d: {  	v21 =	vadd.s32 $0x2710, v20;
	v27 =	vadd.s32 $0x7530, v25;
	v45 =	vld.idx.msk [tilespmem:v41+s3+$0x0], $0xffff  }
0x3e: {  	v46 =	vadd.s32 $0x2710, v44;
	v47 =	vadd.s32 $0x7530, v44;
	v48 =	vadd.s32 $0x4E20, v44;
	v44 =	vld.idx.msk [tilespmem:v44+s3+$0x0], $0xffff  }
0x3f: {  	v52 =	vadd.s32 $0x7530, v20;
	v22 =	vld.idx.msk [tilespmem:v5+s3+$0x0], $0xffff  }
0x40: {  	v31 =	vadd.s32 $0x7530, v17;
	v24 =	vld.idx.msk [tilespmem:v6+s3+$0x0], $0xffff  }
0x41: {  	v33 =	vadd.s32 $0x4E20, v25;
	v5 =	vld.idx.msk [tilespmem:v20+s3+$0x0], $0xffff  }
0x42: {  	v34 =	vadd.s32 $0x4E20, v29;
	v6 =	vld.idx.msk [tilespmem:v21+s3+$0x0], $0xffff  }
0x43: {  	v36 =	vadd.s32 $0x7530, v16;
	v27 =	vld.idx.msk [tilespmem:v27+s3+$0x0], $0xffff  }
0x44: {  	v37 =	vadd.s32 $0x2710, v23;
	v21 =	vld.idx.msk [tilespmem:v52+s3+$0x0], $0xffff  }
0x45: {  	v39 =	vadd.s32 $0x2710, v29;
	v31 =	vld.idx.msk [tilespmem:v31+s3+$0x0], $0xffff  }
0x46: {  	v40 =	vadd.s32 $0x4E20, v23;
	v33 =	vld.idx.msk [tilespmem:v33+s3+$0x0], $0xffff  }
0x47: {  	v42 =	vadd.s32 $0x7530, v41;
	v34 =	vld.idx.msk [tilespmem:v34+s3+$0x0], $0xffff  }
0x48: {  	v43 =	vadd.s32 $0x4E20, v41;
	v36 =	vld.idx.msk [tilespmem:v36+s3+$0x0], $0xffff  }
0x49: {  	v37 =	vld.idx.msk [tilespmem:v37+s3+$0x0], $0xffff  }
0x4a: {  	v39 =	vld.idx.msk [tilespmem:v39+s3+$0x0], $0xffff  }
0x4b: {  	v40 =	vld.idx.msk [tilespmem:v40+s3+$0x0], $0xffff  }
0x4c: {  	v16 =	vadd.s32 $0x4E20, v16;
	v42 =	vld.idx.msk [tilespmem:v42+s3+$0x0], $0xffff  }
0x4d: {  	v25 =	vadd.s32 $0x2710, v25;
	v43 =	vld.idx.msk [tilespmem:v43+s3+$0x0], $0xffff  }
0x4e: {  	v29 =	vadd.s32 $0x7530, v29;
	v46 =	vld.idx.msk [tilespmem:v46+s3+$0x0], $0xffff  }
0x4f: {  	v23 =	vadd.s32 $0x7530, v23;
	v47 =	vld.idx.msk [tilespmem:v47+s3+$0x0], $0xffff  }
0x50: {  	v17 =	vadd.s32 $0x4E20, v17;
	v48 =	vld.idx.msk [tilespmem:v48+s3+$0x0], $0xffff  }
0x51: {  	v41 =	vadd.s32 $0x2710, v41;
	v16 =	vld.idx.msk [tilespmem:v16+s3+$0x0], $0xffff  }
0x52: {  	v20 =	vadd.s32 $0x4E20, v20;
	v25 =	vld.idx.msk [tilespmem:v25+s3+$0x0], $0xffff  }
0x53: {  	v14 =	vand.u32 $0xFFFF, v14;
	v29 =	vld.idx.msk [tilespmem:v29+s3+$0x0], $0xffff  }
0x54: {  	v49 =	vadd.s32 $0x2710, v14;
	v23 =	vld.idx.msk [tilespmem:v23+s3+$0x0], $0xffff  }
0x55: {  	v50 =	vadd.s32 $0x4E20, v14;
	v17 =	vld.idx.msk [tilespmem:v17+s3+$0x0], $0xffff  }
0x56: {  	v51 =	vadd.s32 $0x7530, v14;
	v41 =	vld.idx.msk [tilespmem:v41+s3+$0x0], $0xffff;
	v32 =	vmul.f32 v32, v15  }
0x57: {  	v13 =	vand.u32 $0xFFFF, v13;
	v20 =	vld.idx.msk [tilespmem:v20+s3+$0x0], $0xffff;
	v25 =	vmul.f32 v25, v15  }
0x58: {  	v54 =	vadd.s32 $0x2710, v13;
	v53 =	vmul.f32 v33, v15;
	[tilespmem:v14+s16+$0x0] =	vst.idx.add.f32.msk $0xffff, v32  }
0x59: {  	v55 =	vadd.s32 $0x4E20, v13;
	v15 =	vmul.f32 v27, v15;
	[tilespmem:v49+s16+$0x0] =	vst.idx.add.f32.msk $0xffff, v25  }
0x5a: {  	v57 =	vadd.s32 $0x7530, v13;
	v56 =	vmul.f32 v38, v28;
	[tilespmem:v50+s16+$0x0] =	vst.idx.add.f32.msk $0xffff, v53  }
0x5b: {  	v11 =	vand.u32 $0xFFFF, v11;
	v58 =	vmul.f32 v39, v28;
	[tilespmem:v51+s16+$0x0] =	vst.idx.add.f32.msk $0xffff, v15  }
0x5c: {  	v60 =	vadd.s32 $0x2710, v11;
	v59 =	vmul.f32 v34, v28;
	[tilespmem:v13+s16+$0x0] =	vst.idx.add.f32.msk $0xffff, v56  }
0x5d: {  	v62 =	vadd.s32 $0x4E20, v11;
	v61 =	vmul.f32 v29, v28;
	[tilespmem:v54+s16+$0x0] =	vst.idx.add.f32.msk $0xffff, v58  }
0x5e: {  	v63 =	vmul.f32 v45, v19;
	v32 =	vadd.s32 $0x7530, v11;
	[tilespmem:v55+s16+$0x0] =	vst.idx.add.f32.msk $0xffff, v59  }
0x5f: {  	v10 =	vand.u32 $0xFFFF, v10;
	v33 =	vmul.f32 v41, v19;
	[tilespmem:v57+s16+$0x0] =	vst.idx.add.f32.msk $0xffff, v61  }
0x60: {  	v38 =	vmul.f32 v43, v19;
	v39 =	vadd.s32 $0x2710, v10;
	[tilespmem:v11+s16+$0x0] =	vst.idx.add.f32.msk $0xffff, v63  }
0x61: {  	v41 =	vmul.f32 v42, v19;
	v19 =	vadd.s32 $0x4E20, v10;
	[tilespmem:v60+s16+$0x0] =	vst.idx.add.f32.msk $0xffff, v33  }
0x62: {  	v43 =	vadd.s32 $0x7530, v10;
	v42 =	vmul.f32 v44, v18;
	[tilespmem:v62+s16+$0x0] =	vst.idx.add.f32.msk $0xffff, v38  }
0x63: {  	v12 =	vand.u32 $0xFFFF, v12;
	v44 =	vmul.f32 v46, v18;
	[tilespmem:v32+s16+$0x0] =	vst.idx.add.f32.msk $0xffff, v41  }
0x64: {  	v45 =	vmul.f32 v48, v18;
	v46 =	vadd.s32 $0x2710, v12;
	[tilespmem:v10+s16+$0x0] =	vst.idx.add.f32.msk $0xffff, v42  }
0x65: {  	v48 =	vmul.f32 v47, v18;
	v49 =	vadd.s32 $0x4E20, v12;
	[tilespmem:v39+s16+$0x0] =	vst.idx.add.f32.msk $0xffff, v44  }
0x66: {  	v50 =	vmul.f32 v26, v9;
	v51 =	vadd.s32 $0x7530, v12;
	[tilespmem:v19+s16+$0x0] =	vst.idx.add.f32.msk $0xffff, v45  }
0x67: {  	v8 =	vand.u32 $0xFFFF, v8;
	v52 =	vmul.f32 v24, v9;
	[tilespmem:v43+s16+$0x0] =	vst.idx.add.f32.msk $0xffff, v48  }
0x68: {  	v53 =	vmul.f32 v17, v9;
	v17 =	vadd.s32 $0x2710, v8;
	[tilespmem:v12+s16+$0x0] =	vst.idx.add.f32.msk $0xffff, v50  }
0x69: {  	v9 =	vmul.f32 v31, v9;
	v54 =	vadd.s32 $0x4E20, v8;
	[tilespmem:v46+s16+$0x0] =	vst.idx.add.f32.msk $0xffff, v52  }
0x6a: {  	v56 =	vadd.s32 $0x7530, v8;
	v55 =	vmul.f32 v35, v7;
	[tilespmem:v49+s16+$0x0] =	vst.idx.add.f32.msk $0xffff, v53  }
0x6b: {  	v4 =	vand.u32 $0xFFFF, v4;
	v57 =	vmul.f32 v22, v7;
	[tilespmem:v51+s16+$0x0] =	vst.idx.add.f32.msk $0xffff, v9  }
0x6c: {  	v58 =	vmul.f32 v16, v7;
	v59 =	vadd.s32 $0x2710, v4;
	[tilespmem:v8+s16+$0x0] =	vst.idx.add.f32.msk $0xffff, v55  }
0x6d: {  	v7 =	vmul.f32 v36, v7;
	v8 =	vadd.s32 $0x4E20, v4;
	[tilespmem:v17+s16+$0x0] =	vst.idx.add.f32.msk $0xffff, v57  }
0x6e: {  	v61 =	vadd.s32 $0x7530, v4;
	v60 =	vmul.f32 v30, v3;
	[tilespmem:v54+s16+$0x0] =	vst.idx.add.f32.msk $0xffff, v58  }
0x6f: {  	v2 =	vand.u32 $0xFFFF, v2;
	v62 =	vmul.f32 v37, v3;
	[tilespmem:v56+s16+$0x0] =	vst.idx.add.f32.msk $0xffff, v7  }
0x70: {  	v7 =	vmul.f32 v40, v3;
	[tilespmem:v4+s16+$0x0] =	vst.idx.add.f32.msk $0xffff, v60  }
0x71: {  	v3 =	vmul.f32 v23, v3;
	[tilespmem:v59+s16+$0x0] =	vst.idx.add.f32.msk $0xffff, v62  }
0x72: {  	v18 =	vmul.f32 v20, v1;
	v63 =	vadd.s32 $0x2710, v2;
	v4 =	vmul.f32 v5, v1;
	[tilespmem:v8+s16+$0x0] =	vst.idx.add.f32.msk $0xffff, v7  }
0x73: {  	v5 =	vmul.f32 v6, v1;
	v6 =	vmul.f32 v21, v1;
	v1 =	vadd.s32 $0x4E20, v2;
	[tilespmem:v61+s16+$0x0] =	vst.idx.add.f32.msk $0xffff, v3  }
0x74: {  	[tilespmem:v2+s16+$0x0] =	vst.idx.add.f32.msk $0xffff, v4;
	v2 =	vadd.s32 $0x7530, v2;
	_ =	sdelay $0x2  }
0x75: {  	s20 =	simm.s32 $0x200;
	[tilespmem:v63+s16+$0x0] =	vst.idx.add.f32.msk $0xffff, v5  }
.LBB2_5:
0x76: {  	s21 =	sshra.s32 s20, $0x2;
	p0 =	sne.s32 s20, $0x6200;
	s20 =	sadd.s32 $0x200, s20;
	[tilespmem:v1+s16+$0x0] =	vst.idx.add.f32.msk $0xffff, v18  }
0x77: {  	[tilespmem:v2+s16+$0x0] =	vst.idx.add.f32.msk $0xffff, v6  }
0x78: {  	v5 =	vld [tilespmem:s21+$0x13930]  }
0x79: {  	v8 =	vld [tilespmem:s21+$0x13920]  }
0x7a: {  	v3 =	vld [tilespmem:s21+$0x13950]  }
0x7b: {  	v2 =	vld [tilespmem:s21+$0x13960]  }
0x7c: {  	v4 =	vld [tilespmem:s21+$0x13940]  }
0x7d: {  	v15 =	vld [tilespmem:s21+$0x13910]  }
0x7e: {  	v19 =	vld [tilespmem:s21+$0x13900]  }
0x7f: {  	v1 =	vld [tilespmem:s21+$0x13970]  }
0x80: {  	v18 =	vld [tilespmem:s21+$0x16B00];
	v6 =	vshrl.u32 v2, $0x10  }
0x81: {  	v7 =	vshrl.u32 v3, $0x10;
	v17 =	vld [tilespmem:s21+$0x16B40];
	v20 =	vshrl.u32 v4, $0x10  }
0x82: {  	v22 =	vshrl.u32 v8, $0x10;
	v9 =	vadd.s32 $0x2710, v7;
	v11 =	vld [tilespmem:s21+$0x16B30];
	v21 =	vshrl.u32 v15, $0x10  }
0x83: {  	v23 =	vadd.s32 $0x2710, v22;
	v24 =	vadd.s32 $0x4E20, v22;
	v10 =	vadd.s32 $0x2710, v20;
	v13 =	vld [tilespmem:s21+$0x16B20]  }
0x84: {  	v26 =	vshrl.u32 v5, $0x10;
	v27 =	vadd.s32 $0x7530, v22;
	v25 =	vld [tilespmem:s21+$0x16B50]  }
0x85: {  	v30 =	vadd.s32 $0x4E20, v26;
	v31 =	vadd.s32 $0x7530, v26;
	v29 =	vshrl.u32 v1, $0x10;
	v28 =	vld [tilespmem:s21+$0x16B70]  }
0x86: {  	v33 =	vadd.s32 $0x7530, v6;
	v12 =	vadd.s32 $0x2710, v29;
	v32 =	vld [tilespmem:s21+$0x16B60]  }
0x87: {  	v35 =	vadd.s32 $0x4E20, v7;
	v36 =	vadd.s32 $0x4E20, v6;
	v34 =	vadd.s32 $0x2710, v21;
	v9 =	vld.idx.msk [tilespmem:v9+s3+$0x0], $0xffff  }
0x88: {  	v14 =	vld.idx.msk [tilespmem:v10+s3+$0x0], $0xffff  }
0x89: {  	v37 =	vshrl.u32 v19, $0x10;
	v16 =	vld.idx.msk [tilespmem:v20+s3+$0x0], $0xffff  }
0x8a: {  	v39 =	vadd.s32 $0x2710, v26;
	v38 =	vadd.s32 $0x7530, v37;
	v40 =	vld.idx.msk [tilespmem:v29+s3+$0x0], $0xffff  }
0x8b: {  	v41 =	vld [tilespmem:s21+$0x16B10]  }
0x8c: {  	v42 =	vadd.s32 $0x7530, v7;
	v43 =	vadd.s32 $0x7530, v29;
	v12 =	vld.idx.msk [tilespmem:v12+s3+$0x0], $0xffff  }
0x8d: {  	v45 =	vadd.s32 $0x7530, v20;
	v44 =	vadd.s32 $0x4E20, v37;
	v10 =	vmul.f32 v9, v25;
	v46 =	vld.idx.msk [tilespmem:v6+s3+$0x0], $0xffff  }
0x8e: {  	v48 =	vadd.s32 $0x4E20, v21;
	v6 =	vadd.s32 $0x2710, v6;
	v14 =	vmul.f32 v14, v17;
	v47 =	vld.idx.msk [tilespmem:v37+s3+$0x0], $0xffff  }
0x8f: {  	v16 =	vmul.f32 v16, v17;
	v38 =	vld.idx.msk [tilespmem:v38+s3+$0x0], $0xffff  }
0x90: {  	v49 =	vld.idx.msk [tilespmem:v7+s3+$0x0], $0xffff;
	v7 =	vmul.f32 v40, v28  }
0x91: {  	v37 =	vadd.s32 $0x2710, v37;
	v40 =	vld.idx.msk [tilespmem:v43+s3+$0x0], $0xffff  }
0x92: {  	v9 =	vmul.f32 v12, v28;
	v43 =	vld.idx.msk [tilespmem:v21+s3+$0x0], $0xffff  }
0x93: {  	v12 =	vmul.f32 v46, v32;
	v45 =	vld.idx.msk [tilespmem:v45+s3+$0x0], $0xffff  }
0x94: {  	v21 =	vadd.s32 $0x7530, v21;
	v44 =	vld.idx.msk [tilespmem:v44+s3+$0x0], $0xffff  }
0x95: {  	v29 =	vadd.s32 $0x4E20, v29;
	v38 =	vmul.f32 v38, v18;
	v46 =	vld.idx.msk [tilespmem:v48+s3+$0x0], $0xffff  }
0x96: {  	v48 =	vmul.f32 v49, v25;
	v42 =	vld.idx.msk [tilespmem:v42+s3+$0x0], $0xffff  }
0x97: {  	v49 =	vld.idx.msk [tilespmem:v6+s3+$0x0], $0xffff;
	v6 =	vmul.f32 v40, v28  }
0x98: {  	v34 =	vld.idx.msk [tilespmem:v34+s3+$0x0], $0xffff  }
0x99: {  	v40 =	vmul.f32 v45, v17;
	v35 =	vld.idx.msk [tilespmem:v35+s3+$0x0], $0xffff  }
0x9a: {  	v44 =	vmul.f32 v44, v18;
	v37 =	vld.idx.msk [tilespmem:v37+s3+$0x0], $0xffff  }
0x9b: {  	v20 =	vadd.s32 $0x4E20, v20;
	v45 =	vmul.f32 v46, v41;
	v29 =	vld.idx.msk [tilespmem:v29+s3+$0x0], $0xffff  }
0x9c: {  	v42 =	vmul.f32 v42, v25;
	v21 =	vld.idx.msk [tilespmem:v21+s3+$0x0], $0xffff  }
0x9d: {  	v46 =	vmul.f32 v47, v18;
	v47 =	vmul.f32 v49, v32;
	v36 =	vld.idx.msk [tilespmem:v36+s3+$0x0], $0xffff  }
0x9e: {  	v43 =	vmul.f32 v43, v41;
	v34 =	vmul.f32 v34, v41;
	v22 =	vld.idx.msk [tilespmem:v22+s3+$0x0], $0xffff  }
0x9f: {  	v25 =	vmul.f32 v35, v25;
	v33 =	vld.idx.msk [tilespmem:v33+s3+$0x0], $0xffff  }
0xa0: {  	v35 =	vmul.f32 v37, v18;
	v20 =	vld.idx.msk [tilespmem:v20+s3+$0x0], $0xffff  }
0xa1: {  	v18 =	vmul.f32 v29, v28;
	v27 =	vld.idx.msk [tilespmem:v27+s3+$0x0], $0xffff  }
0xa2: {  	v19 =	vand.u32 $0xFFFF, v19;
	v21 =	vmul.f32 v21, v41;
	v24 =	vld.idx.msk [tilespmem:v24+s3+$0x0], $0xffff  }
0xa3: {  	v28 =	vadd.s32 $0x2710, v19;
	v29 =	vmul.f32 v36, v32;
	v26 =	vld.idx.msk [tilespmem:v26+s3+$0x0], $0xffff  }
0xa4: {  	v37 =	vadd.s32 $0x4E20, v19;
	v22 =	vmul.f32 v22, v13;
	v36 =	vld.idx.msk [tilespmem:v39+s3+$0x0], $0xffff  }
0xa5: {  	v39 =	vadd.s32 $0x7530, v19;
	v32 =	vmul.f32 v33, v32;
	v23 =	vld.idx.msk [tilespmem:v23+s3+$0x0], $0xffff  }
0xa6: {  	v15 =	vand.u32 $0xFFFF, v15;
	v17 =	vmul.f32 v20, v17;
	v31 =	vld.idx.msk [tilespmem:v31+s3+$0x0], $0xffff  }
0xa7: {  	v27 =	vmul.f32 v27, v13;
	v20 =	vld.idx.msk [tilespmem:v30+s3+$0x0], $0xffff;
	v30 =	vadd.s32 $0x2710, v15  }
0xa8: {  	[tilespmem:v19+s16+$0x0] =	vst.idx.add.f32.msk $0xffff, v46;
	v19 =	vadd.s32 $0x4E20, v15  }
0xa9: {  	v26 =	vmul.f32 v26, v11;
	[tilespmem:v28+s16+$0x0] =	vst.idx.add.f32.msk $0xffff, v35;
	v28 =	vadd.s32 $0x7530, v15  }
0xaa: {  	v8 =	vand.u32 $0xFFFF, v8;
	v24 =	vmul.f32 v24, v13;
	[tilespmem:v37+s16+$0x0] =	vst.idx.add.f32.msk $0xffff, v44  }
0xab: {  	v33 =	vadd.s32 $0x2710, v8;
	v35 =	vmul.f32 v36, v11;
	[tilespmem:v39+s16+$0x0] =	vst.idx.add.f32.msk $0xffff, v38  }
0xac: {  	v13 =	vmul.f32 v23, v13;
	[tilespmem:v15+s16+$0x0] =	vst.idx.add.f32.msk $0xffff, v43;
	v15 =	vadd.s32 $0x4E20, v8  }
0xad: {  	v23 =	vadd.s32 $0x7530, v8;
	v20 =	vmul.f32 v20, v11;
	v11 =	vmul.f32 v31, v11;
	[tilespmem:v30+s16+$0x0] =	vst.idx.add.f32.msk $0xffff, v34  }
0xae: {  	v5 =	vand.u32 $0xFFFF, v5;
	[tilespmem:v19+s16+$0x0] =	vst.idx.add.f32.msk $0xffff, v45  }
0xaf: {  	v19 =	vadd.s32 $0x2710, v5;
	[tilespmem:v28+s16+$0x0] =	vst.idx.add.f32.msk $0xffff, v21  }
0xb0: {  	[tilespmem:v8+s16+$0x0] =	vst.idx.add.f32.msk $0xffff, v22;
	v8 =	vadd.s32 $0x4E20, v5  }
0xb1: {  	[tilespmem:v33+s16+$0x0] =	vst.idx.add.f32.msk $0xffff, v13;
	v13 =	vadd.s32 $0x7530, v5  }
0xb2: {  	v4 =	vand.u32 $0xFFFF, v4;
	[tilespmem:v15+s16+$0x0] =	vst.idx.add.f32.msk $0xffff, v24  }
0xb3: {  	v15 =	vadd.s32 $0x2710, v4;
	[tilespmem:v23+s16+$0x0] =	vst.idx.add.f32.msk $0xffff, v27  }
0xb4: {  	[tilespmem:v5+s16+$0x0] =	vst.idx.add.f32.msk $0xffff, v26;
	v5 =	vadd.s32 $0x4E20, v4  }
0xb5: {  	[tilespmem:v19+s16+$0x0] =	vst.idx.add.f32.msk $0xffff, v35;
	v19 =	vadd.s32 $0x7530, v4  }
0xb6: {  	v3 =	vand.u32 $0xFFFF, v3;
	[tilespmem:v8+s16+$0x0] =	vst.idx.add.f32.msk $0xffff, v20  }
0xb7: {  	v8 =	vadd.s32 $0x2710, v3;
	[tilespmem:v13+s16+$0x0] =	vst.idx.add.f32.msk $0xffff, v11  }
0xb8: {  	[tilespmem:v4+s16+$0x0] =	vst.idx.add.f32.msk $0xffff, v16;
	v4 =	vadd.s32 $0x4E20, v3  }
0xb9: {  	v11 =	vadd.s32 $0x7530, v3;
	[tilespmem:v15+s16+$0x0] =	vst.idx.add.f32.msk $0xffff, v14  }
0xba: {  	v2 =	vand.u32 $0xFFFF, v2;
	[tilespmem:v5+s16+$0x0] =	vst.idx.add.f32.msk $0xffff, v17  }
0xbb: {  	v5 =	vadd.s32 $0x2710, v2;
	[tilespmem:v19+s16+$0x0] =	vst.idx.add.f32.msk $0xffff, v40  }
0xbc: {  	[tilespmem:v3+s16+$0x0] =	vst.idx.add.f32.msk $0xffff, v48;
	v3 =	vadd.s32 $0x4E20, v2  }
0xbd: {  	[tilespmem:v8+s16+$0x0] =	vst.idx.add.f32.msk $0xffff, v10;
	v8 =	vadd.s32 $0x7530, v2  }
0xbe: {  	v10 =	vand.u32 $0xFFFF, v1;
	[tilespmem:v4+s16+$0x0] =	vst.idx.add.f32.msk $0xffff, v25  }
0xbf: {  	v4 =	vadd.s32 $0x2710, v10;
	[tilespmem:v11+s16+$0x0] =	vst.idx.add.f32.msk $0xffff, v42  }
0xc0: {  	v1 =	vadd.s32 $0x4E20, v10;
	[tilespmem:v2+s16+$0x0] =	vst.idx.add.f32.msk $0xffff, v12  }
.Ltmp1:
0xc1: {  	v2 =	vadd.s32 $0x7530, v10;
	[tilespmem:v5+s16+$0x0] =	vst.idx.add.f32.msk $0xffff, v47;
	(pc) =	sbr.rel @p0 .LBB2_5-.Ltmp1, $4  }
0xc2: {  	[tilespmem:v3+s16+$0x0] =	vst.idx.add.f32.msk $0xffff, v29  }
0xc3: {  	[tilespmem:v8+s16+$0x0] =	vst.idx.add.f32.msk $0xffff, v32  }
0xc4: {  	[tilespmem:v10+s16+$0x0] =	vst.idx.add.f32.msk $0xffff, v7  }
0xc5: {  	[tilespmem:v4+s16+$0x0] =	vst.idx.add.f32.msk $0xffff, v9  }
0xc6: {  	_ = 	snop  }
0xc7: {  	s20 =	smul.u32 $0x3200, s19;
	_ =	sdelay $0x1  }
0xc8: {  	s20 =	sshrl.u32 s20, $0x3  }
0xc9: {  	[tilespmem:v1+s16+$0x0] =	vst.idx.add.f32.msk $0xffff, v18;
	s21 =	sadd.s32 $0x640, s20  }
0xca: {  	[tilespmem:v2+s16+$0x0] =	vst.idx.add.f32.msk $0xffff, v6;
	s22 =	sadd.s32 s4, s21  }
0xcb: {  	[tilespmem:s10], [sflag:$0x1] =	stream.linear.gather [hbm4b:s22+s23], $0x1900, $0x38;
	[tilespmem:$0x19D00] =	vst v63  }
0xcc: {  	s21 =	sadd.s32 s2, s21  }
0xcd: {  	[tilespmem:s11], [sflag:$0x1] =	stream.linear.gather [hbm4b:s21+s23], $0x1900, $0x38;
	[tilespmem:$0x19D00] =	vst v63  }
0xce: {  	_ =	swait.ge [sflag:s17], $0x1900  }
0xcf: {  	[sflag:s17] =	ssyncset.done $0x0  }
0xd0: {  	[sflag:s17] =	ssyncadd.s32 $0xFFFFE700  }
0xd1: {  	_ =	swait.ge [sflag:s17], $0x1900  }
0xd2: {  	[sflag:s17] =	ssyncset.done $0x0  }
0xd3: {  	s31 =	simm.s32 $0x0;
	[sflag:s17] =	ssyncadd.s32 $0xFFFFE700  }
0xd4: {  	v10 =	vld [tilespmem:s31+$0x15230]  }
0xd5: {  	v11 =	vld [tilespmem:s31+$0x15220]  }
0xd6: {  	v8 =	vld [tilespmem:s31+$0x15250]  }
0xd7: {  	v4 =	vld [tilespmem:s31+$0x15260]  }
0xd8: {  	v12 =	vld [tilespmem:s31+$0x15240]  }
0xd9: {  	v13 =	vld [tilespmem:s31+$0x15210]  }
0xda: {  	v14 =	vld [tilespmem:s31+$0x15200]  }
0xdb: {  	v2 =	vld [tilespmem:s31+$0x15270]  }
0xdc: {  	v15 =	vld [tilespmem:s31+$0x18400]  }
0xdd: {  	v9 =	vld [tilespmem:s31+$0x18440]  }
0xde: {  	v18 =	vld [tilespmem:s31+$0x18430]  }
0xdf: {  	v19 =	vld [tilespmem:s31+$0x18420];
	v17 =	vshrl.u32 v12, $0x10  }
0xe0: {  	v7 =	vld [tilespmem:s31+$0x18450];
	v23 =	vshrl.u32 v4, $0x10  }
0xe1: {  	v1 =	vld [tilespmem:s31+$0x18470];
	v25 =	vshrl.u32 v14, $0x10  }
0xe2: {  	v3 =	vld [tilespmem:s31+$0x18460];
	v16 =	vshrl.u32 v8, $0x10  }
0xe3: {  	v28 =	vld [tilespmem:s31+$0x18410];
	v29 =	vshrl.u32 v13, $0x10  }
0xe4: {  	v41 =	vshrl.u32 v11, $0x10;
	v26 =	vld.idx.msk [tilespmem:v17+s3+$0x0], $0xffff  }
0xe5: {  	v44 =	vshrl.u32 v10, $0x10;
	v30 =	vld.idx.msk [tilespmem:v23+s3+$0x0], $0xffff  }
0xe6: {  	v5 =	vadd.s32 $0x2710, v16;
	v32 =	vld.idx.msk [tilespmem:v25+s3+$0x0], $0xffff  }
0xe7: {  	v6 =	vadd.s32 $0x2710, v17;
	v35 =	vld.idx.msk [tilespmem:v16+s3+$0x0], $0xffff  }
0xe8: {  	v20 =	vshrl.u32 v2, $0x10;
	v38 =	vld.idx.msk [tilespmem:v29+s3+$0x0], $0xffff  }
0xe9: {  	v21 =	vadd.s32 $0x2710, v20;
	v27 =	vadd.s32 $0x7530, v25;
	v45 =	vld.idx.msk [tilespmem:v41+s3+$0x0], $0xffff  }
0xea: {  	v46 =	vadd.s32 $0x2710, v44;
	v47 =	vadd.s32 $0x7530, v44;
	v48 =	vadd.s32 $0x4E20, v44;
	v44 =	vld.idx.msk [tilespmem:v44+s3+$0x0], $0xffff  }
0xeb: {  	v52 =	vadd.s32 $0x7530, v20;
	v22 =	vld.idx.msk [tilespmem:v5+s3+$0x0], $0xffff  }
0xec: {  	v31 =	vadd.s32 $0x7530, v17;
	v24 =	vld.idx.msk [tilespmem:v6+s3+$0x0], $0xffff  }
0xed: {  	v33 =	vadd.s32 $0x4E20, v25;
	v5 =	vld.idx.msk [tilespmem:v20+s3+$0x0], $0xffff  }
0xee: {  	v34 =	vadd.s32 $0x4E20, v29;
	v6 =	vld.idx.msk [tilespmem:v21+s3+$0x0], $0xffff  }
0xef: {  	v36 =	vadd.s32 $0x7530, v16;
	v27 =	vld.idx.msk [tilespmem:v27+s3+$0x0], $0xffff  }
0xf0: {  	v37 =	vadd.s32 $0x2710, v23;
	v21 =	vld.idx.msk [tilespmem:v52+s3+$0x0], $0xffff  }
0xf1: {  	v39 =	vadd.s32 $0x2710, v29;
	v31 =	vld.idx.msk [tilespmem:v31+s3+$0x0], $0xffff  }
0xf2: {  	v40 =	vadd.s32 $0x4E20, v23;
	v33 =	vld.idx.msk [tilespmem:v33+s3+$0x0], $0xffff  }
0xf3: {  	v42 =	vadd.s32 $0x7530, v41;
	v34 =	vld.idx.msk [tilespmem:v34+s3+$0x0], $0xffff  }
0xf4: {  	v43 =	vadd.s32 $0x4E20, v41;
	v36 =	vld.idx.msk [tilespmem:v36+s3+$0x0], $0xffff  }
0xf5: {  	v37 =	vld.idx.msk [tilespmem:v37+s3+$0x0], $0xffff  }
0xf6: {  	v39 =	vld.idx.msk [tilespmem:v39+s3+$0x0], $0xffff  }
0xf7: {  	v40 =	vld.idx.msk [tilespmem:v40+s3+$0x0], $0xffff  }
0xf8: {  	v16 =	vadd.s32 $0x4E20, v16;
	v42 =	vld.idx.msk [tilespmem:v42+s3+$0x0], $0xffff  }
0xf9: {  	v25 =	vadd.s32 $0x2710, v25;
	v43 =	vld.idx.msk [tilespmem:v43+s3+$0x0], $0xffff  }
0xfa: {  	v29 =	vadd.s32 $0x7530, v29;
	v46 =	vld.idx.msk [tilespmem:v46+s3+$0x0], $0xffff  }
0xfb: {  	v23 =	vadd.s32 $0x7530, v23;
	v47 =	vld.idx.msk [tilespmem:v47+s3+$0x0], $0xffff  }
0xfc: {  	v17 =	vadd.s32 $0x4E20, v17;
	v48 =	vld.idx.msk [tilespmem:v48+s3+$0x0], $0xffff  }
0xfd: {  	v41 =	vadd.s32 $0x2710, v41;
	v16 =	vld.idx.msk [tilespmem:v16+s3+$0x0], $0xffff  }
0xfe: {  	v20 =	vadd.s32 $0x4E20, v20;
	v25 =	vld.idx.msk [tilespmem:v25+s3+$0x0], $0xffff  }
0xff: {  	v14 =	vand.u32 $0xFFFF, v14;
	v29 =	vld.idx.msk [tilespmem:v29+s3+$0x0], $0xffff  }
0x100: {  	v49 =	vadd.s32 $0x2710, v14;
	v23 =	vld.idx.msk [tilespmem:v23+s3+$0x0], $0xffff  }
0x101: {  	v50 =	vadd.s32 $0x4E20, v14;
	v17 =	vld.idx.msk [tilespmem:v17+s3+$0x0], $0xffff  }
0x102: {  	v51 =	vadd.s32 $0x7530, v14;
	v41 =	vld.idx.msk [tilespmem:v41+s3+$0x0], $0xffff;
	v32 =	vmul.f32 v32, v15  }
0x103: {  	v13 =	vand.u32 $0xFFFF, v13;
	v20 =	vld.idx.msk [tilespmem:v20+s3+$0x0], $0xffff;
	v25 =	vmul.f32 v25, v15  }
0x104: {  	v54 =	vadd.s32 $0x2710, v13;
	v53 =	vmul.f32 v33, v15;
	[tilespmem:v14+s16+$0x0] =	vst.idx.add.f32.msk $0xffff, v32  }
0x105: {  	v55 =	vadd.s32 $0x4E20, v13;
	v15 =	vmul.f32 v27, v15;
	[tilespmem:v49+s16+$0x0] =	vst.idx.add.f32.msk $0xffff, v25  }
0x106: {  	v57 =	vadd.s32 $0x7530, v13;
	v56 =	vmul.f32 v38, v28;
	[tilespmem:v50+s16+$0x0] =	vst.idx.add.f32.msk $0xffff, v53  }
0x107: {  	v11 =	vand.u32 $0xFFFF, v11;
	v58 =	vmul.f32 v39, v28;
	[tilespmem:v51+s16+$0x0] =	vst.idx.add.f32.msk $0xffff, v15  }
0x108: {  	v60 =	vadd.s32 $0x2710, v11;
	v59 =	vmul.f32 v34, v28;
	[tilespmem:v13+s16+$0x0] =	vst.idx.add.f32.msk $0xffff, v56  }
0x109: {  	v62 =	vadd.s32 $0x4E20, v11;
	v61 =	vmul.f32 v29, v28;
	[tilespmem:v54+s16+$0x0] =	vst.idx.add.f32.msk $0xffff, v58  }
0x10a: {  	v63 =	vmul.f32 v45, v19;
	v32 =	vadd.s32 $0x7530, v11;
	[tilespmem:v55+s16+$0x0] =	vst.idx.add.f32.msk $0xffff, v59  }
0x10b: {  	v10 =	vand.u32 $0xFFFF, v10;
	v33 =	vmul.f32 v41, v19;
	[tilespmem:v57+s16+$0x0] =	vst.idx.add.f32.msk $0xffff, v61  }
0x10c: {  	v38 =	vmul.f32 v43, v19;
	v39 =	vadd.s32 $0x2710, v10;
	[tilespmem:v11+s16+$0x0] =	vst.idx.add.f32.msk $0xffff, v63  }
0x10d: {  	v41 =	vmul.f32 v42, v19;
	v19 =	vadd.s32 $0x4E20, v10;
	[tilespmem:v60+s16+$0x0] =	vst.idx.add.f32.msk $0xffff, v33  }
0x10e: {  	v43 =	vadd.s32 $0x7530, v10;
	v42 =	vmul.f32 v44, v18;
	[tilespmem:v62+s16+$0x0] =	vst.idx.add.f32.msk $0xffff, v38  }
0x10f: {  	v12 =	vand.u32 $0xFFFF, v12;
	v44 =	vmul.f32 v46, v18;
	[tilespmem:v32+s16+$0x0] =	vst.idx.add.f32.msk $0xffff, v41  }
0x110: {  	v45 =	vmul.f32 v48, v18;
	v46 =	vadd.s32 $0x2710, v12;
	[tilespmem:v10+s16+$0x0] =	vst.idx.add.f32.msk $0xffff, v42  }
0x111: {  	v48 =	vmul.f32 v47, v18;
	v49 =	vadd.s32 $0x4E20, v12;
	[tilespmem:v39+s16+$0x0] =	vst.idx.add.f32.msk $0xffff, v44  }
0x112: {  	v50 =	vmul.f32 v26, v9;
	v51 =	vadd.s32 $0x7530, v12;
	[tilespmem:v19+s16+$0x0] =	vst.idx.add.f32.msk $0xffff, v45  }
0x113: {  	v8 =	vand.u32 $0xFFFF, v8;
	v52 =	vmul.f32 v24, v9;
	[tilespmem:v43+s16+$0x0] =	vst.idx.add.f32.msk $0xffff, v48  }
0x114: {  	v53 =	vmul.f32 v17, v9;
	v17 =	vadd.s32 $0x2710, v8;
	[tilespmem:v12+s16+$0x0] =	vst.idx.add.f32.msk $0xffff, v50  }
0x115: {  	v9 =	vmul.f32 v31, v9;
	v54 =	vadd.s32 $0x4E20, v8;
	[tilespmem:v46+s16+$0x0] =	vst.idx.add.f32.msk $0xffff, v52  }
0x116: {  	v56 =	vadd.s32 $0x7530, v8;
	v55 =	vmul.f32 v35, v7;
	[tilespmem:v49+s16+$0x0] =	vst.idx.add.f32.msk $0xffff, v53  }
0x117: {  	v4 =	vand.u32 $0xFFFF, v4;
	v57 =	vmul.f32 v22, v7;
	[tilespmem:v51+s16+$0x0] =	vst.idx.add.f32.msk $0xffff, v9  }
0x118: {  	v58 =	vmul.f32 v16, v7;
	v59 =	vadd.s32 $0x2710, v4;
	[tilespmem:v8+s16+$0x0] =	vst.idx.add.f32.msk $0xffff, v55  }
0x119: {  	v7 =	vmul.f32 v36, v7;
	v8 =	vadd.s32 $0x4E20, v4;
	[tilespmem:v17+s16+$0x0] =	vst.idx.add.f32.msk $0xffff, v57  }
0x11a: {  	v61 =	vadd.s32 $0x7530, v4;
	v60 =	vmul.f32 v30, v3;
	[tilespmem:v54+s16+$0x0] =	vst.idx.add.f32.msk $0xffff, v58  }
0x11b: {  	v2 =	vand.u32 $0xFFFF, v2;
	v62 =	vmul.f32 v37, v3;
	[tilespmem:v56+s16+$0x0] =	vst.idx.add.f32.msk $0xffff, v7  }
0x11c: {  	v7 =	vmul.f32 v40, v3;
	[tilespmem:v4+s16+$0x0] =	vst.idx.add.f32.msk $0xffff, v60  }
0x11d: {  	v3 =	vmul.f32 v23, v3;
	[tilespmem:v59+s16+$0x0] =	vst.idx.add.f32.msk $0xffff, v62  }
0x11e: {  	v18 =	vmul.f32 v20, v1;
	v63 =	vadd.s32 $0x2710, v2;
	v4 =	vmul.f32 v5, v1;
	[tilespmem:v8+s16+$0x0] =	vst.idx.add.f32.msk $0xffff, v7  }
0x11f: {  	v5 =	vmul.f32 v6, v1;
	v7 =	vmul.f32 v21, v1;
	v1 =	vadd.s32 $0x4E20, v2;
	[tilespmem:v61+s16+$0x0] =	vst.idx.add.f32.msk $0xffff, v3  }
0x120: {  	[tilespmem:v2+s16+$0x0] =	vst.idx.add.f32.msk $0xffff, v4;
	v2 =	vadd.s32 $0x7530, v2;
	_ =	sdelay $0x2  }
0x121: {  	s21 =	simm.s32 $0x200;
	[tilespmem:v63+s16+$0x0] =	vst.idx.add.f32.msk $0xffff, v5  }
.LBB2_7:
0x122: {  	s22 =	sshra.s32 s21, $0x2;
	p0 =	sne.s32 s21, $0x6200;
	s21 =	sadd.s32 $0x200, s21;
	[tilespmem:v1+s16+$0x0] =	vst.idx.add.f32.msk $0xffff, v18  }
0x123: {  	[tilespmem:v2+s16+$0x0] =	vst.idx.add.f32.msk $0xffff, v7  }
0x124: {  	v5 =	vld [tilespmem:s22+$0x15230]  }
0x125: {  	v8 =	vld [tilespmem:s22+$0x15220]  }
0x126: {  	v3 =	vld [tilespmem:s22+$0x15250]  }
0x127: {  	v2 =	vld [tilespmem:s22+$0x15260]  }
0x128: {  	v4 =	vld [tilespmem:s22+$0x15240]  }
0x129: {  	v15 =	vld [tilespmem:s22+$0x15210]  }
0x12a: {  	v19 =	vld [tilespmem:s22+$0x15200]  }
0x12b: {  	v1 =	vld [tilespmem:s22+$0x15270]  }
0x12c: {  	v18 =	vld [tilespmem:s22+$0x18400];
	v6 =	vshrl.u32 v2, $0x10  }
0x12d: {  	v7 =	vshrl.u32 v3, $0x10;
	v17 =	vld [tilespmem:s22+$0x18440];
	v20 =	vshrl.u32 v4, $0x10  }
0x12e: {  	v22 =	vshrl.u32 v8, $0x10;
	v9 =	vadd.s32 $0x2710, v7;
	v11 =	vld [tilespmem:s22+$0x18430];
	v21 =	vshrl.u32 v15, $0x10  }
0x12f: {  	v23 =	vadd.s32 $0x2710, v22;
	v24 =	vadd.s32 $0x4E20, v22;
	v10 =	vadd.s32 $0x2710, v20;
	v13 =	vld [tilespmem:s22+$0x18420]  }
0x130: {  	v26 =	vshrl.u32 v5, $0x10;
	v27 =	vadd.s32 $0x7530, v22;
	v25 =	vld [tilespmem:s22+$0x18450]  }
0x131: {  	v30 =	vadd.s32 $0x4E20, v26;
	v31 =	vadd.s32 $0x7530, v26;
	v29 =	vshrl.u32 v1, $0x10;
	v28 =	vld [tilespmem:s22+$0x18470]  }
0x132: {  	v33 =	vadd.s32 $0x7530, v6;
	v12 =	vadd.s32 $0x2710, v29;
	v32 =	vld [tilespmem:s22+$0x18460]  }
0x133: {  	v35 =	vadd.s32 $0x4E20, v7;
	v36 =	vadd.s32 $0x4E20, v6;
	v34 =	vadd.s32 $0x2710, v21;
	v9 =	vld.idx.msk [tilespmem:v9+s3+$0x0], $0xffff  }
0x134: {  	v14 =	vld.idx.msk [tilespmem:v10+s3+$0x0], $0xffff  }
0x135: {  	v37 =	vshrl.u32 v19, $0x10;
	v16 =	vld.idx.msk [tilespmem:v20+s3+$0x0], $0xffff  }
0x136: {  	v39 =	vadd.s32 $0x2710, v26;
	v38 =	vadd.s32 $0x7530, v37;
	v40 =	vld.idx.msk [tilespmem:v29+s3+$0x0], $0xffff  }
0x137: {  	v41 =	vld [tilespmem:s22+$0x18410]  }
0x138: {  	v42 =	vadd.s32 $0x7530, v7;
	v43 =	vadd.s32 $0x7530, v29;
	v12 =	vld.idx.msk [tilespmem:v12+s3+$0x0], $0xffff  }
0x139: {  	v45 =	vadd.s32 $0x7530, v20;
	v44 =	vadd.s32 $0x4E20, v37;
	v10 =	vmul.f32 v9, v25;
	v46 =	vld.idx.msk [tilespmem:v6+s3+$0x0], $0xffff  }
0x13a: {  	v49 =	vadd.s32 $0x2710, v6;
	v48 =	vadd.s32 $0x4E20, v21;
	v14 =	vmul.f32 v14, v17;
	v47 =	vld.idx.msk [tilespmem:v37+s3+$0x0], $0xffff  }
0x13b: {  	v16 =	vmul.f32 v16, v17;
	v38 =	vld.idx.msk [tilespmem:v38+s3+$0x0], $0xffff  }
0x13c: {  	v6 =	vmul.f32 v40, v28;
	v7 =	vld.idx.msk [tilespmem:v7+s3+$0x0], $0xffff  }
0x13d: {  	v37 =	vadd.s32 $0x2710, v37;
	v40 =	vld.idx.msk [tilespmem:v43+s3+$0x0], $0xffff  }
0x13e: {  	v9 =	vmul.f32 v12, v28;
	v43 =	vld.idx.msk [tilespmem:v21+s3+$0x0], $0xffff  }
0x13f: {  	v12 =	vmul.f32 v46, v32;
	v45 =	vld.idx.msk [tilespmem:v45+s3+$0x0], $0xffff  }
0x140: {  	v21 =	vadd.s32 $0x7530, v21;
	v44 =	vld.idx.msk [tilespmem:v44+s3+$0x0], $0xffff  }
0x141: {  	v29 =	vadd.s32 $0x4E20, v29;
	v38 =	vmul.f32 v38, v18;
	v46 =	vld.idx.msk [tilespmem:v48+s3+$0x0], $0xffff  }
0x142: {  	v48 =	vmul.f32 v7, v25;
	v42 =	vld.idx.msk [tilespmem:v42+s3+$0x0], $0xffff  }
0x143: {  	v7 =	vmul.f32 v40, v28;
	v49 =	vld.idx.msk [tilespmem:v49+s3+$0x0], $0xffff  }
0x144: {  	v34 =	vld.idx.msk [tilespmem:v34+s3+$0x0], $0xffff  }
0x145: {  	v40 =	vmul.f32 v45, v17;
	v35 =	vld.idx.msk [tilespmem:v35+s3+$0x0], $0xffff  }
0x146: {  	v44 =	vmul.f32 v44, v18;
	v37 =	vld.idx.msk [tilespmem:v37+s3+$0x0], $0xffff  }
0x147: {  	v20 =	vadd.s32 $0x4E20, v20;
	v45 =	vmul.f32 v46, v41;
	v29 =	vld.idx.msk [tilespmem:v29+s3+$0x0], $0xffff  }
0x148: {  	v42 =	vmul.f32 v42, v25;
	v21 =	vld.idx.msk [tilespmem:v21+s3+$0x0], $0xffff  }
0x149: {  	v46 =	vmul.f32 v47, v18;
	v47 =	vmul.f32 v49, v32;
	v36 =	vld.idx.msk [tilespmem:v36+s3+$0x0], $0xffff  }
0x14a: {  	v43 =	vmul.f32 v43, v41;
	v34 =	vmul.f32 v34, v41;
	v22 =	vld.idx.msk [tilespmem:v22+s3+$0x0], $0xffff  }
0x14b: {  	v25 =	vmul.f32 v35, v25;
	v33 =	vld.idx.msk [tilespmem:v33+s3+$0x0], $0xffff  }
0x14c: {  	v35 =	vmul.f32 v37, v18;
	v20 =	vld.idx.msk [tilespmem:v20+s3+$0x0], $0xffff  }
0x14d: {  	v18 =	vmul.f32 v29, v28;
	v27 =	vld.idx.msk [tilespmem:v27+s3+$0x0], $0xffff  }
0x14e: {  	v19 =	vand.u32 $0xFFFF, v19;
	v21 =	vmul.f32 v21, v41;
	v24 =	vld.idx.msk [tilespmem:v24+s3+$0x0], $0xffff  }
0x14f: {  	v28 =	vadd.s32 $0x2710, v19;
	v29 =	vmul.f32 v36, v32;
	v26 =	vld.idx.msk [tilespmem:v26+s3+$0x0], $0xffff  }
0x150: {  	v37 =	vadd.s32 $0x4E20, v19;
	v22 =	vmul.f32 v22, v13;
	v36 =	vld.idx.msk [tilespmem:v39+s3+$0x0], $0xffff  }
0x151: {  	v39 =	vadd.s32 $0x7530, v19;
	v32 =	vmul.f32 v33, v32;
	v23 =	vld.idx.msk [tilespmem:v23+s3+$0x0], $0xffff  }
0x152: {  	v15 =	vand.u32 $0xFFFF, v15;
	v17 =	vmul.f32 v20, v17;
	v31 =	vld.idx.msk [tilespmem:v31+s3+$0x0], $0xffff  }
0x153: {  	v27 =	vmul.f32 v27, v13;
	v20 =	vld.idx.msk [tilespmem:v30+s3+$0x0], $0xffff;
	v30 =	vadd.s32 $0x2710, v15  }
0x154: {  	[tilespmem:v19+s16+$0x0] =	vst.idx.add.f32.msk $0xffff, v46;
	v19 =	vadd.s32 $0x4E20, v15  }
0x155: {  	v26 =	vmul.f32 v26, v11;
	[tilespmem:v28+s16+$0x0] =	vst.idx.add.f32.msk $0xffff, v35;
	v28 =	vadd.s32 $0x7530, v15  }
0x156: {  	v8 =	vand.u32 $0xFFFF, v8;
	v24 =	vmul.f32 v24, v13;
	[tilespmem:v37+s16+$0x0] =	vst.idx.add.f32.msk $0xffff, v44  }
0x157: {  	v33 =	vadd.s32 $0x2710, v8;
	v35 =	vmul.f32 v36, v11;
	[tilespmem:v39+s16+$0x0] =	vst.idx.add.f32.msk $0xffff, v38  }
0x158: {  	v13 =	vmul.f32 v23, v13;
	[tilespmem:v15+s16+$0x0] =	vst.idx.add.f32.msk $0xffff, v43;
	v15 =	vadd.s32 $0x4E20, v8  }
0x159: {  	v23 =	vadd.s32 $0x7530, v8;
	v20 =	vmul.f32 v20, v11;
	v11 =	vmul.f32 v31, v11;
	[tilespmem:v30+s16+$0x0] =	vst.idx.add.f32.msk $0xffff, v34  }
0x15a: {  	v5 =	vand.u32 $0xFFFF, v5;
	[tilespmem:v19+s16+$0x0] =	vst.idx.add.f32.msk $0xffff, v45  }
0x15b: {  	v19 =	vadd.s32 $0x2710, v5;
	[tilespmem:v28+s16+$0x0] =	vst.idx.add.f32.msk $0xffff, v21  }
0x15c: {  	[tilespmem:v8+s16+$0x0] =	vst.idx.add.f32.msk $0xffff, v22;
	v8 =	vadd.s32 $0x4E20, v5  }
0x15d: {  	[tilespmem:v33+s16+$0x0] =	vst.idx.add.f32.msk $0xffff, v13;
	v13 =	vadd.s32 $0x7530, v5  }
0x15e: {  	v4 =	vand.u32 $0xFFFF, v4;
	[tilespmem:v15+s16+$0x0] =	vst.idx.add.f32.msk $0xffff, v24  }
0x15f: {  	v15 =	vadd.s32 $0x2710, v4;
	[tilespmem:v23+s16+$0x0] =	vst.idx.add.f32.msk $0xffff, v27  }
0x160: {  	[tilespmem:v5+s16+$0x0] =	vst.idx.add.f32.msk $0xffff, v26;
	v5 =	vadd.s32 $0x4E20, v4  }
0x161: {  	[tilespmem:v19+s16+$0x0] =	vst.idx.add.f32.msk $0xffff, v35;
	v19 =	vadd.s32 $0x7530, v4  }
0x162: {  	v3 =	vand.u32 $0xFFFF, v3;
	[tilespmem:v8+s16+$0x0] =	vst.idx.add.f32.msk $0xffff, v20  }
0x163: {  	v8 =	vadd.s32 $0x2710, v3;
	[tilespmem:v13+s16+$0x0] =	vst.idx.add.f32.msk $0xffff, v11  }
0x164: {  	[tilespmem:v4+s16+$0x0] =	vst.idx.add.f32.msk $0xffff, v16;
	v4 =	vadd.s32 $0x4E20, v3  }
0x165: {  	v11 =	vadd.s32 $0x7530, v3;
	[tilespmem:v15+s16+$0x0] =	vst.idx.add.f32.msk $0xffff, v14  }
0x166: {  	v2 =	vand.u32 $0xFFFF, v2;
	[tilespmem:v5+s16+$0x0] =	vst.idx.add.f32.msk $0xffff, v17  }
0x167: {  	v5 =	vadd.s32 $0x2710, v2;
	[tilespmem:v19+s16+$0x0] =	vst.idx.add.f32.msk $0xffff, v40  }
0x168: {  	[tilespmem:v3+s16+$0x0] =	vst.idx.add.f32.msk $0xffff, v48;
	v3 =	vadd.s32 $0x4E20, v2  }
0x169: {  	[tilespmem:v8+s16+$0x0] =	vst.idx.add.f32.msk $0xffff, v10;
	v8 =	vadd.s32 $0x7530, v2  }
0x16a: {  	v10 =	vand.u32 $0xFFFF, v1;
	[tilespmem:v4+s16+$0x0] =	vst.idx.add.f32.msk $0xffff, v25  }
0x16b: {  	v4 =	vadd.s32 $0x2710, v10;
	[tilespmem:v11+s16+$0x0] =	vst.idx.add.f32.msk $0xffff, v42  }
0x16c: {  	v1 =	vadd.s32 $0x4E20, v10;
	[tilespmem:v2+s16+$0x0] =	vst.idx.add.f32.msk $0xffff, v12  }
.Ltmp2:
0x16d: {  	v2 =	vadd.s32 $0x7530, v10;
	[tilespmem:v5+s16+$0x0] =	vst.idx.add.f32.msk $0xffff, v47;
	(pc) =	sbr.rel @p0 .LBB2_7-.Ltmp2, $4  }
0x16e: {  	[tilespmem:v3+s16+$0x0] =	vst.idx.add.f32.msk $0xffff, v29  }
0x16f: {  	[tilespmem:v8+s16+$0x0] =	vst.idx.add.f32.msk $0xffff, v32  }
0x170: {  	[tilespmem:v10+s16+$0x0] =	vst.idx.add.f32.msk $0xffff, v6  }
0x171: {  	[tilespmem:v4+s16+$0x0] =	vst.idx.add.f32.msk $0xffff, v9  }
0x172: {  	_ =	sdelay $0x1  }
0x173: {  	s19 =	sadd.s32 $0x1, s19  }
0x174: {  	p0 =	sne.s32 s19, $0x18  }
.Ltmp3:
0x175: {  	[tilespmem:v1+s16+$0x0] =	vst.idx.add.f32.msk $0xffff, v18;
	s20 =	sadd.s32 $0x960, s20;
	(pc) =	sbr.rel @p0 .LBB2_4-.Ltmp3, $4  }
0x176: {  	[tilespmem:v2+s16+$0x0] =	vst.idx.add.f32.msk $0xffff, v7;
	s21 =	sadd.s32 s4, s20  }
0x177: {  	[tilespmem:s12], [sflag:$0x2] =	stream.linear.gather [hbm4b:s21+s3], $0x1900, $0x38;
	[tilespmem:$0x19D00] =	vst v63  }
0x178: {  	s20 =	sadd.s32 s2, s20  }
0x179: {  	[tilespmem:s13], [sflag:$0x2] =	stream.linear.gather [hbm4b:s20+s3], $0x1900, $0x38;
	[tilespmem:$0x19D00] =	vst v63  }
0x17a: {  	_ =	swait.ge [sflag:s15], $0x1900  }
0x17b: {  	[sflag:s15] =	ssyncset.done $0x0  }
0x17c: {  	[sflag:s15] =	ssyncadd.s32 $0xFFFFE700  }
0x17d: {  	_ =	swait.ge [sflag:s15], $0x1900  }
0x17e: {  	[sflag:s15] =	ssyncset.done $0x0  }
0x17f: {  	s19 =	simm.s32 $0x0;
	[sflag:s15] =	ssyncadd.s32 $0xFFFFE700  }
0x180: {  	v10 =	vld [tilespmem:s19+$0x13930]  }
0x181: {  	v11 =	vld [tilespmem:s19+$0x13920]  }
0x182: {  	v8 =	vld [tilespmem:s19+$0x13950]  }
0x183: {  	v4 =	vld [tilespmem:s19+$0x13960]  }
0x184: {  	v12 =	vld [tilespmem:s19+$0x13940]  }
0x185: {  	v13 =	vld [tilespmem:s19+$0x13910]  }
0x186: {  	v14 =	vld [tilespmem:s19+$0x13900]  }
0x187: {  	v2 =	vld [tilespmem:s19+$0x13970]  }
0x188: {  	v15 =	vld [tilespmem:s19+$0x16B00]  }
0x189: {  	v9 =	vld [tilespmem:s19+$0x16B40]  }
0x18a: {  	v18 =	vld [tilespmem:s19+$0x16B30]  }
0x18b: {  	v19 =	vld [tilespmem:s19+$0x16B20];
	v17 =	vshrl.u32 v12, $0x10  }
0x18c: {  	v7 =	vld [tilespmem:s19+$0x16B50];
	v23 =	vshrl.u32 v4, $0x10  }
0x18d: {  	v1 =	vld [tilespmem:s19+$0x16B70];
	v25 =	vshrl.u32 v14, $0x10  }
0x18e: {  	v3 =	vld [tilespmem:s19+$0x16B60];
	v16 =	vshrl.u32 v8, $0x10  }
0x18f: {  	v28 =	vld [tilespmem:s19+$0x16B10];
	v29 =	vshrl.u32 v13, $0x10  }
0x190: {  	v41 =	vshrl.u32 v11, $0x10;
	v26 =	vld.idx.msk [tilespmem:v17+s3+$0x0], $0xffff  }
0x191: {  	v44 =	vshrl.u32 v10, $0x10;
	v30 =	vld.idx.msk [tilespmem:v23+s3+$0x0], $0xffff  }
0x192: {  	v5 =	vadd.s32 $0x2710, v16;
	v32 =	vld.idx.msk [tilespmem:v25+s3+$0x0], $0xffff  }
0x193: {  	v6 =	vadd.s32 $0x2710, v17;
	v35 =	vld.idx.msk [tilespmem:v16+s3+$0x0], $0xffff  }
0x194: {  	v20 =	vshrl.u32 v2, $0x10;
	v38 =	vld.idx.msk [tilespmem:v29+s3+$0x0], $0xffff  }
0x195: {  	v21 =	vadd.s32 $0x2710, v20;
	v27 =	vadd.s32 $0x7530, v25;
	v45 =	vld.idx.msk [tilespmem:v41+s3+$0x0], $0xffff  }
0x196: {  	v46 =	vadd.s32 $0x2710, v44;
	v47 =	vadd.s32 $0x7530, v44;
	v48 =	vadd.s32 $0x4E20, v44;
	v44 =	vld.idx.msk [tilespmem:v44+s3+$0x0], $0xffff  }
0x197: {  	v52 =	vadd.s32 $0x7530, v20;
	v22 =	vld.idx.msk [tilespmem:v5+s3+$0x0], $0xffff  }
0x198: {  	v31 =	vadd.s32 $0x7530, v17;
	v24 =	vld.idx.msk [tilespmem:v6+s3+$0x0], $0xffff  }
0x199: {  	v33 =	vadd.s32 $0x4E20, v25;
	v5 =	vld.idx.msk [tilespmem:v20+s3+$0x0], $0xffff  }
0x19a: {  	v34 =	vadd.s32 $0x4E20, v29;
	v6 =	vld.idx.msk [tilespmem:v21+s3+$0x0], $0xffff  }
0x19b: {  	v36 =	vadd.s32 $0x7530, v16;
	v27 =	vld.idx.msk [tilespmem:v27+s3+$0x0], $0xffff  }
0x19c: {  	v37 =	vadd.s32 $0x2710, v23;
	v21 =	vld.idx.msk [tilespmem:v52+s3+$0x0], $0xffff  }
0x19d: {  	v39 =	vadd.s32 $0x2710, v29;
	v31 =	vld.idx.msk [tilespmem:v31+s3+$0x0], $0xffff  }
0x19e: {  	v40 =	vadd.s32 $0x4E20, v23;
	v33 =	vld.idx.msk [tilespmem:v33+s3+$0x0], $0xffff  }
0x19f: {  	v42 =	vadd.s32 $0x7530, v41;
	v34 =	vld.idx.msk [tilespmem:v34+s3+$0x0], $0xffff  }
0x1a0: {  	v43 =	vadd.s32 $0x4E20, v41;
	v36 =	vld.idx.msk [tilespmem:v36+s3+$0x0], $0xffff  }
0x1a1: {  	v37 =	vld.idx.msk [tilespmem:v37+s3+$0x0], $0xffff  }
0x1a2: {  	v39 =	vld.idx.msk [tilespmem:v39+s3+$0x0], $0xffff  }
0x1a3: {  	v40 =	vld.idx.msk [tilespmem:v40+s3+$0x0], $0xffff  }
0x1a4: {  	v16 =	vadd.s32 $0x4E20, v16;
	v42 =	vld.idx.msk [tilespmem:v42+s3+$0x0], $0xffff  }
0x1a5: {  	v25 =	vadd.s32 $0x2710, v25;
	v43 =	vld.idx.msk [tilespmem:v43+s3+$0x0], $0xffff  }
0x1a6: {  	v29 =	vadd.s32 $0x7530, v29;
	v46 =	vld.idx.msk [tilespmem:v46+s3+$0x0], $0xffff  }
0x1a7: {  	v23 =	vadd.s32 $0x7530, v23;
	v47 =	vld.idx.msk [tilespmem:v47+s3+$0x0], $0xffff  }
0x1a8: {  	v17 =	vadd.s32 $0x4E20, v17;
	v48 =	vld.idx.msk [tilespmem:v48+s3+$0x0], $0xffff  }
0x1a9: {  	v41 =	vadd.s32 $0x2710, v41;
	v16 =	vld.idx.msk [tilespmem:v16+s3+$0x0], $0xffff  }
0x1aa: {  	v20 =	vadd.s32 $0x4E20, v20;
	v25 =	vld.idx.msk [tilespmem:v25+s3+$0x0], $0xffff  }
0x1ab: {  	v14 =	vand.u32 $0xFFFF, v14;
	v29 =	vld.idx.msk [tilespmem:v29+s3+$0x0], $0xffff  }
0x1ac: {  	v49 =	vadd.s32 $0x2710, v14;
	v23 =	vld.idx.msk [tilespmem:v23+s3+$0x0], $0xffff  }
0x1ad: {  	v50 =	vadd.s32 $0x4E20, v14;
	v17 =	vld.idx.msk [tilespmem:v17+s3+$0x0], $0xffff  }
0x1ae: {  	v51 =	vadd.s32 $0x7530, v14;
	v41 =	vld.idx.msk [tilespmem:v41+s3+$0x0], $0xffff;
	v32 =	vmul.f32 v32, v15  }
0x1af: {  	v13 =	vand.u32 $0xFFFF, v13;
	v20 =	vld.idx.msk [tilespmem:v20+s3+$0x0], $0xffff;
	v25 =	vmul.f32 v25, v15  }
0x1b0: {  	v54 =	vadd.s32 $0x2710, v13;
	v53 =	vmul.f32 v33, v15;
	[tilespmem:v14+s16+$0x0] =	vst.idx.add.f32.msk $0xffff, v32  }
0x1b1: {  	v55 =	vadd.s32 $0x4E20, v13;
	v15 =	vmul.f32 v27, v15;
	[tilespmem:v49+s16+$0x0] =	vst.idx.add.f32.msk $0xffff, v25  }
0x1b2: {  	v57 =	vadd.s32 $0x7530, v13;
	v56 =	vmul.f32 v38, v28;
	[tilespmem:v50+s16+$0x0] =	vst.idx.add.f32.msk $0xffff, v53  }
0x1b3: {  	v11 =	vand.u32 $0xFFFF, v11;
	v58 =	vmul.f32 v39, v28;
	[tilespmem:v51+s16+$0x0] =	vst.idx.add.f32.msk $0xffff, v15  }
0x1b4: {  	v60 =	vadd.s32 $0x2710, v11;
	v59 =	vmul.f32 v34, v28;
	[tilespmem:v13+s16+$0x0] =	vst.idx.add.f32.msk $0xffff, v56  }
0x1b5: {  	v62 =	vadd.s32 $0x4E20, v11;
	v61 =	vmul.f32 v29, v28;
	[tilespmem:v54+s16+$0x0] =	vst.idx.add.f32.msk $0xffff, v58  }
0x1b6: {  	v63 =	vmul.f32 v45, v19;
	v32 =	vadd.s32 $0x7530, v11;
	[tilespmem:v55+s16+$0x0] =	vst.idx.add.f32.msk $0xffff, v59  }
0x1b7: {  	v10 =	vand.u32 $0xFFFF, v10;
	v33 =	vmul.f32 v41, v19;
	[tilespmem:v57+s16+$0x0] =	vst.idx.add.f32.msk $0xffff, v61  }
0x1b8: {  	v38 =	vmul.f32 v43, v19;
	v39 =	vadd.s32 $0x2710, v10;
	[tilespmem:v11+s16+$0x0] =	vst.idx.add.f32.msk $0xffff, v63  }
0x1b9: {  	v41 =	vmul.f32 v42, v19;
	v19 =	vadd.s32 $0x4E20, v10;
	[tilespmem:v60+s16+$0x0] =	vst.idx.add.f32.msk $0xffff, v33  }
0x1ba: {  	v43 =	vadd.s32 $0x7530, v10;
	v42 =	vmul.f32 v44, v18;
	[tilespmem:v62+s16+$0x0] =	vst.idx.add.f32.msk $0xffff, v38  }
0x1bb: {  	v12 =	vand.u32 $0xFFFF, v12;
	v44 =	vmul.f32 v46, v18;
	[tilespmem:v32+s16+$0x0] =	vst.idx.add.f32.msk $0xffff, v41  }
0x1bc: {  	v45 =	vmul.f32 v48, v18;
	v46 =	vadd.s32 $0x2710, v12;
	[tilespmem:v10+s16+$0x0] =	vst.idx.add.f32.msk $0xffff, v42  }
0x1bd: {  	v48 =	vmul.f32 v47, v18;
	v49 =	vadd.s32 $0x4E20, v12;
	[tilespmem:v39+s16+$0x0] =	vst.idx.add.f32.msk $0xffff, v44  }
0x1be: {  	v50 =	vmul.f32 v26, v9;
	v51 =	vadd.s32 $0x7530, v12;
	[tilespmem:v19+s16+$0x0] =	vst.idx.add.f32.msk $0xffff, v45  }
0x1bf: {  	v8 =	vand.u32 $0xFFFF, v8;
	v52 =	vmul.f32 v24, v9;
	[tilespmem:v43+s16+$0x0] =	vst.idx.add.f32.msk $0xffff, v48  }
0x1c0: {  	v53 =	vmul.f32 v17, v9;
	v17 =	vadd.s32 $0x2710, v8;
	[tilespmem:v12+s16+$0x0] =	vst.idx.add.f32.msk $0xffff, v50  }
0x1c1: {  	v9 =	vmul.f32 v31, v9;
	v54 =	vadd.s32 $0x4E20, v8;
	[tilespmem:v46+s16+$0x0] =	vst.idx.add.f32.msk $0xffff, v52  }
0x1c2: {  	v56 =	vadd.s32 $0x7530, v8;
	v55 =	vmul.f32 v35, v7;
	[tilespmem:v49+s16+$0x0] =	vst.idx.add.f32.msk $0xffff, v53  }
0x1c3: {  	v4 =	vand.u32 $0xFFFF, v4;
	v57 =	vmul.f32 v22, v7;
	[tilespmem:v51+s16+$0x0] =	vst.idx.add.f32.msk $0xffff, v9  }
0x1c4: {  	v58 =	vmul.f32 v16, v7;
	v59 =	vadd.s32 $0x2710, v4;
	[tilespmem:v8+s16+$0x0] =	vst.idx.add.f32.msk $0xffff, v55  }
0x1c5: {  	v7 =	vmul.f32 v36, v7;
	v8 =	vadd.s32 $0x4E20, v4;
	[tilespmem:v17+s16+$0x0] =	vst.idx.add.f32.msk $0xffff, v57  }
0x1c6: {  	v61 =	vadd.s32 $0x7530, v4;
	v60 =	vmul.f32 v30, v3;
	[tilespmem:v54+s16+$0x0] =	vst.idx.add.f32.msk $0xffff, v58  }
0x1c7: {  	v2 =	vand.u32 $0xFFFF, v2;
	v62 =	vmul.f32 v37, v3;
	[tilespmem:v56+s16+$0x0] =	vst.idx.add.f32.msk $0xffff, v7  }
0x1c8: {  	v7 =	vmul.f32 v40, v3;
	[tilespmem:v4+s16+$0x0] =	vst.idx.add.f32.msk $0xffff, v60  }
0x1c9: {  	v3 =	vmul.f32 v23, v3;
	[tilespmem:v59+s16+$0x0] =	vst.idx.add.f32.msk $0xffff, v62  }
0x1ca: {  	v18 =	vmul.f32 v20, v1;
	v63 =	vadd.s32 $0x2710, v2;
	v4 =	vmul.f32 v5, v1;
	[tilespmem:v8+s16+$0x0] =	vst.idx.add.f32.msk $0xffff, v7  }
0x1cb: {  	v5 =	vmul.f32 v6, v1;
	v7 =	vmul.f32 v21, v1;
	v1 =	vadd.s32 $0x4E20, v2;
	[tilespmem:v61+s16+$0x0] =	vst.idx.add.f32.msk $0xffff, v3  }
0x1cc: {  	[tilespmem:v2+s16+$0x0] =	vst.idx.add.f32.msk $0xffff, v4;
	v2 =	vadd.s32 $0x7530, v2;
	_ =	sdelay $0x2  }
0x1cd: {  	s19 =	simm.s32 $0x200;
	[tilespmem:v63+s16+$0x0] =	vst.idx.add.f32.msk $0xffff, v5  }
.LBB2_10:
0x1ce: {  	s20 =	sshra.s32 s19, $0x2;
	p0 =	sne.s32 s19, $0x6200;
	s19 =	sadd.s32 $0x200, s19;
	[tilespmem:v1+s16+$0x0] =	vst.idx.add.f32.msk $0xffff, v18  }
0x1cf: {  	[tilespmem:v2+s16+$0x0] =	vst.idx.add.f32.msk $0xffff, v7  }
0x1d0: {  	v5 =	vld [tilespmem:s20+$0x13930]  }
0x1d1: {  	v8 =	vld [tilespmem:s20+$0x13920]  }
0x1d2: {  	v3 =	vld [tilespmem:s20+$0x13950]  }
0x1d3: {  	v2 =	vld [tilespmem:s20+$0x13960]  }
0x1d4: {  	v4 =	vld [tilespmem:s20+$0x13940]  }
0x1d5: {  	v15 =	vld [tilespmem:s20+$0x13910]  }
0x1d6: {  	v19 =	vld [tilespmem:s20+$0x13900]  }
0x1d7: {  	v1 =	vld [tilespmem:s20+$0x13970]  }
0x1d8: {  	v18 =	vld [tilespmem:s20+$0x16B00];
	v6 =	vshrl.u32 v2, $0x10  }
0x1d9: {  	v7 =	vshrl.u32 v3, $0x10;
	v17 =	vld [tilespmem:s20+$0x16B40];
	v20 =	vshrl.u32 v4, $0x10  }
0x1da: {  	v22 =	vshrl.u32 v8, $0x10;
	v9 =	vadd.s32 $0x2710, v7;
	v11 =	vld [tilespmem:s20+$0x16B30];
	v21 =	vshrl.u32 v15, $0x10  }
0x1db: {  	v23 =	vadd.s32 $0x2710, v22;
	v24 =	vadd.s32 $0x4E20, v22;
	v10 =	vadd.s32 $0x2710, v20;
	v13 =	vld [tilespmem:s20+$0x16B20]  }
0x1dc: {  	v26 =	vshrl.u32 v5, $0x10;
	v27 =	vadd.s32 $0x7530, v22;
	v25 =	vld [tilespmem:s20+$0x16B50]  }
0x1dd: {  	v30 =	vadd.s32 $0x4E20, v26;
	v31 =	vadd.s32 $0x7530, v26;
	v29 =	vshrl.u32 v1, $0x10;
	v28 =	vld [tilespmem:s20+$0x16B70]  }
0x1de: {  	v33 =	vadd.s32 $0x7530, v6;
	v12 =	vadd.s32 $0x2710, v29;
	v32 =	vld [tilespmem:s20+$0x16B60]  }
0x1df: {  	v35 =	vadd.s32 $0x4E20, v7;
	v36 =	vadd.s32 $0x4E20, v6;
	v34 =	vadd.s32 $0x2710, v21;
	v9 =	vld.idx.msk [tilespmem:v9+s3+$0x0], $0xffff  }
0x1e0: {  	v14 =	vld.idx.msk [tilespmem:v10+s3+$0x0], $0xffff  }
0x1e1: {  	v37 =	vshrl.u32 v19, $0x10;
	v16 =	vld.idx.msk [tilespmem:v20+s3+$0x0], $0xffff  }
0x1e2: {  	v39 =	vadd.s32 $0x2710, v26;
	v38 =	vadd.s32 $0x7530, v37;
	v40 =	vld.idx.msk [tilespmem:v29+s3+$0x0], $0xffff  }
0x1e3: {  	v41 =	vld [tilespmem:s20+$0x16B10]  }
0x1e4: {  	v42 =	vadd.s32 $0x7530, v7;
	v43 =	vadd.s32 $0x7530, v29;
	v12 =	vld.idx.msk [tilespmem:v12+s3+$0x0], $0xffff  }
0x1e5: {  	v45 =	vadd.s32 $0x7530, v20;
	v44 =	vadd.s32 $0x4E20, v37;
	v10 =	vmul.f32 v9, v25;
	v46 =	vld.idx.msk [tilespmem:v6+s3+$0x0], $0xffff  }
0x1e6: {  	v49 =	vadd.s32 $0x2710, v6;
	v48 =	vadd.s32 $0x4E20, v21;
	v14 =	vmul.f32 v14, v17;
	v47 =	vld.idx.msk [tilespmem:v37+s3+$0x0], $0xffff  }
0x1e7: {  	v16 =	vmul.f32 v16, v17;
	v38 =	vld.idx.msk [tilespmem:v38+s3+$0x0], $0xffff  }
0x1e8: {  	v6 =	vmul.f32 v40, v28;
	v7 =	vld.idx.msk [tilespmem:v7+s3+$0x0], $0xffff  }
0x1e9: {  	v37 =	vadd.s32 $0x2710, v37;
	v40 =	vld.idx.msk [tilespmem:v43+s3+$0x0], $0xffff  }
0x1ea: {  	v9 =	vmul.f32 v12, v28;
	v43 =	vld.idx.msk [tilespmem:v21+s3+$0x0], $0xffff  }
0x1eb: {  	v12 =	vmul.f32 v46, v32;
	v45 =	vld.idx.msk [tilespmem:v45+s3+$0x0], $0xffff  }
0x1ec: {  	v21 =	vadd.s32 $0x7530, v21;
	v44 =	vld.idx.msk [tilespmem:v44+s3+$0x0], $0xffff  }
0x1ed: {  	v29 =	vadd.s32 $0x4E20, v29;
	v38 =	vmul.f32 v38, v18;
	v46 =	vld.idx.msk [tilespmem:v48+s3+$0x0], $0xffff  }
0x1ee: {  	v48 =	vmul.f32 v7, v25;
	v42 =	vld.idx.msk [tilespmem:v42+s3+$0x0], $0xffff  }
0x1ef: {  	v7 =	vmul.f32 v40, v28;
	v49 =	vld.idx.msk [tilespmem:v49+s3+$0x0], $0xffff  }
0x1f0: {  	v34 =	vld.idx.msk [tilespmem:v34+s3+$0x0], $0xffff  }
0x1f1: {  	v40 =	vmul.f32 v45, v17;
	v35 =	vld.idx.msk [tilespmem:v35+s3+$0x0], $0xffff  }
0x1f2: {  	v44 =	vmul.f32 v44, v18;
	v37 =	vld.idx.msk [tilespmem:v37+s3+$0x0], $0xffff  }
0x1f3: {  	v20 =	vadd.s32 $0x4E20, v20;
	v45 =	vmul.f32 v46, v41;
	v29 =	vld.idx.msk [tilespmem:v29+s3+$0x0], $0xffff  }
0x1f4: {  	v42 =	vmul.f32 v42, v25;
	v21 =	vld.idx.msk [tilespmem:v21+s3+$0x0], $0xffff  }
0x1f5: {  	v46 =	vmul.f32 v47, v18;
	v47 =	vmul.f32 v49, v32;
	v36 =	vld.idx.msk [tilespmem:v36+s3+$0x0], $0xffff  }
0x1f6: {  	v43 =	vmul.f32 v43, v41;
	v34 =	vmul.f32 v34, v41;
	v22 =	vld.idx.msk [tilespmem:v22+s3+$0x0], $0xffff  }
0x1f7: {  	v25 =	vmul.f32 v35, v25;
	v33 =	vld.idx.msk [tilespmem:v33+s3+$0x0], $0xffff  }
0x1f8: {  	v35 =	vmul.f32 v37, v18;
	v20 =	vld.idx.msk [tilespmem:v20+s3+$0x0], $0xffff  }
0x1f9: {  	v18 =	vmul.f32 v29, v28;
	v27 =	vld.idx.msk [tilespmem:v27+s3+$0x0], $0xffff  }
0x1fa: {  	v19 =	vand.u32 $0xFFFF, v19;
	v21 =	vmul.f32 v21, v41;
	v24 =	vld.idx.msk [tilespmem:v24+s3+$0x0], $0xffff  }
0x1fb: {  	v28 =	vadd.s32 $0x2710, v19;
	v29 =	vmul.f32 v36, v32;
	v26 =	vld.idx.msk [tilespmem:v26+s3+$0x0], $0xffff  }
0x1fc: {  	v37 =	vadd.s32 $0x4E20, v19;
	v22 =	vmul.f32 v22, v13;
	v36 =	vld.idx.msk [tilespmem:v39+s3+$0x0], $0xffff  }
0x1fd: {  	v39 =	vadd.s32 $0x7530, v19;
	v32 =	vmul.f32 v33, v32;
	v23 =	vld.idx.msk [tilespmem:v23+s3+$0x0], $0xffff  }
0x1fe: {  	v15 =	vand.u32 $0xFFFF, v15;
	v17 =	vmul.f32 v20, v17;
	v31 =	vld.idx.msk [tilespmem:v31+s3+$0x0], $0xffff  }
0x1ff: {  	v27 =	vmul.f32 v27, v13;
	v20 =	vld.idx.msk [tilespmem:v30+s3+$0x0], $0xffff;
	v30 =	vadd.s32 $0x2710, v15  }
0x200: {  	[tilespmem:v19+s16+$0x0] =	vst.idx.add.f32.msk $0xffff, v46;
	v19 =	vadd.s32 $0x4E20, v15  }
0x201: {  	v26 =	vmul.f32 v26, v11;
	[tilespmem:v28+s16+$0x0] =	vst.idx.add.f32.msk $0xffff, v35;
	v28 =	vadd.s32 $0x7530, v15  }
0x202: {  	v8 =	vand.u32 $0xFFFF, v8;
	v24 =	vmul.f32 v24, v13;
	[tilespmem:v37+s16+$0x0] =	vst.idx.add.f32.msk $0xffff, v44  }
0x203: {  	v33 =	vadd.s32 $0x2710, v8;
	v35 =	vmul.f32 v36, v11;
	[tilespmem:v39+s16+$0x0] =	vst.idx.add.f32.msk $0xffff, v38  }
0x204: {  	v13 =	vmul.f32 v23, v13;
	[tilespmem:v15+s16+$0x0] =	vst.idx.add.f32.msk $0xffff, v43;
	v15 =	vadd.s32 $0x4E20, v8  }
0x205: {  	v23 =	vadd.s32 $0x7530, v8;
	v20 =	vmul.f32 v20, v11;
	v11 =	vmul.f32 v31, v11;
	[tilespmem:v30+s16+$0x0] =	vst.idx.add.f32.msk $0xffff, v34  }
0x206: {  	v5 =	vand.u32 $0xFFFF, v5;
	[tilespmem:v19+s16+$0x0] =	vst.idx.add.f32.msk $0xffff, v45  }
0x207: {  	v19 =	vadd.s32 $0x2710, v5;
	[tilespmem:v28+s16+$0x0] =	vst.idx.add.f32.msk $0xffff, v21  }
0x208: {  	[tilespmem:v8+s16+$0x0] =	vst.idx.add.f32.msk $0xffff, v22;
	v8 =	vadd.s32 $0x4E20, v5  }
0x209: {  	[tilespmem:v33+s16+$0x0] =	vst.idx.add.f32.msk $0xffff, v13;
	v13 =	vadd.s32 $0x7530, v5  }
0x20a: {  	v4 =	vand.u32 $0xFFFF, v4;
	[tilespmem:v15+s16+$0x0] =	vst.idx.add.f32.msk $0xffff, v24  }
0x20b: {  	v15 =	vadd.s32 $0x2710, v4;
	[tilespmem:v23+s16+$0x0] =	vst.idx.add.f32.msk $0xffff, v27  }
0x20c: {  	[tilespmem:v5+s16+$0x0] =	vst.idx.add.f32.msk $0xffff, v26;
	v5 =	vadd.s32 $0x4E20, v4  }
0x20d: {  	[tilespmem:v19+s16+$0x0] =	vst.idx.add.f32.msk $0xffff, v35;
	v19 =	vadd.s32 $0x7530, v4  }
0x20e: {  	v3 =	vand.u32 $0xFFFF, v3;
	[tilespmem:v8+s16+$0x0] =	vst.idx.add.f32.msk $0xffff, v20  }
0x20f: {  	v8 =	vadd.s32 $0x2710, v3;
	[tilespmem:v13+s16+$0x0] =	vst.idx.add.f32.msk $0xffff, v11  }
0x210: {  	[tilespmem:v4+s16+$0x0] =	vst.idx.add.f32.msk $0xffff, v16;
	v4 =	vadd.s32 $0x4E20, v3  }
0x211: {  	v11 =	vadd.s32 $0x7530, v3;
	[tilespmem:v15+s16+$0x0] =	vst.idx.add.f32.msk $0xffff, v14  }
0x212: {  	v2 =	vand.u32 $0xFFFF, v2;
	[tilespmem:v5+s16+$0x0] =	vst.idx.add.f32.msk $0xffff, v17  }
0x213: {  	v5 =	vadd.s32 $0x2710, v2;
	[tilespmem:v19+s16+$0x0] =	vst.idx.add.f32.msk $0xffff, v40  }
0x214: {  	[tilespmem:v3+s16+$0x0] =	vst.idx.add.f32.msk $0xffff, v48;
	v3 =	vadd.s32 $0x4E20, v2  }
0x215: {  	[tilespmem:v8+s16+$0x0] =	vst.idx.add.f32.msk $0xffff, v10;
	v8 =	vadd.s32 $0x7530, v2  }
0x216: {  	v10 =	vand.u32 $0xFFFF, v1;
	[tilespmem:v4+s16+$0x0] =	vst.idx.add.f32.msk $0xffff, v25  }
0x217: {  	v4 =	vadd.s32 $0x2710, v10;
	[tilespmem:v11+s16+$0x0] =	vst.idx.add.f32.msk $0xffff, v42  }
0x218: {  	v1 =	vadd.s32 $0x4E20, v10;
	[tilespmem:v2+s16+$0x0] =	vst.idx.add.f32.msk $0xffff, v12  }
.Ltmp4:
0x219: {  	v2 =	vadd.s32 $0x7530, v10;
	[tilespmem:v5+s16+$0x0] =	vst.idx.add.f32.msk $0xffff, v47;
	(pc) =	sbr.rel @p0 .LBB2_10-.Ltmp4, $4  }
0x21a: {  	[tilespmem:v3+s16+$0x0] =	vst.idx.add.f32.msk $0xffff, v29  }
0x21b: {  	[tilespmem:v8+s16+$0x0] =	vst.idx.add.f32.msk $0xffff, v32  }
0x21c: {  	[tilespmem:v10+s16+$0x0] =	vst.idx.add.f32.msk $0xffff, v6  }
0x21d: {  	[tilespmem:v4+s16+$0x0] =	vst.idx.add.f32.msk $0xffff, v9  }
0x21e: {  	_ =	sdelay $0x3  }
0x21f: {  	[tilespmem:v1+s16+$0x0] =	vst.idx.add.f32.msk $0xffff, v18  }
0x220: {  	[tilespmem:v2+s16+$0x0] =	vst.idx.add.f32.msk $0xffff, v7  }
0x221: {  	_ =	swait.ge [sflag:s17], $0x1900  }
0x222: {  	[sflag:s17] =	ssyncset.done $0x0  }
0x223: {  	[sflag:s17] =	ssyncadd.s32 $0xFFFFE700  }
0x224: {  	_ =	swait.ge [sflag:s17], $0x1900  }
0x225: {  	[sflag:s17] =	ssyncset.done $0x0  }
0x226: {  	s19 =	simm.s32 $0x0;
	[sflag:s17] =	ssyncadd.s32 $0xFFFFE700  }
0x227: {  	v10 =	vld [tilespmem:s19+$0x15230]  }
0x228: {  	v11 =	vld [tilespmem:s19+$0x15220]  }
0x229: {  	v8 =	vld [tilespmem:s19+$0x15250]  }
0x22a: {  	v3 =	vld [tilespmem:s19+$0x15260]  }
0x22b: {  	v12 =	vld [tilespmem:s19+$0x15240]  }
0x22c: {  	v13 =	vld [tilespmem:s19+$0x15210]  }
0x22d: {  	v14 =	vld [tilespmem:s19+$0x15200]  }
0x22e: {  	v2 =	vld [tilespmem:s19+$0x15270]  }
0x22f: {  	v15 =	vld [tilespmem:s19+$0x18400]  }
0x230: {  	v9 =	vld [tilespmem:s19+$0x18440]  }
0x231: {  	v18 =	vld [tilespmem:s19+$0x18430]  }
0x232: {  	v19 =	vld [tilespmem:s19+$0x18420];
	v17 =	vshrl.u32 v12, $0x10  }
0x233: {  	v7 =	vld [tilespmem:s19+$0x18450];
	v23 =	vshrl.u32 v3, $0x10  }
0x234: {  	v1 =	vld [tilespmem:s19+$0x18470];
	v25 =	vshrl.u32 v14, $0x10  }
0x235: {  	v4 =	vld [tilespmem:s19+$0x18460];
	v16 =	vshrl.u32 v8, $0x10  }
0x236: {  	s20 =	simm.s32 $0x0;
	v28 =	vld [tilespmem:s19+$0x18410];
	v29 =	vshrl.u32 v13, $0x10  }
0x237: {  	v41 =	vshrl.u32 v11, $0x10;
	v26 =	vld.idx.msk [tilespmem:v17+s20+$0x0], $0xffff  }
0x238: {  	v44 =	vshrl.u32 v10, $0x10;
	v30 =	vld.idx.msk [tilespmem:v23+s20+$0x0], $0xffff  }
0x239: {  	v5 =	vadd.s32 $0x2710, v16;
	v32 =	vld.idx.msk [tilespmem:v25+s20+$0x0], $0xffff  }
0x23a: {  	v6 =	vadd.s32 $0x2710, v17;
	v35 =	vld.idx.msk [tilespmem:v16+s20+$0x0], $0xffff  }
0x23b: {  	v20 =	vshrl.u32 v2, $0x10;
	v38 =	vld.idx.msk [tilespmem:v29+s20+$0x0], $0xffff  }
0x23c: {  	v21 =	vadd.s32 $0x2710, v20;
	v27 =	vadd.s32 $0x7530, v25;
	v45 =	vld.idx.msk [tilespmem:v41+s20+$0x0], $0xffff  }
0x23d: {  	v46 =	vadd.s32 $0x2710, v44;
	v47 =	vadd.s32 $0x7530, v44;
	v48 =	vadd.s32 $0x4E20, v44;
	v44 =	vld.idx.msk [tilespmem:v44+s20+$0x0], $0xffff  }
0x23e: {  	v52 =	vadd.s32 $0x7530, v20;
	v22 =	vld.idx.msk [tilespmem:v5+s20+$0x0], $0xffff  }
0x23f: {  	v31 =	vadd.s32 $0x7530, v17;
	v24 =	vld.idx.msk [tilespmem:v6+s20+$0x0], $0xffff  }
0x240: {  	v33 =	vadd.s32 $0x4E20, v25;
	v5 =	vld.idx.msk [tilespmem:v20+s20+$0x0], $0xffff  }
0x241: {  	v34 =	vadd.s32 $0x4E20, v29;
	v6 =	vld.idx.msk [tilespmem:v21+s20+$0x0], $0xffff  }
0x242: {  	v36 =	vadd.s32 $0x7530, v16;
	v27 =	vld.idx.msk [tilespmem:v27+s20+$0x0], $0xffff  }
0x243: {  	v37 =	vadd.s32 $0x2710, v23;
	v21 =	vld.idx.msk [tilespmem:v52+s20+$0x0], $0xffff  }
0x244: {  	v39 =	vadd.s32 $0x2710, v29;
	v31 =	vld.idx.msk [tilespmem:v31+s20+$0x0], $0xffff  }
0x245: {  	v40 =	vadd.s32 $0x4E20, v23;
	v33 =	vld.idx.msk [tilespmem:v33+s20+$0x0], $0xffff  }
0x246: {  	v42 =	vadd.s32 $0x7530, v41;
	v34 =	vld.idx.msk [tilespmem:v34+s20+$0x0], $0xffff  }
0x247: {  	v43 =	vadd.s32 $0x4E20, v41;
	v36 =	vld.idx.msk [tilespmem:v36+s20+$0x0], $0xffff  }
0x248: {  	v37 =	vld.idx.msk [tilespmem:v37+s20+$0x0], $0xffff  }
0x249: {  	v39 =	vld.idx.msk [tilespmem:v39+s20+$0x0], $0xffff  }
0x24a: {  	v40 =	vld.idx.msk [tilespmem:v40+s20+$0x0], $0xffff  }
0x24b: {  	v16 =	vadd.s32 $0x4E20, v16;
	v42 =	vld.idx.msk [tilespmem:v42+s20+$0x0], $0xffff  }
0x24c: {  	v25 =	vadd.s32 $0x2710, v25;
	v43 =	vld.idx.msk [tilespmem:v43+s20+$0x0], $0xffff  }
0x24d: {  	v29 =	vadd.s32 $0x7530, v29;
	v46 =	vld.idx.msk [tilespmem:v46+s20+$0x0], $0xffff  }
0x24e: {  	v23 =	vadd.s32 $0x7530, v23;
	v47 =	vld.idx.msk [tilespmem:v47+s20+$0x0], $0xffff  }
0x24f: {  	v17 =	vadd.s32 $0x4E20, v17;
	v48 =	vld.idx.msk [tilespmem:v48+s20+$0x0], $0xffff  }
0x250: {  	v41 =	vadd.s32 $0x2710, v41;
	v16 =	vld.idx.msk [tilespmem:v16+s20+$0x0], $0xffff  }
0x251: {  	v20 =	vadd.s32 $0x4E20, v20;
	v25 =	vld.idx.msk [tilespmem:v25+s20+$0x0], $0xffff  }
0x252: {  	v14 =	vand.u32 $0xFFFF, v14;
	v29 =	vld.idx.msk [tilespmem:v29+s20+$0x0], $0xffff  }
0x253: {  	v49 =	vadd.s32 $0x2710, v14;
	v23 =	vld.idx.msk [tilespmem:v23+s20+$0x0], $0xffff  }
0x254: {  	v50 =	vadd.s32 $0x4E20, v14;
	v17 =	vld.idx.msk [tilespmem:v17+s20+$0x0], $0xffff  }
0x255: {  	v51 =	vadd.s32 $0x7530, v14;
	v41 =	vld.idx.msk [tilespmem:v41+s20+$0x0], $0xffff;
	v32 =	vmul.f32 v32, v15  }
0x256: {  	v13 =	vand.u32 $0xFFFF, v13;
	v20 =	vld.idx.msk [tilespmem:v20+s20+$0x0], $0xffff;
	v25 =	vmul.f32 v25, v15  }
0x257: {  	v54 =	vadd.s32 $0x2710, v13;
	v53 =	vmul.f32 v33, v15;
	[tilespmem:v14+s16+$0x0] =	vst.idx.add.f32.msk $0xffff, v32  }
0x258: {  	v55 =	vadd.s32 $0x4E20, v13;
	v15 =	vmul.f32 v27, v15;
	[tilespmem:v49+s16+$0x0] =	vst.idx.add.f32.msk $0xffff, v25  }
0x259: {  	v57 =	vadd.s32 $0x7530, v13;
	v56 =	vmul.f32 v38, v28;
	[tilespmem:v50+s16+$0x0] =	vst.idx.add.f32.msk $0xffff, v53  }
0x25a: {  	v11 =	vand.u32 $0xFFFF, v11;
	v58 =	vmul.f32 v39, v28;
	[tilespmem:v51+s16+$0x0] =	vst.idx.add.f32.msk $0xffff, v15  }
0x25b: {  	v60 =	vadd.s32 $0x2710, v11;
	v59 =	vmul.f32 v34, v28;
	[tilespmem:v13+s16+$0x0] =	vst.idx.add.f32.msk $0xffff, v56  }
0x25c: {  	v62 =	vadd.s32 $0x4E20, v11;
	v61 =	vmul.f32 v29, v28;
	[tilespmem:v54+s16+$0x0] =	vst.idx.add.f32.msk $0xffff, v58  }
0x25d: {  	v63 =	vmul.f32 v45, v19;
	v32 =	vadd.s32 $0x7530, v11;
	[tilespmem:v55+s16+$0x0] =	vst.idx.add.f32.msk $0xffff, v59  }
0x25e: {  	v10 =	vand.u32 $0xFFFF, v10;
	v33 =	vmul.f32 v41, v19;
	[tilespmem:v57+s16+$0x0] =	vst.idx.add.f32.msk $0xffff, v61  }
0x25f: {  	v38 =	vmul.f32 v43, v19;
	v39 =	vadd.s32 $0x2710, v10;
	[tilespmem:v11+s16+$0x0] =	vst.idx.add.f32.msk $0xffff, v63  }
0x260: {  	v41 =	vmul.f32 v42, v19;
	v19 =	vadd.s32 $0x4E20, v10;
	[tilespmem:v60+s16+$0x0] =	vst.idx.add.f32.msk $0xffff, v33  }
0x261: {  	v43 =	vadd.s32 $0x7530, v10;
	v42 =	vmul.f32 v44, v18;
	[tilespmem:v62+s16+$0x0] =	vst.idx.add.f32.msk $0xffff, v38  }
0x262: {  	v12 =	vand.u32 $0xFFFF, v12;
	v44 =	vmul.f32 v46, v18;
	[tilespmem:v32+s16+$0x0] =	vst.idx.add.f32.msk $0xffff, v41  }
0x263: {  	v45 =	vmul.f32 v48, v18;
	v46 =	vadd.s32 $0x2710, v12;
	[tilespmem:v10+s16+$0x0] =	vst.idx.add.f32.msk $0xffff, v42  }
0x264: {  	v48 =	vmul.f32 v47, v18;
	v49 =	vadd.s32 $0x4E20, v12;
	[tilespmem:v39+s16+$0x0] =	vst.idx.add.f32.msk $0xffff, v44  }
0x265: {  	v50 =	vmul.f32 v26, v9;
	v51 =	vadd.s32 $0x7530, v12;
	[tilespmem:v19+s16+$0x0] =	vst.idx.add.f32.msk $0xffff, v45  }
0x266: {  	v8 =	vand.u32 $0xFFFF, v8;
	v52 =	vmul.f32 v24, v9;
	[tilespmem:v43+s16+$0x0] =	vst.idx.add.f32.msk $0xffff, v48  }
0x267: {  	v53 =	vmul.f32 v17, v9;
	v17 =	vadd.s32 $0x2710, v8;
	[tilespmem:v12+s16+$0x0] =	vst.idx.add.f32.msk $0xffff, v50  }
0x268: {  	v9 =	vmul.f32 v31, v9;
	v54 =	vadd.s32 $0x4E20, v8;
	[tilespmem:v46+s16+$0x0] =	vst.idx.add.f32.msk $0xffff, v52  }
0x269: {  	v56 =	vadd.s32 $0x7530, v8;
	v55 =	vmul.f32 v35, v7;
	[tilespmem:v49+s16+$0x0] =	vst.idx.add.f32.msk $0xffff, v53  }
0x26a: {  	v3 =	vand.u32 $0xFFFF, v3;
	v57 =	vmul.f32 v22, v7;
	[tilespmem:v51+s16+$0x0] =	vst.idx.add.f32.msk $0xffff, v9  }
0x26b: {  	v58 =	vmul.f32 v16, v7;
	v59 =	vadd.s32 $0x2710, v3;
	[tilespmem:v8+s16+$0x0] =	vst.idx.add.f32.msk $0xffff, v55  }
0x26c: {  	v7 =	vmul.f32 v36, v7;
	v8 =	vadd.s32 $0x4E20, v3;
	[tilespmem:v17+s16+$0x0] =	vst.idx.add.f32.msk $0xffff, v57  }
0x26d: {  	v61 =	vadd.s32 $0x7530, v3;
	v60 =	vmul.f32 v30, v4;
	[tilespmem:v54+s16+$0x0] =	vst.idx.add.f32.msk $0xffff, v58  }
0x26e: {  	v2 =	vand.u32 $0xFFFF, v2;
	v62 =	vmul.f32 v37, v4;
	[tilespmem:v56+s16+$0x0] =	vst.idx.add.f32.msk $0xffff, v7  }
0x26f: {  	v7 =	vmul.f32 v40, v4;
	[tilespmem:v3+s16+$0x0] =	vst.idx.add.f32.msk $0xffff, v60  }
0x270: {  	v3 =	vmul.f32 v23, v4;
	[tilespmem:v59+s16+$0x0] =	vst.idx.add.f32.msk $0xffff, v62  }
0x271: {  	v18 =	vmul.f32 v20, v1;
	v63 =	vadd.s32 $0x2710, v2;
	v4 =	vmul.f32 v5, v1;
	[tilespmem:v8+s16+$0x0] =	vst.idx.add.f32.msk $0xffff, v7  }
0x272: {  	v5 =	vmul.f32 v6, v1;
	v7 =	vmul.f32 v21, v1;
	v1 =	vadd.s32 $0x4E20, v2;
	[tilespmem:v61+s16+$0x0] =	vst.idx.add.f32.msk $0xffff, v3  }
0x273: {  	[tilespmem:v2+s16+$0x0] =	vst.idx.add.f32.msk $0xffff, v4;
	v2 =	vadd.s32 $0x7530, v2;
	_ =	sdelay $0x2  }
0x274: {  	s21 =	simm.s32 $0x200;
	[tilespmem:v63+s16+$0x0] =	vst.idx.add.f32.msk $0xffff, v5  }
.LBB2_12:
0x275: {  	s22 =	sshra.s32 s21, $0x2;
	p0 =	sne.s32 s21, $0x6200;
	s21 =	sadd.s32 $0x200, s21;
	[tilespmem:v1+s16+$0x0] =	vst.idx.add.f32.msk $0xffff, v18  }
0x276: {  	[tilespmem:v2+s16+$0x0] =	vst.idx.add.f32.msk $0xffff, v7  }
0x277: {  	v5 =	vld [tilespmem:s22+$0x15230]  }
0x278: {  	v8 =	vld [tilespmem:s22+$0x15220]  }
0x279: {  	v3 =	vld [tilespmem:s22+$0x15250]  }
0x27a: {  	v2 =	vld [tilespmem:s22+$0x15260]  }
0x27b: {  	v4 =	vld [tilespmem:s22+$0x15240]  }
0x27c: {  	v15 =	vld [tilespmem:s22+$0x15210]  }
0x27d: {  	v19 =	vld [tilespmem:s22+$0x15200]  }
0x27e: {  	v1 =	vld [tilespmem:s22+$0x15270]  }
0x27f: {  	v18 =	vld [tilespmem:s22+$0x18400];
	v6 =	vshrl.u32 v2, $0x10  }
0x280: {  	v7 =	vshrl.u32 v3, $0x10;
	v17 =	vld [tilespmem:s22+$0x18440];
	v20 =	vshrl.u32 v4, $0x10  }
0x281: {  	v22 =	vshrl.u32 v8, $0x10;
	v9 =	vadd.s32 $0x2710, v7;
	v11 =	vld [tilespmem:s22+$0x18430];
	v21 =	vshrl.u32 v15, $0x10  }
0x282: {  	v23 =	vadd.s32 $0x2710, v22;
	v24 =	vadd.s32 $0x4E20, v22;
	v10 =	vadd.s32 $0x2710, v20;
	v13 =	vld [tilespmem:s22+$0x18420]  }
0x283: {  	v26 =	vshrl.u32 v5, $0x10;
	v27 =	vadd.s32 $0x7530, v22;
	v25 =	vld [tilespmem:s22+$0x18450]  }
0x284: {  	v30 =	vadd.s32 $0x4E20, v26;
	v31 =	vadd.s32 $0x7530, v26;
	v29 =	vshrl.u32 v1, $0x10;
	v28 =	vld [tilespmem:s22+$0x18470]  }
0x285: {  	v33 =	vadd.s32 $0x7530, v6;
	v12 =	vadd.s32 $0x2710, v29;
	v32 =	vld [tilespmem:s22+$0x18460]  }
0x286: {  	v35 =	vadd.s32 $0x4E20, v7;
	v36 =	vadd.s32 $0x4E20, v6;
	v34 =	vadd.s32 $0x2710, v21;
	v9 =	vld.idx.msk [tilespmem:v9+s20+$0x0], $0xffff  }
0x287: {  	v14 =	vld.idx.msk [tilespmem:v10+s20+$0x0], $0xffff  }
0x288: {  	v37 =	vshrl.u32 v19, $0x10;
	v16 =	vld.idx.msk [tilespmem:v20+s20+$0x0], $0xffff  }
0x289: {  	v39 =	vadd.s32 $0x2710, v26;
	v38 =	vadd.s32 $0x7530, v37;
	v40 =	vld.idx.msk [tilespmem:v29+s20+$0x0], $0xffff  }
0x28a: {  	v41 =	vld [tilespmem:s22+$0x18410]  }
0x28b: {  	v42 =	vadd.s32 $0x7530, v7;
	v43 =	vadd.s32 $0x7530, v29;
	v12 =	vld.idx.msk [tilespmem:v12+s20+$0x0], $0xffff  }
0x28c: {  	v45 =	vadd.s32 $0x7530, v20;
	v44 =	vadd.s32 $0x4E20, v37;
	v10 =	vmul.f32 v9, v25;
	v46 =	vld.idx.msk [tilespmem:v6+s20+$0x0], $0xffff  }
0x28d: {  	v49 =	vadd.s32 $0x2710, v6;
	v48 =	vadd.s32 $0x4E20, v21;
	v14 =	vmul.f32 v14, v17;
	v47 =	vld.idx.msk [tilespmem:v37+s20+$0x0], $0xffff  }
0x28e: {  	v16 =	vmul.f32 v16, v17;
	v38 =	vld.idx.msk [tilespmem:v38+s20+$0x0], $0xffff  }
0x28f: {  	v6 =	vmul.f32 v40, v28;
	v7 =	vld.idx.msk [tilespmem:v7+s20+$0x0], $0xffff  }
0x290: {  	v37 =	vadd.s32 $0x2710, v37;
	v40 =	vld.idx.msk [tilespmem:v43+s20+$0x0], $0xffff  }
0x291: {  	v9 =	vmul.f32 v12, v28;
	v43 =	vld.idx.msk [tilespmem:v21+s20+$0x0], $0xffff  }
0x292: {  	v12 =	vmul.f32 v46, v32;
	v45 =	vld.idx.msk [tilespmem:v45+s20+$0x0], $0xffff  }
0x293: {  	v21 =	vadd.s32 $0x7530, v21;
	v44 =	vld.idx.msk [tilespmem:v44+s20+$0x0], $0xffff  }
0x294: {  	v29 =	vadd.s32 $0x4E20, v29;
	v38 =	vmul.f32 v38, v18;
	v46 =	vld.idx.msk [tilespmem:v48+s20+$0x0], $0xffff  }
0x295: {  	v48 =	vmul.f32 v7, v25;
	v42 =	vld.idx.msk [tilespmem:v42+s20+$0x0], $0xffff  }
0x296: {  	v7 =	vmul.f32 v40, v28;
	v49 =	vld.idx.msk [tilespmem:v49+s20+$0x0], $0xffff  }
0x297: {  	v34 =	vld.idx.msk [tilespmem:v34+s20+$0x0], $0xffff  }
0x298: {  	v40 =	vmul.f32 v45, v17;
	v35 =	vld.idx.msk [tilespmem:v35+s20+$0x0], $0xffff  }
0x299: {  	v44 =	vmul.f32 v44, v18;
	v37 =	vld.idx.msk [tilespmem:v37+s20+$0x0], $0xffff  }
0x29a: {  	v20 =	vadd.s32 $0x4E20, v20;
	v45 =	vmul.f32 v46, v41;
	v29 =	vld.idx.msk [tilespmem:v29+s20+$0x0], $0xffff  }
0x29b: {  	v42 =	vmul.f32 v42, v25;
	v21 =	vld.idx.msk [tilespmem:v21+s20+$0x0], $0xffff  }
0x29c: {  	v46 =	vmul.f32 v47, v18;
	v47 =	vmul.f32 v49, v32;
	v36 =	vld.idx.msk [tilespmem:v36+s20+$0x0], $0xffff  }
0x29d: {  	v43 =	vmul.f32 v43, v41;
	v34 =	vmul.f32 v34, v41;
	v22 =	vld.idx.msk [tilespmem:v22+s20+$0x0], $0xffff  }
0x29e: {  	v25 =	vmul.f32 v35, v25;
	v33 =	vld.idx.msk [tilespmem:v33+s20+$0x0], $0xffff  }
0x29f: {  	v35 =	vmul.f32 v37, v18;
	v20 =	vld.idx.msk [tilespmem:v20+s20+$0x0], $0xffff  }
0x2a0: {  	v18 =	vmul.f32 v29, v28;
	v27 =	vld.idx.msk [tilespmem:v27+s20+$0x0], $0xffff  }
0x2a1: {  	v19 =	vand.u32 $0xFFFF, v19;
	v21 =	vmul.f32 v21, v41;
	v24 =	vld.idx.msk [tilespmem:v24+s20+$0x0], $0xffff  }
0x2a2: {  	v28 =	vadd.s32 $0x2710, v19;
	v29 =	vmul.f32 v36, v32;
	v26 =	vld.idx.msk [tilespmem:v26+s20+$0x0], $0xffff  }
0x2a3: {  	v37 =	vadd.s32 $0x4E20, v19;
	v22 =	vmul.f32 v22, v13;
	v36 =	vld.idx.msk [tilespmem:v39+s20+$0x0], $0xffff  }
0x2a4: {  	v39 =	vadd.s32 $0x7530, v19;
	v32 =	vmul.f32 v33, v32;
	v23 =	vld.idx.msk [tilespmem:v23+s20+$0x0], $0xffff  }
0x2a5: {  	v15 =	vand.u32 $0xFFFF, v15;
	v17 =	vmul.f32 v20, v17;
	v31 =	vld.idx.msk [tilespmem:v31+s20+$0x0], $0xffff  }
0x2a6: {  	v27 =	vmul.f32 v27, v13;
	v20 =	vld.idx.msk [tilespmem:v30+s20+$0x0], $0xffff;
	v30 =	vadd.s32 $0x2710, v15  }
0x2a7: {  	[tilespmem:v19+s16+$0x0] =	vst.idx.add.f32.msk $0xffff, v46;
	v19 =	vadd.s32 $0x4E20, v15  }
0x2a8: {  	v26 =	vmul.f32 v26, v11;
	[tilespmem:v28+s16+$0x0] =	vst.idx.add.f32.msk $0xffff, v35;
	v28 =	vadd.s32 $0x7530, v15  }
0x2a9: {  	v8 =	vand.u32 $0xFFFF, v8;
	v24 =	vmul.f32 v24, v13;
	[tilespmem:v37+s16+$0x0] =	vst.idx.add.f32.msk $0xffff, v44  }
0x2aa: {  	v33 =	vadd.s32 $0x2710, v8;
	v35 =	vmul.f32 v36, v11;
	[tilespmem:v39+s16+$0x0] =	vst.idx.add.f32.msk $0xffff, v38  }
0x2ab: {  	v13 =	vmul.f32 v23, v13;
	[tilespmem:v15+s16+$0x0] =	vst.idx.add.f32.msk $0xffff, v43;
	v15 =	vadd.s32 $0x4E20, v8  }
0x2ac: {  	v23 =	vadd.s32 $0x7530, v8;
	v20 =	vmul.f32 v20, v11;
	v11 =	vmul.f32 v31, v11;
	[tilespmem:v30+s16+$0x0] =	vst.idx.add.f32.msk $0xffff, v34  }
0x2ad: {  	v5 =	vand.u32 $0xFFFF, v5;
	[tilespmem:v19+s16+$0x0] =	vst.idx.add.f32.msk $0xffff, v45  }
0x2ae: {  	v19 =	vadd.s32 $0x2710, v5;
	[tilespmem:v28+s16+$0x0] =	vst.idx.add.f32.msk $0xffff, v21  }
0x2af: {  	[tilespmem:v8+s16+$0x0] =	vst.idx.add.f32.msk $0xffff, v22;
	v8 =	vadd.s32 $0x4E20, v5  }
0x2b0: {  	[tilespmem:v33+s16+$0x0] =	vst.idx.add.f32.msk $0xffff, v13;
	v13 =	vadd.s32 $0x7530, v5  }
0x2b1: {  	v4 =	vand.u32 $0xFFFF, v4;
	[tilespmem:v15+s16+$0x0] =	vst.idx.add.f32.msk $0xffff, v24  }
0x2b2: {  	v15 =	vadd.s32 $0x2710, v4;
	[tilespmem:v23+s16+$0x0] =	vst.idx.add.f32.msk $0xffff, v27  }
0x2b3: {  	[tilespmem:v5+s16+$0x0] =	vst.idx.add.f32.msk $0xffff, v26;
	v5 =	vadd.s32 $0x4E20, v4  }
0x2b4: {  	[tilespmem:v19+s16+$0x0] =	vst.idx.add.f32.msk $0xffff, v35;
	v19 =	vadd.s32 $0x7530, v4  }
0x2b5: {  	v3 =	vand.u32 $0xFFFF, v3;
	[tilespmem:v8+s16+$0x0] =	vst.idx.add.f32.msk $0xffff, v20  }
0x2b6: {  	v8 =	vadd.s32 $0x2710, v3;
	[tilespmem:v13+s16+$0x0] =	vst.idx.add.f32.msk $0xffff, v11  }
0x2b7: {  	[tilespmem:v4+s16+$0x0] =	vst.idx.add.f32.msk $0xffff, v16;
	v4 =	vadd.s32 $0x4E20, v3  }
0x2b8: {  	v11 =	vadd.s32 $0x7530, v3;
	[tilespmem:v15+s16+$0x0] =	vst.idx.add.f32.msk $0xffff, v14  }
0x2b9: {  	v2 =	vand.u32 $0xFFFF, v2;
	[tilespmem:v5+s16+$0x0] =	vst.idx.add.f32.msk $0xffff, v17  }
0x2ba: {  	v5 =	vadd.s32 $0x2710, v2;
	[tilespmem:v19+s16+$0x0] =	vst.idx.add.f32.msk $0xffff, v40  }
0x2bb: {  	[tilespmem:v3+s16+$0x0] =	vst.idx.add.f32.msk $0xffff, v48;
	v3 =	vadd.s32 $0x4E20, v2  }
0x2bc: {  	[tilespmem:v8+s16+$0x0] =	vst.idx.add.f32.msk $0xffff, v10;
	v8 =	vadd.s32 $0x7530, v2  }
0x2bd: {  	v10 =	vand.u32 $0xFFFF, v1;
	[tilespmem:v4+s16+$0x0] =	vst.idx.add.f32.msk $0xffff, v25  }
0x2be: {  	v4 =	vadd.s32 $0x2710, v10;
	[tilespmem:v11+s16+$0x0] =	vst.idx.add.f32.msk $0xffff, v42  }
0x2bf: {  	v1 =	vadd.s32 $0x4E20, v10;
	[tilespmem:v2+s16+$0x0] =	vst.idx.add.f32.msk $0xffff, v12  }
.Ltmp5:
0x2c0: {  	v2 =	vadd.s32 $0x7530, v10;
	[tilespmem:v5+s16+$0x0] =	vst.idx.add.f32.msk $0xffff, v47;
	(pc) =	sbr.rel @p0 .LBB2_12-.Ltmp5, $4  }
0x2c1: {  	[tilespmem:v3+s16+$0x0] =	vst.idx.add.f32.msk $0xffff, v29  }
0x2c2: {  	[tilespmem:v8+s16+$0x0] =	vst.idx.add.f32.msk $0xffff, v32  }
0x2c3: {  	[tilespmem:v10+s16+$0x0] =	vst.idx.add.f32.msk $0xffff, v6  }
0x2c4: {  	[tilespmem:v4+s16+$0x0] =	vst.idx.add.f32.msk $0xffff, v9  }
0x2c5: {  	_ =	sdelay $0x3  }
0x2c6: {  	[tilespmem:v1+s16+$0x0] =	vst.idx.add.f32.msk $0xffff, v18  }
0x2c7: {  	[tilespmem:v2+s16+$0x0] =	vst.idx.add.f32.msk $0xffff, v7  }
0x2c8: {  	v3 =	vld [tilespmem:s19+$0x9C80]  }
0x2c9: {  	v2 =	vld [tilespmem:s19+$0x9C90]  }
0x2ca: {  	s20 =	simm.s32 $0x100;
	v1 =	vld [tilespmem:s19+$0x9CA0]  }
.LBB2_14:
0x2cb: {  	p0 =	sne.s32 s20, $0x27000;
	v4 =	vld [tilespmem:s19+$0x9CB0];
	_ =	sdelay $0x1  }
.Ltmp6:
0x2cc: {  	v3 =	vmax.f32 v3, $0.0e+00;
	(pc) =	sbr.rel @p0 .LBB2_14-.Ltmp6, $4  }
0x2cd: {  	s21 =	sshra.s32 s20, $0x2;
	[tilespmem:s19+$0x9C80] =	vst v3;
	v2 =	vmax.f32 v2, $0.0e+00  }
0x2ce: {  	v3 =	vld [tilespmem:s21+$0x9C80];
	[tilespmem:s19+$0x9C90] =	vst v2;
	v1 =	vmax.f32 v1, $0.0e+00  }
0x2cf: {  	v2 =	vld [tilespmem:s21+$0x9C90];
	[tilespmem:s19+$0x9CA0] =	vst v1;
	v4 =	vmax.f32 v4, $0.0e+00  }
0x2d0: {  	s20 =	sadd.s32 $0x100, s20;
	v1 =	vld [tilespmem:s21+$0x9CA0];
	[tilespmem:s19+$0x9CB0] =	vst v4;
	s19 =	smov.u32 s21  }
0x2d1: {  	v4 =	vld [tilespmem:s19+$0x9CB0];
	_ =	sdelay $0x1  }
0x2d2: {  	v3 =	vmax.f32 v3, $0.0e+00  }
0x2d3: {  	[tilespmem:s19+$0x9C80] =	vst v3;
	v2 =	vmax.f32 v2, $0.0e+00  }
0x2d4: {  	s18 =	sadd.s32 $0x1, s18;
	[tilespmem:s19+$0x9C90] =	vst v2;
	v1 =	vmax.f32 v1, $0.0e+00  }
0x2d5: {  	p0 =	sne.s32 s18, s9;
	[tilespmem:s19+$0x9CA0] =	vst v1;
	v1 =	vmax.f32 v4, $0.0e+00  }
.Ltmp7:
0x2d6: {  	[tilespmem:s19+$0x9CB0] =	vst v1;
	(pc) =	sbr.rel @p0 .LBB2_1-.Ltmp7, $4  }
0x2d7: {  	[hbm4b:s8+s3] =	stream.linear.scatter [tilespmem:s16], [sflag:$0x3], $0x9C40, $0x38;
	[tilespmem:$0x19D00] =	vst v63  }
0x2d8: {  	_ =	swait.ge [sflag:s14], $0x9C40  }
0x2d9: {  	[sflag:s14] =	ssyncset.done $0x0  }
0x2da: {  	[sflag:s14] =	ssyncadd.s32 $0xFFFF63C0  }
0x2db: {  	_ =	sfence.sel $0x180000  }
0x2dc: {  	[bflag:$0x0] =	sbarrier.arrive $0xFFFF  }
0x2dd: {  	p0 =	sne.s32 s0, $0x0;
	_ =	strace $0x90000047  }
0x2de: {  	s0 =	sadd.s32 @!p0 $0x100000, s1;
	[bflag:$0x2] =	sbarrier.arrive $0xFFFF  }
0x2df: {  	[sflag:s0] =	ssyncadd.tile.s32 @!p0 $0x1;
	_ =	shalt  }
.Lfunc_end2:
_tile_overlayer_lowered:
.L_overlay_start_2:
0x2e0: {  	(tag) =	ssettag $0x2  }
0x2e1: {  	s0 =	rddreg [dreg:$0x0];
	s2 =	stileid.u32  }
0x2e2: {  	s1 =	rddreg [dreg:$0x1];
	p0 =	sne.s32 s2, $0x0  }
0x2e3: {  	s3 =	rddreg [dreg:$0x2];
	[bflag:$0x3] =	sbarrier.arrive $0xFFFF;
	s2 =	simm.s32 @!p0 $0x1C03  }
0x2e4: {  	[timem:s3], [sflag:s2] =	dma.local @!p0 [hbm:s0], s1  }
0x2e5: {  	s0 =	simm.s32 @!p0 $0x3  }
0x2e6: {  	_ =	swait.ge @!p0 [sflag:s0], s1  }
0x2e7: {  	s1 =	ssub.s32 @!p0 $0x0, s1;
	[sflag:s0] =	ssyncset.done @!p0 $0x0  }
0x2e8: {  	[sflag:s0] =	ssyncadd.s32 @!p0 s1  }
0x2e9: {  	[bflag:$0x3] =	sbarrier.arrive $0xFFFF  }
0x2ea: {  	_ =	shalt  }

</sc_bundles>
